<compile_context>
chip_gen: v7x
topology: tpu7x:2x2x1
jax: 0.10.2.dev20260603
libtpu: 0.0.44.dev20260713+nightly
codegen_flags: <defaults>
</compile_context>

<pallas_src>
import jax
import jax.numpy as jnp
from jax import lax
from jax.experimental import pallas as pl
from jax.experimental.pallas import tpu as pltpu
from jax.experimental.pallas import tpu_sc as plsc

NUM_CODEBOOKS = 6
VOCAB = 1000
EMB_DIM = 1024
BATCH = 8
TIME = 1024
TOTAL_ROWS = BATCH * TIME * NUM_CODEBOOKS
TABLE_ROWS = NUM_CODEBOOKS * VOCAB

_NC, _NS, _LANES = 2, 16, 16
_NW = _NC * _NS
_ROWS_PER_W = TOTAL_ROWS // _NW
_CHUNK = 16
_NCHUNK = _ROWS_PER_W // _CHUNK
_NBUF = 6
_AHEAD = 4


def _prep_body(tab_ref, pe_ref, out_ref):
    out_ref[...] = tab_ref[...] + pe_ref[pl.ds(pl.program_id(0), 1), :]


def _make_table_pe(table, pe6):
    blk = VOCAB
    return pl.pallas_call(
        _prep_body,
        grid=(TABLE_ROWS // blk,),
        in_specs=[
            pl.BlockSpec((blk, EMB_DIM), lambda i: (i, 0)),
            pl.BlockSpec((NUM_CODEBOOKS, EMB_DIM), lambda i: (0, 0)),
        ],
        out_specs=pl.BlockSpec((blk, EMB_DIM), lambda i: (i, 0)),
        out_shape=jax.ShapeDtypeStruct((TABLE_ROWS, EMB_DIM), jnp.float32),
    )(table, pe6)


def _sc_pipeline(tok_hbm, tpe_hbm, out_hbm, tok_v, idx_v, bufs, gsems, ssems):
    wid = lax.axis_index("s") * _NC + lax.axis_index("c")
    base = wid * _ROWS_PER_W
    l0 = (wid % 4) * _ROWS_PER_W
    pltpu.sync_copy(tok_hbm.at[pl.ds(pl.multiple_of(base, 8), _ROWS_PER_W)], tok_v)
    for j in range(_ROWS_PER_W // _LANES):
        sl = pl.ds(_LANES * j, _LANES)
        l = lax.iota(jnp.int32, _LANES) + (l0 + _LANES * j)
        idx_v[sl] = tok_v[sl] + lax.shift_right_logical(l, 10) * VOCAB

    def fire_gather(g, rows_v, sem):
        pltpu.async_copy(tpe_hbm.at[idx_v.at[pl.ds(g * _CHUNK, _CHUNK)]], rows_v, sem)

    def wait_gather(g, rows_v, sem):
        pltpu.make_async_copy(
            tpe_hbm.at[idx_v.at[pl.ds(g * _CHUNK, _CHUNK)]], rows_v, sem
        ).wait()

    def out_slice(g):
        return out_hbm.at[pl.ds(pl.multiple_of(base + g * _CHUNK, 8), _CHUNK)]

    def fire_store(g, rows_v, sem):
        pltpu.async_copy(rows_v, out_slice(g), sem)

    def wait_store(g, rows_v, sem):
        pltpu.make_async_copy(rows_v, out_slice(g), sem).wait()

    for a in range(_AHEAD):
        fire_gather(a, bufs[a], gsems[a])

    def ring_body(h, carry):
        for k in range(_NBUF):
            g = _NBUF * h + k
            b2 = (k + _AHEAD) % _NBUF
            wait_gather(g, bufs[k], gsems[k])
            fire_store(g, bufs[k], ssems[k])
            gp = g + _AHEAD - _NBUF

            @pl.when(gp >= 0)
            def _():
                wait_store(gp, bufs[b2], ssems[b2])

            @pl.when(g + _AHEAD < _NCHUNK)
            def _():
                fire_gather(g + _AHEAD, bufs[b2], gsems[b2])

        return carry

    lax.fori_loop(0, _NCHUNK // _NBUF, ring_body, 0)
    for q in range(_NCHUNK + _AHEAD - _NBUF, _NCHUNK):
        wait_store(q, bufs[q % _NBUF], ssems[q % _NBUF])


def _sc_body(tok_hbm, tpe_hbm, out_hbm, tok_v, idx_v,
             rows0, rows1, rows2, rows3, rows4, rows5,
             gsem0, gsem1, gsem2, gsem3, gsem4, gsem5,
             ssem0, ssem1, ssem2, ssem3, ssem4, ssem5):
    _sc_pipeline(
        tok_hbm, tpe_hbm, out_hbm, tok_v, idx_v,
        [rows0, rows1, rows2, rows3, rows4, rows5],
        [gsem0, gsem1, gsem2, gsem3, gsem4, gsem5],
        [ssem0, ssem1, ssem2, ssem3, ssem4, ssem5],
    )


def _sc_gather(tok_flat, table_pe):
    mesh = plsc.VectorSubcoreMesh(core_axis_name="c", subcore_axis_name="s")
    return pl.kernel(
        _sc_body,
        out_type=jax.ShapeDtypeStruct((TOTAL_ROWS, EMB_DIM), jnp.float32),
        mesh=mesh,
        scratch_types=[
            pltpu.VMEM((_ROWS_PER_W,), jnp.int32),
            pltpu.VMEM((_ROWS_PER_W,), jnp.int32),
        ]
        + [pltpu.VMEM((_CHUNK, EMB_DIM), jnp.float32)] * _NBUF
        + [pltpu.SemaphoreType.DMA] * (2 * _NBUF),
    )(tok_flat, table_pe)


def kernel(in_tokens, table, pos_encoding):
    pe6 = pos_encoding.reshape(NUM_CODEBOOKS, EMB_DIM)
    table_pe = _make_table_pe(table, pe6)
    tok_flat = jnp.transpose(in_tokens, (0, 2, 1)).reshape(TOTAL_ROWS)
    out_flat = _sc_gather(tok_flat, table_pe)
    out_bct = out_flat.reshape(BATCH, NUM_CODEBOOKS, TIME, EMB_DIM)
    return jnp.transpose(out_bct, (0, 2, 1, 3))

# --- scband reference (transcript-rebuilt; emitter-appended) ---
"""Pipeline reference for scband-discrete-embedding-layer-88132728914405 (READ-ONLY COPY).

The authoritative reference and input builder live on the scoring server;
editing this copy changes nothing except your own understanding.
"""

import jax, jax.numpy as jnp
import numpy as np
import math

NUM_CODEBOOKS = 6
VOCAB_SIZE = 1000
EMB_DIM = 1024
PAD_INDEX = 0
BATCH = 8
TIME = 1024


def _make_pos_encoding():
    position = np.arange(NUM_CODEBOOKS).reshape(-1, 1).astype(np.float32)
    div_term = np.exp(np.arange(0, EMB_DIM, 2).astype(np.float32) * -(math.log(10000.0) / EMB_DIM))
    pe = np.zeros((1, 1, NUM_CODEBOOKS, EMB_DIM), dtype=np.float32)
    pe[0, 0, :, 0::2] = np.sin(position * div_term)
    pe[0, 0, :, 1::2] = np.cos(position * div_term)
    return jnp.asarray(pe * 0.1)


def setup_inputs(seed: int = 0) -> dict:
    key = jax.random.key(seed)
    k_tok, k_tab = jax.random.split(key)
    in_tokens = jax.random.randint(k_tok, (BATCH, TIME, NUM_CODEBOOKS), 0, VOCAB_SIZE, dtype=jnp.int32)
    total_vocab = NUM_CODEBOOKS * VOCAB_SIZE
    # xavier_uniform bound for [total_vocab, emb_dim]
    bound = math.sqrt(6.0 / (total_vocab + EMB_DIM))
    table = jax.random.uniform(k_tab, (total_vocab, EMB_DIM), dtype=jnp.float32, minval=-bound, maxval=bound)
    # padding_idx row is zeroed at init
    table = table.at[PAD_INDEX].set(0.0)
    pos_encoding = _make_pos_encoding()
    return {"in_tokens": in_tokens, "table": table, "pos_encoding": pos_encoding}


def reference(in_tokens, table, pos_encoding):
    # IEMOCAP offset technique: shift each codebook into its own vocab range
    offset = jnp.arange(0, NUM_CODEBOOKS * VOCAB_SIZE, VOCAB_SIZE, dtype=in_tokens.dtype)
    idx = in_tokens + offset[None, None, :]
    # embedding gather: [B, T, C] -> [B, T, C, D]
    emb = jnp.take(table, idx, axis=0)
    # add learned positional encoding over codebook positions
    emb = emb + pos_encoding
    return emb

if __name__ == "__main__":
    import jax
    _d = setup_inputs()
    print(jax.jit(kernel)(*tuple(_d.values())))

</pallas_src>

<mosaic_0001>
#map = affine_map<(d0, d1) -> (0)>
#map1 = affine_map<(d0, d1) -> (0, 0)>
module attributes {stable_mosaic.version = 14 : i64} {
  func.func @_sc_body(%arg0: i32, %arg1: i32, %arg2: memref<49152xi32, #tpu.memory_space<hbm>>, %arg3: memref<6000x1024xf32, #tpu.memory_space<hbm>>, %arg4: memref<49152x1024xf32, #tpu.memory_space<hbm>>, %arg5: memref<1536xi32, #tpu.memory_space<vmem>>, %arg6: memref<1536xi32, #tpu.memory_space<vmem>>, %arg7: memref<16x1024xf32, #tpu.memory_space<vmem>>, %arg8: memref<16x1024xf32, #tpu.memory_space<vmem>>, %arg9: memref<16x1024xf32, #tpu.memory_space<vmem>>, %arg10: memref<16x1024xf32, #tpu.memory_space<vmem>>, %arg11: memref<16x1024xf32, #tpu.memory_space<vmem>>, %arg12: memref<16x1024xf32, #tpu.memory_space<vmem>>, %arg13: memref<!tpu.dma_semaphore, #tpu.memory_space<semaphore_mem>>, %arg14: memref<!tpu.dma_semaphore, #tpu.memory_space<semaphore_mem>>, %arg15: memref<!tpu.dma_semaphore, #tpu.memory_space<semaphore_mem>>, %arg16: memref<!tpu.dma_semaphore, #tpu.memory_space<semaphore_mem>>, %arg17: memref<!tpu.dma_semaphore, #tpu.memory_space<semaphore_mem>>, %arg18: memref<!tpu.dma_semaphore, #tpu.memory_space<semaphore_mem>>, %arg19: memref<!tpu.dma_semaphore, #tpu.memory_space<semaphore_mem>>, %arg20: memref<!tpu.dma_semaphore, #tpu.memory_space<semaphore_mem>>, %arg21: memref<!tpu.dma_semaphore, #tpu.memory_space<semaphore_mem>>, %arg22: memref<!tpu.dma_semaphore, #tpu.memory_space<semaphore_mem>>, %arg23: memref<!tpu.dma_semaphore, #tpu.memory_space<semaphore_mem>>, %arg24: memref<!tpu.dma_semaphore, #tpu.memory_space<semaphore_mem>>) attributes {dimension_semantics = [#tpu.dimension_semantics<core_parallel>, #tpu.dimension_semantics<subcore_parallel>], iteration_bounds = array<i64: 2, 16>, scalar_prefetch = 0 : i64, scratch_operands = 20 : i64, tpu.core_type = #tpu.core_type<sc_vector_subcore>, window_params = [{transform_indices = #map}, {transform_indices = #map1}, {transform_indices = #map1}]} {
    %mul3A = arith.constant 2 : i32
    %mul3A_0 = arith.muli %arg1, %mul3A : i32
    %add3A = arith.addi %mul3A_0, %arg0 : i32
    %mul3A_1 = arith.constant 1536 : i32
    %mul3A_2 = arith.muli %add3A, %mul3A_1 : i32
    %jit3A = arith.constant 4 : i32
    %eq3A = arith.constant 0 : i32
    %eq3A_3 = arith.cmpi eq, %jit3A, %eq3A : i32
    %jit3A_4 = arith.constant 1 : i32
    %select_n3A = arith.select %eq3A_3, %jit3A_4, %jit3A : i32
    %rem3A = arith.remsi %add3A, %select_n3A : i32
    %ne3A = arith.constant 0 : i32
    %ne3A_5 = arith.cmpi ne, %rem3A, %ne3A : i32
    %lt3A = arith.constant 0 : i32
    %lt3A_6 = arith.cmpi slt, %rem3A, %lt3A : i32
    %lt3A_7 = arith.constant 0 : i32
    %lt3A_8 = arith.cmpi slt, %select_n3A, %lt3A_7 : i32
    %ne3A_9 = arith.xori %lt3A_6, %lt3A_8 : i1
    %and3A = arith.andi %ne3A_9, %ne3A_5 : i1
    %add3A_10 = arith.addi %rem3A, %select_n3A : i32
    %select_n3A_11 = arith.select %and3A, %add3A_10, %rem3A : i32
    %mul3A_12 = arith.constant 1536 : i32
    %mul3A_13 = arith.muli %select_n3A_11, %mul3A_12 : i32
    %multiple_of3A = tpu.assume_multiple %mul3A_2, 8 : i32
    "tpu.region"() ({
      %run_scoped3A = tpu.sem_alloc : memref<!tpu.dma_semaphore, #tpu.memory_space<semaphore_mem>>
      %dma_start3A_1871 = tpu.memref_slice %arg2[%multiple_of3A] : memref<49152xi32, #tpu.memory_space<hbm>> -> memref<1536xi32, #tpu.memory_space<hbm>>
      %dma_start3A_1872 = tpu.memref_slice %arg2[%multiple_of3A] : memref<49152xi32, #tpu.memory_space<hbm>> -> memref<1536xi32, #tpu.memory_space<hbm>>
      tpu.enqueue_dma source(%dma_start3A_1872 : memref<1536xi32, #tpu.memory_space<hbm>>) target(%arg5 : memref<1536xi32, #tpu.memory_space<vmem>>) target_semaphore(%run_scoped3A : memref<!tpu.dma_semaphore, #tpu.memory_space<semaphore_mem>>)
      %dma_wait3A_1873 = tpu.memref_slice %arg2[%multiple_of3A] : memref<49152xi32, #tpu.memory_space<hbm>> -> memref<1536xi32, #tpu.memory_space<hbm>>
      %dma_wait3A_1874 = tpu.memref_slice %arg2[%multiple_of3A] : memref<49152xi32, #tpu.memory_space<hbm>> -> memref<1536xi32, #tpu.memory_space<hbm>>
      tpu.wait_dma2 semaphore(%run_scoped3A : memref<!tpu.dma_semaphore, #tpu.memory_space<semaphore_mem>>) src(%dma_wait3A_1874 : memref<1536xi32, #tpu.memory_space<hbm>>) dst(%arg5 : memref<1536xi32, #tpu.memory_space<vmem>>)
      tpu.yield
    }) : () -> ()
    %iota3A = tpu.iota {dimensions = array<i32: 0>} : vector<16xi32>
    %add3A_14 = arith.constant 0 : i32
    %add3A_15 = arith.addi %mul3A_13, %add3A_14 : i32
    %add3A_16 = vector.broadcast %add3A_15 : i32 to vector<16xi32>
    %add3A_17 = arith.addi %iota3A, %add3A_16 : vector<16xi32>
    %get3A = arith.constant 0 : index
    %get3A_18 = tpu.vector_load %arg5[%get3A] {strides = array<i32>} : memref<1536xi32, #tpu.memory_space<vmem>>, vector<16xi32>,
    %get3A_19 = vector.shape_cast %get3A_18 : vector<16xi32> to vector<16xi32>
    %shift_right_logical3A = arith.constant 10 : i32
    %shift_right_logical3A_20 = vector.broadcast %shift_right_logical3A : i32 to vector<16xi32>
    %shift_right_logical3A_21 = arith.shrui %add3A_17, %shift_right_logical3A_20 : vector<16xi32>
    %mul3A_22 = arith.constant 1000 : i32
    %mul3A_23 = vector.broadcast %mul3A_22 : i32 to vector<16xi32>
    %mul3A_24 = arith.muli %shift_right_logical3A_21, %mul3A_23 : vector<16xi32>
    %add3A_25 = arith.addi %get3A_19, %mul3A_24 : vector<16xi32>
    %swap3A = arith.constant 0 : index
    %swap3A_26 = tpu.vector_load %arg6[%swap3A] {strides = array<i32>} : memref<1536xi32, #tpu.memory_space<vmem>>, vector<16xi32>,
    %swap3A_27 = vector.shape_cast %swap3A_26 : vector<16xi32> to vector<16xi32>
    %swap3A_28 = vector.shape_cast %add3A_25 : vector<16xi32> to vector<16xi32>
    tpu.vector_store %arg6[%swap3A], %swap3A_28 {strides = array<i32>} : memref<1536xi32, #tpu.memory_space<vmem>>, vector<16xi32>,
    %iota3A_29 = tpu.iota {dimensions = array<i32: 0>} : vector<16xi32>
    %add3A_30 = arith.constant 16 : i32
    %add3A_31 = arith.addi %mul3A_13, %add3A_30 : i32
    %add3A_32 = vector.broadcast %add3A_31 : i32 to vector<16xi32>
    %add3A_33 = arith.addi %iota3A_29, %add3A_32 : vector<16xi32>
    %get3A_34 = arith.constant 16 : index
    %get3A_35 = tpu.vector_load %arg5[%get3A_34] {strides = array<i32>} : memref<1536xi32, #tpu.memory_space<vmem>>, vector<16xi32>,
    %get3A_36 = vector.shape_cast %get3A_35 : vector<16xi32> to vector<16xi32>
    %shift_right_logical3A_37 = arith.constant 10 : i32
    %shift_right_logical3A_38 = vector.broadcast %shift_right_logical3A_37 : i32 to vector<16xi32>
    %shift_right_logical3A_39 = arith.shrui %add3A_33, %shift_right_logical3A_38 : vector<16xi32>
    %mul3A_40 = arith.constant 1000 : i32
    %mul3A_41 = vector.broadcast %mul3A_40 : i32 to vector<16xi32>
    %mul3A_42 = arith.muli %shift_right_logical3A_39, %mul3A_41 : vector<16xi32>
    %add3A_43 = arith.addi %get3A_36, %mul3A_42 : vector<16xi32>
    %swap3A_44 = arith.constant 16 : index
    %swap3A_45 = tpu.vector_load %arg6[%swap3A_44] {strides = array<i32>} : memref<1536xi32, #tpu.memory_space<vmem>>, vector<16xi32>,
    %swap3A_46 = vector.shape_cast %swap3A_45 : vector<16xi32> to vector<16xi32>
    %swap3A_47 = vector.shape_cast %add3A_43 : vector<16xi32> to vector<16xi32>
    tpu.vector_store %arg6[%swap3A_44], %swap3A_47 {strides = array<i32>} : memref<1536xi32, #tpu.memory_space<vmem>>, vector<16xi32>,
    %iota3A_48 = tpu.iota {dimensions = array<i32: 0>} : vector<16xi32>
    %add3A_49 = arith.constant 32 : i32
    %add3A_50 = arith.addi %mul3A_13, %add3A_49 : i32
    %add3A_51 = vector.broadcast %add3A_50 : i32 to vector<16xi32>
    %add3A_52 = arith.addi %iota3A_48, %add3A_51 : vector<16xi32>
    %get3A_53 = arith.constant 32 : index
    %get3A_54 = tpu.vector_load %arg5[%get3A_53] {strides = array<i32>} : memref<1536xi32, #tpu.memory_space<vmem>>, vector<16xi32>,
    %get3A_55 = vector.shape_cast %get3A_54 : vector<16xi32> to vector<16xi32>
    %shift_right_logical3A_56 = arith.constant 10 : i32
    %shift_right_logical3A_57 = vector.broadcast %shift_right_logical3A_56 : i32 to vector<16xi32>
    %shift_right_logical3A_58 = arith.shrui %add3A_52, %shift_right_logical3A_57 : vector<16xi32>
    %mul3A_59 = arith.constant 1000 : i32
    %mul3A_60 = vector.broadcast %mul3A_59 : i32 to vector<16xi32>
    %mul3A_61 = arith.muli %shift_right_logical3A_58, %mul3A_60 : vector<16xi32>
    %add3A_62 = arith.addi %get3A_55, %mul3A_61 : vector<16xi32>
    %swap3A_63 = arith.constant 32 : index
    %swap3A_64 = tpu.vector_load %arg6[%swap3A_63] {strides = array<i32>} : memref<1536xi32, #tpu.memory_space<vmem>>, vector<16xi32>,
    %swap3A_65 = vector.shape_cast %swap3A_64 : vector<16xi32> to vector<16xi32>
    %swap3A_66 = vector.shape_cast %add3A_62 : vector<16xi32> to vector<16xi32>
    tpu.vector_store %arg6[%swap3A_63], %swap3A_66 {strides = array<i32>} : memref<1536xi32, #tpu.memory_space<vmem>>, vector<16xi32>,
    %iota3A_67 = tpu.iota {dimensions = array<i32: 0>} : vector<16xi32>
    %add3A_68 = arith.constant 48 : i32
    %add3A_69 = arith.addi %mul3A_13, %add3A_68 : i32
    %add3A_70 = vector.broadcast %add3A_69 : i32 to vector<16xi32>
    %add3A_71 = arith.addi %iota3A_67, %add3A_70 : vector<16xi32>
    %get3A_72 = arith.constant 48 : index
    %get3A_73 = tpu.vector_load %arg5[%get3A_72] {strides = array<i32>} : memref<1536xi32, #tpu.memory_space<vmem>>, vector<16xi32>,
    %get3A_74 = vector.shape_cast %get3A_73 : vector<16xi32> to vector<16xi32>
    %shift_right_logical3A_75 = arith.constant 10 : i32
    %shift_right_logical3A_76 = vector.broadcast %shift_right_logical3A_75 : i32 to vector<16xi32>
    %shift_right_logical3A_77 = arith.shrui %add3A_71, %shift_right_logical3A_76 : vector<16xi32>
    %mul3A_78 = arith.constant 1000 : i32
    %mul3A_79 = vector.broadcast %mul3A_78 : i32 to vector<16xi32>
    %mul3A_80 = arith.muli %shift_right_logical3A_77, %mul3A_79 : vector<16xi32>
    %add3A_81 = arith.addi %get3A_74, %mul3A_80 : vector<16xi32>
    %swap3A_82 = arith.constant 48 : index
    %swap3A_83 = tpu.vector_load %arg6[%swap3A_82] {strides = array<i32>} : memref<1536xi32, #tpu.memory_space<vmem>>, vector<16xi32>,
    %swap3A_84 = vector.shape_cast %swap3A_83 : vector<16xi32> to vector<16xi32>
    %swap3A_85 = vector.shape_cast %add3A_81 : vector<16xi32> to vector<16xi32>
    tpu.vector_store %arg6[%swap3A_82], %swap3A_85 {strides = array<i32>} : memref<1536xi32, #tpu.memory_space<vmem>>, vector<16xi32>,
    %iota3A_86 = tpu.iota {dimensions = array<i32: 0>} : vector<16xi32>
    %add3A_87 = arith.constant 64 : i32
    %add3A_88 = arith.addi %mul3A_13, %add3A_87 : i32
    %add3A_89 = vector.broadcast %add3A_88 : i32 to vector<16xi32>
    %add3A_90 = arith.addi %iota3A_86, %add3A_89 : vector<16xi32>
    %get3A_91 = arith.constant 64 : index
    %get3A_92 = tpu.vector_load %arg5[%get3A_91] {strides = array<i32>} : memref<1536xi32, #tpu.memory_space<vmem>>, vector<16xi32>,
    %get3A_93 = vector.shape_cast %get3A_92 : vector<16xi32> to vector<16xi32>
    %shift_right_logical3A_94 = arith.constant 10 : i32
    %shift_right_logical3A_95 = vector.broadcast %shift_right_logical3A_94 : i32 to vector<16xi32>
    %shift_right_logical3A_96 = arith.shrui %add3A_90, %shift_right_logical3A_95 : vector<16xi32>
    %mul3A_97 = arith.constant 1000 : i32
    %mul3A_98 = vector.broadcast %mul3A_97 : i32 to vector<16xi32>
    %mul3A_99 = arith.muli %shift_right_logical3A_96, %mul3A_98 : vector<16xi32>
    %add3A_100 = arith.addi %get3A_93, %mul3A_99 : vector<16xi32>
    %swap3A_101 = arith.constant 64 : index
    %swap3A_102 = tpu.vector_load %arg6[%swap3A_101] {strides = array<i32>} : memref<1536xi32, #tpu.memory_space<vmem>>, vector<16xi32>,
    %swap3A_103 = vector.shape_cast %swap3A_102 : vector<16xi32> to vector<16xi32>
    %swap3A_104 = vector.shape_cast %add3A_100 : vector<16xi32> to vector<16xi32>
    tpu.vector_store %arg6[%swap3A_101], %swap3A_104 {strides = array<i32>} : memref<1536xi32, #tpu.memory_space<vmem>>, vector<16xi32>,
    %iota3A_105 = tpu.iota {dimensions = array<i32: 0>} : vector<16xi32>
    %add3A_106 = arith.constant 80 : i32
    %add3A_107 = arith.addi %mul3A_13, %add3A_106 : i32
    %add3A_108 = vector.broadcast %add3A_107 : i32 to vector<16xi32>
    %add3A_109 = arith.addi %iota3A_105, %add3A_108 : vector<16xi32>
    %get3A_110 = arith.constant 80 : index
    %get3A_111 = tpu.vector_load %arg5[%get3A_110] {strides = array<i32>} : memref<1536xi32, #tpu.memory_space<vmem>>, vector<16xi32>,
    %get3A_112 = vector.shape_cast %get3A_111 : vector<16xi32> to vector<16xi32>
    %shift_right_logical3A_113 = arith.constant 10 : i32
    %shift_right_logical3A_114 = vector.broadcast %shift_right_logical3A_113 : i32 to vector<16xi32>
    %shift_right_logical3A_115 = arith.shrui %add3A_109, %shift_right_logical3A_114 : vector<16xi32>
    %mul3A_116 = arith.constant 1000 : i32
    %mul3A_117 = vector.broadcast %mul3A_116 : i32 to vector<16xi32>
    %mul3A_118 = arith.muli %shift_right_logical3A_115, %mul3A_117 : vector<16xi32>
    %add3A_119 = arith.addi %get3A_112, %mul3A_118 : vector<16xi32>
    %swap3A_120 = arith.constant 80 : index
    %swap3A_121 = tpu.vector_load %arg6[%swap3A_120] {strides = array<i32>} : memref<1536xi32, #tpu.memory_space<vmem>>, vector<16xi32>,
    %swap3A_122 = vector.shape_cast %swap3A_121 : vector<16xi32> to vector<16xi32>
    %swap3A_123 = vector.shape_cast %add3A_119 : vector<16xi32> to vector<16xi32>
    tpu.vector_store %arg6[%swap3A_120], %swap3A_123 {strides = array<i32>} : memref<1536xi32, #tpu.memory_space<vmem>>, vector<16xi32>,
    %iota3A_124 = tpu.iota {dimensions = array<i32: 0>} : vector<16xi32>
    %add3A_125 = arith.constant 96 : i32
    %add3A_126 = arith.addi %mul3A_13, %add3A_125 : i32
    %add3A_127 = vector.broadcast %add3A_126 : i32 to vector<16xi32>
    %add3A_128 = arith.addi %iota3A_124, %add3A_127 : vector<16xi32>
    %get3A_129 = arith.constant 96 : index
    %get3A_130 = tpu.vector_load %arg5[%get3A_129] {strides = array<i32>} : memref<1536xi32, #tpu.memory_space<vmem>>, vector<16xi32>,
    %get3A_131 = vector.shape_cast %get3A_130 : vector<16xi32> to vector<16xi32>
    %shift_right_logical3A_132 = arith.constant 10 : i32
    %shift_right_logical3A_133 = vector.broadcast %shift_right_logical3A_132 : i32 to vector<16xi32>
    %shift_right_logical3A_134 = arith.shrui %add3A_128, %shift_right_logical3A_133 : vector<16xi32>
    %mul3A_135 = arith.constant 1000 : i32
    %mul3A_136 = vector.broadcast %mul3A_135 : i32 to vector<16xi32>
    %mul3A_137 = arith.muli %shift_right_logical3A_134, %mul3A_136 : vector<16xi32>
    %add3A_138 = arith.addi %get3A_131, %mul3A_137 : vector<16xi32>
    %swap3A_139 = arith.constant 96 : index
    %swap3A_140 = tpu.vector_load %arg6[%swap3A_139] {strides = array<i32>} : memref<1536xi32, #tpu.memory_space<vmem>>, vector<16xi32>,
    %swap3A_141 = vector.shape_cast %swap3A_140 : vector<16xi32> to vector<16xi32>
    %swap3A_142 = vector.shape_cast %add3A_138 : vector<16xi32> to vector<16xi32>
    tpu.vector_store %arg6[%swap3A_139], %swap3A_142 {strides = array<i32>} : memref<1536xi32, #tpu.memory_space<vmem>>, vector<16xi32>,
    %iota3A_143 = tpu.iota {dimensions = array<i32: 0>} : vector<16xi32>
    %add3A_144 = arith.constant 112 : i32
    %add3A_145 = arith.addi %mul3A_13, %add3A_144 : i32
    %add3A_146 = vector.broadcast %add3A_145 : i32 to vector<16xi32>
    %add3A_147 = arith.addi %iota3A_143, %add3A_146 : vector<16xi32>
    %get3A_148 = arith.constant 112 : index
    %get3A_149 = tpu.vector_load %arg5[%get3A_148] {strides = array<i32>} : memref<1536xi32, #tpu.memory_space<vmem>>, vector<16xi32>,
    %get3A_150 = vector.shape_cast %get3A_149 : vector<16xi32> to vector<16xi32>
    %shift_right_logical3A_151 = arith.constant 10 : i32
    %shift_right_logical3A_152 = vector.broadcast %shift_right_logical3A_151 : i32 to vector<16xi32>
    %shift_right_logical3A_153 = arith.shrui %add3A_147, %shift_right_logical3A_152 : vector<16xi32>
    %mul3A_154 = arith.constant 1000 : i32
    %mul3A_155 = vector.broadcast %mul3A_154 : i32 to vector<16xi32>
    %mul3A_156 = arith.muli %shift_right_logical3A_153, %mul3A_155 : vector<16xi32>
    %add3A_157 = arith.addi %get3A_150, %mul3A_156 : vector<16xi32>
    %swap3A_158 = arith.constant 112 : index
    %swap3A_159 = tpu.vector_load %arg6[%swap3A_158] {strides = array<i32>} : memref<1536xi32, #tpu.memory_space<vmem>>, vector<16xi32>,
    %swap3A_160 = vector.shape_cast %swap3A_159 : vector<16xi32> to vector<16xi32>
    %swap3A_161 = vector.shape_cast %add3A_157 : vector<16xi32> to vector<16xi32>
    tpu.vector_store %arg6[%swap3A_158], %swap3A_161 {strides = array<i32>} : memref<1536xi32, #tpu.memory_space<vmem>>, vector<16xi32>,
    %iota3A_162 = tpu.iota {dimensions = array<i32: 0>} : vector<16xi32>
    %add3A_163 = arith.constant 128 : i32
    %add3A_164 = arith.addi %mul3A_13, %add3A_163 : i32
    %add3A_165 = vector.broadcast %add3A_164 : i32 to vector<16xi32>
    %add3A_166 = arith.addi %iota3A_162, %add3A_165 : vector<16xi32>
    %get3A_167 = arith.constant 128 : index
    %get3A_168 = tpu.vector_load %arg5[%get3A_167] {strides = array<i32>} : memref<1536xi32, #tpu.memory_space<vmem>>, vector<16xi32>,
    %get3A_169 = vector.shape_cast %get3A_168 : vector<16xi32> to vector<16xi32>
    %shift_right_logical3A_170 = arith.constant 10 : i32
    %shift_right_logical3A_171 = vector.broadcast %shift_right_logical3A_170 : i32 to vector<16xi32>
    %shift_right_logical3A_172 = arith.shrui %add3A_166, %shift_right_logical3A_171 : vector<16xi32>
    %mul3A_173 = arith.constant 1000 : i32
    %mul3A_174 = vector.broadcast %mul3A_173 : i32 to vector<16xi32>
    %mul3A_175 = arith.muli %shift_right_logical3A_172, %mul3A_174 : vector<16xi32>
    %add3A_176 = arith.addi %get3A_169, %mul3A_175 : vector<16xi32>
    %swap3A_177 = arith.constant 128 : index
    %swap3A_178 = tpu.vector_load %arg6[%swap3A_177] {strides = array<i32>} : memref<1536xi32, #tpu.memory_space<vmem>>, vector<16xi32>,
    %swap3A_179 = vector.shape_cast %swap3A_178 : vector<16xi32> to vector<16xi32>
    %swap3A_180 = vector.shape_cast %add3A_176 : vector<16xi32> to vector<16xi32>
    tpu.vector_store %arg6[%swap3A_177], %swap3A_180 {strides = array<i32>} : memref<1536xi32, #tpu.memory_space<vmem>>, vector<16xi32>,
    %iota3A_181 = tpu.iota {dimensions = array<i32: 0>} : vector<16xi32>
    %add3A_182 = arith.constant 144 : i32
    %add3A_183 = arith.addi %mul3A_13, %add3A_182 : i32
    %add3A_184 = vector.broadcast %add3A_183 : i32 to vector<16xi32>
    %add3A_185 = arith.addi %iota3A_181, %add3A_184 : vector<16xi32>
    %get3A_186 = arith.constant 144 : index
    %get3A_187 = tpu.vector_load %arg5[%get3A_186] {strides = array<i32>} : memref<1536xi32, #tpu.memory_space<vmem>>, vector<16xi32>,
    %get3A_188 = vector.shape_cast %get3A_187 : vector<16xi32> to vector<16xi32>
    %shift_right_logical3A_189 = arith.constant 10 : i32
    %shift_right_logical3A_190 = vector.broadcast %shift_right_logical3A_189 : i32 to vector<16xi32>
    %shift_right_logical3A_191 = arith.shrui %add3A_185, %shift_right_logical3A_190 : vector<16xi32>
    %mul3A_192 = arith.constant 1000 : i32
    %mul3A_193 = vector.broadcast %mul3A_192 : i32 to vector<16xi32>
    %mul3A_194 = arith.muli %shift_right_logical3A_191, %mul3A_193 : vector<16xi32>
    %add3A_195 = arith.addi %get3A_188, %mul3A_194 : vector<16xi32>
    %swap3A_196 = arith.constant 144 : index
    %swap3A_197 = tpu.vector_load %arg6[%swap3A_196] {strides = array<i32>} : memref<1536xi32, #tpu.memory_space<vmem>>, vector<16xi32>,
    %swap3A_198 = vector.shape_cast %swap3A_197 : vector<16xi32> to vector<16xi32>
    %swap3A_199 = vector.shape_cast %add3A_195 : vector<16xi32> to vector<16xi32>
    tpu.vector_store %arg6[%swap3A_196], %swap3A_199 {strides = array<i32>} : memref<1536xi32, #tpu.memory_space<vmem>>, vector<16xi32>,
    %iota3A_200 = tpu.iota {dimensions = array<i32: 0>} : vector<16xi32>
    %add3A_201 = arith.constant 160 : i32
    %add3A_202 = arith.addi %mul3A_13, %add3A_201 : i32
    %add3A_203 = vector.broadcast %add3A_202 : i32 to vector<16xi32>
    %add3A_204 = arith.addi %iota3A_200, %add3A_203 : vector<16xi32>
    %get3A_205 = arith.constant 160 : index
    %get3A_206 = tpu.vector_load %arg5[%get3A_205] {strides = array<i32>} : memref<1536xi32, #tpu.memory_space<vmem>>, vector<16xi32>,
    %get3A_207 = vector.shape_cast %get3A_206 : vector<16xi32> to vector<16xi32>
    %shift_right_logical3A_208 = arith.constant 10 : i32
    %shift_right_logical3A_209 = vector.broadcast %shift_right_logical3A_208 : i32 to vector<16xi32>
    %shift_right_logical3A_210 = arith.shrui %add3A_204, %shift_right_logical3A_209 : vector<16xi32>
    %mul3A_211 = arith.constant 1000 : i32
    %mul3A_212 = vector.broadcast %mul3A_211 : i32 to vector<16xi32>
    %mul3A_213 = arith.muli %shift_right_logical3A_210, %mul3A_212 : vector<16xi32>
    %add3A_214 = arith.addi %get3A_207, %mul3A_213 : vector<16xi32>
    %swap3A_215 = arith.constant 160 : index
    %swap3A_216 = tpu.vector_load %arg6[%swap3A_215] {strides = array<i32>} : memref<1536xi32, #tpu.memory_space<vmem>>, vector<16xi32>,
    %swap3A_217 = vector.shape_cast %swap3A_216 : vector<16xi32> to vector<16xi32>
    %swap3A_218 = vector.shape_cast %add3A_214 : vector<16xi32> to vector<16xi32>
    tpu.vector_store %arg6[%swap3A_215], %swap3A_218 {strides = array<i32>} : memref<1536xi32, #tpu.memory_space<vmem>>, vector<16xi32>,
    %iota3A_219 = tpu.iota {dimensions = array<i32: 0>} : vector<16xi32>
    %add3A_220 = arith.constant 176 : i32
    %add3A_221 = arith.addi %mul3A_13, %add3A_220 : i32
    %add3A_222 = vector.broadcast %add3A_221 : i32 to vector<16xi32>
    %add3A_223 = arith.addi %iota3A_219, %add3A_222 : vector<16xi32>
    %get3A_224 = arith.constant 176 : index
    %get3A_225 = tpu.vector_load %arg5[%get3A_224] {strides = array<i32>} : memref<1536xi32, #tpu.memory_space<vmem>>, vector<16xi32>,
    %get3A_226 = vector.shape_cast %get3A_225 : vector<16xi32> to vector<16xi32>
    %shift_right_logical3A_227 = arith.constant 10 : i32
    %shift_right_logical3A_228 = vector.broadcast %shift_right_logical3A_227 : i32 to vector<16xi32>
    %shift_right_logical3A_229 = arith.shrui %add3A_223, %shift_right_logical3A_228 : vector<16xi32>
    %mul3A_230 = arith.constant 1000 : i32
    %mul3A_231 = vector.broadcast %mul3A_230 : i32 to vector<16xi32>
    %mul3A_232 = arith.muli %shift_right_logical3A_229, %mul3A_231 : vector<16xi32>
    %add3A_233 = arith.addi %get3A_226, %mul3A_232 : vector<16xi32>
    %swap3A_234 = arith.constant 176 : index
    %swap3A_235 = tpu.vector_load %arg6[%swap3A_234] {strides = array<i32>} : memref<1536xi32, #tpu.memory_space<vmem>>, vector<16xi32>,
    %swap3A_236 = vector.shape_cast %swap3A_235 : vector<16xi32> to vector<16xi32>
    %swap3A_237 = vector.shape_cast %add3A_233 : vector<16xi32> to vector<16xi32>
    tpu.vector_store %arg6[%swap3A_234], %swap3A_237 {strides = array<i32>} : memref<1536xi32, #tpu.memory_space<vmem>>, vector<16xi32>,
    %iota3A_238 = tpu.iota {dimensions = array<i32: 0>} : vector<16xi32>
    %add3A_239 = arith.constant 192 : i32
    %add3A_240 = arith.addi %mul3A_13, %add3A_239 : i32
    %add3A_241 = vector.broadcast %add3A_240 : i32 to vector<16xi32>
    %add3A_242 = arith.addi %iota3A_238, %add3A_241 : vector<16xi32>
    %get3A_243 = arith.constant 192 : index
    %get3A_244 = tpu.vector_load %arg5[%get3A_243] {strides = array<i32>} : memref<1536xi32, #tpu.memory_space<vmem>>, vector<16xi32>,
    %get3A_245 = vector.shape_cast %get3A_244 : vector<16xi32> to vector<16xi32>
    %shift_right_logical3A_246 = arith.constant 10 : i32
    %shift_right_logical3A_247 = vector.broadcast %shift_right_logical3A_246 : i32 to vector<16xi32>
    %shift_right_logical3A_248 = arith.shrui %add3A_242, %shift_right_logical3A_247 : vector<16xi32>
    %mul3A_249 = arith.constant 1000 : i32
    %mul3A_250 = vector.broadcast %mul3A_249 : i32 to vector<16xi32>
    %mul3A_251 = arith.muli %shift_right_logical3A_248, %mul3A_250 : vector<16xi32>
    %add3A_252 = arith.addi %get3A_245, %mul3A_251 : vector<16xi32>
    %swap3A_253 = arith.constant 192 : index
    %swap3A_254 = tpu.vector_load %arg6[%swap3A_253] {strides = array<i32>} : memref<1536xi32, #tpu.memory_space<vmem>>, vector<16xi32>,
    %swap3A_255 = vector.shape_cast %swap3A_254 : vector<16xi32> to vector<16xi32>
    %swap3A_256 = vector.shape_cast %add3A_252 : vector<16xi32> to vector<16xi32>
    tpu.vector_store %arg6[%swap3A_253], %swap3A_256 {strides = array<i32>} : memref<1536xi32, #tpu.memory_space<vmem>>, vector<16xi32>,
    %iota3A_257 = tpu.iota {dimensions = array<i32: 0>} : vector<16xi32>
    %add3A_258 = arith.constant 208 : i32
    %add3A_259 = arith.addi %mul3A_13, %add3A_258 : i32
    %add3A_260 = vector.broadcast %add3A_259 : i32 to vector<16xi32>
    %add3A_261 = arith.addi %iota3A_257, %add3A_260 : vector<16xi32>
    %get3A_262 = arith.constant 208 : index
    %get3A_263 = tpu.vector_load %arg5[%get3A_262] {strides = array<i32>} : memref<1536xi32, #tpu.memory_space<vmem>>, vector<16xi32>,
    %get3A_264 = vector.shape_cast %get3A_263 : vector<16xi32> to vector<16xi32>
    %shift_right_logical3A_265 = arith.constant 10 : i32
    %shift_right_logical3A_266 = vector.broadcast %shift_right_logical3A_265 : i32 to vector<16xi32>
    %shift_right_logical3A_267 = arith.shrui %add3A_261, %shift_right_logical3A_266 : vector<16xi32>
    %mul3A_268 = arith.constant 1000 : i32
    %mul3A_269 = vector.broadcast %mul3A_268 : i32 to vector<16xi32>
    %mul3A_270 = arith.muli %shift_right_logical3A_267, %mul3A_269 : vector<16xi32>
    %add3A_271 = arith.addi %get3A_264, %mul3A_270 : vector<16xi32>
    %swap3A_272 = arith.constant 208 : index
    %swap3A_273 = tpu.vector_load %arg6[%swap3A_272] {strides = array<i32>} : memref<1536xi32, #tpu.memory_space<vmem>>, vector<16xi32>,
    %swap3A_274 = vector.shape_cast %swap3A_273 : vector<16xi32> to vector<16xi32>
    %swap3A_275 = vector.shape_cast %add3A_271 : vector<16xi32> to vector<16xi32>
    tpu.vector_store %arg6[%swap3A_272], %swap3A_275 {strides = array<i32>} : memref<1536xi32, #tpu.memory_space<vmem>>, vector<16xi32>,
    %iota3A_276 = tpu.iota {dimensions = array<i32: 0>} : vector<16xi32>
    %add3A_277 = arith.constant 224 : i32
    %add3A_278 = arith.addi %mul3A_13, %add3A_277 : i32
    %add3A_279 = vector.broadcast %add3A_278 : i32 to vector<16xi32>
    %add3A_280 = arith.addi %iota3A_276, %add3A_279 : vector<16xi32>
    %get3A_281 = arith.constant 224 : index
    %get3A_282 = tpu.vector_load %arg5[%get3A_281] {strides = array<i32>} : memref<1536xi32, #tpu.memory_space<vmem>>, vector<16xi32>,
    %get3A_283 = vector.shape_cast %get3A_282 : vector<16xi32> to vector<16xi32>
    %shift_right_logical3A_284 = arith.constant 10 : i32
    %shift_right_logical3A_285 = vector.broadcast %shift_right_logical3A_284 : i32 to vector<16xi32>
    %shift_right_logical3A_286 = arith.shrui %add3A_280, %shift_right_logical3A_285 : vector<16xi32>
    %mul3A_287 = arith.constant 1000 : i32
    %mul3A_288 = vector.broadcast %mul3A_287 : i32 to vector<16xi32>
    %mul3A_289 = arith.muli %shift_right_logical3A_286, %mul3A_288 : vector<16xi32>
    %add3A_290 = arith.addi %get3A_283, %mul3A_289 : vector<16xi32>
    %swap3A_291 = arith.constant 224 : index
    %swap3A_292 = tpu.vector_load %arg6[%swap3A_291] {strides = array<i32>} : memref<1536xi32, #tpu.memory_space<vmem>>, vector<16xi32>,
    %swap3A_293 = vector.shape_cast %swap3A_292 : vector<16xi32> to vector<16xi32>
    %swap3A_294 = vector.shape_cast %add3A_290 : vector<16xi32> to vector<16xi32>
    tpu.vector_store %arg6[%swap3A_291], %swap3A_294 {strides = array<i32>} : memref<1536xi32, #tpu.memory_space<vmem>>, vector<16xi32>,
    %iota3A_295 = tpu.iota {dimensions = array<i32: 0>} : vector<16xi32>
    %add3A_296 = arith.constant 240 : i32
    %add3A_297 = arith.addi %mul3A_13, %add3A_296 : i32
    %add3A_298 = vector.broadcast %add3A_297 : i32 to vector<16xi32>
    %add3A_299 = arith.addi %iota3A_295, %add3A_298 : vector<16xi32>
    %get3A_300 = arith.constant 240 : index
    %get3A_301 = tpu.vector_load %arg5[%get3A_300] {strides = array<i32>} : memref<1536xi32, #tpu.memory_space<vmem>>, vector<16xi32>,
    %get3A_302 = vector.shape_cast %get3A_301 : vector<16xi32> to vector<16xi32>
    %shift_right_logical3A_303 = arith.constant 10 : i32
    %shift_right_logical3A_304 = vector.broadcast %shift_right_logical3A_303 : i32 to vector<16xi32>
    %shift_right_logical3A_305 = arith.shrui %add3A_299, %shift_right_logical3A_304 : vector<16xi32>
    %mul3A_306 = arith.constant 1000 : i32
    %mul3A_307 = vector.broadcast %mul3A_306 : i32 to vector<16xi32>
    %mul3A_308 = arith.muli %shift_right_logical3A_305, %mul3A_307 : vector<16xi32>
    %add3A_309 = arith.addi %get3A_302, %mul3A_308 : vector<16xi32>
    %swap3A_310 = arith.constant 240 : index
    %swap3A_311 = tpu.vector_load %arg6[%swap3A_310] {strides = array<i32>} : memref<1536xi32, #tpu.memory_space<vmem>>, vector<16xi32>,
    %swap3A_312 = vector.shape_cast %swap3A_311 : vector<16xi32> to vector<16xi32>
    %swap3A_313 = vector.shape_cast %add3A_309 : vector<16xi32> to vector<16xi32>
    tpu.vector_store %arg6[%swap3A_310], %swap3A_313 {strides = array<i32>} : memref<1536xi32, #tpu.memory_space<vmem>>, vector<16xi32>,
    %iota3A_314 = tpu.iota {dimensions = array<i32: 0>} : vector<16xi32>
    %add3A_315 = arith.constant 256 : i32
    %add3A_316 = arith.addi %mul3A_13, %add3A_315 : i32
    %add3A_317 = vector.broadcast %add3A_316 : i32 to vector<16xi32>
    %add3A_318 = arith.addi %iota3A_314, %add3A_317 : vector<16xi32>
    %get3A_319 = arith.constant 256 : index
    %get3A_320 = tpu.vector_load %arg5[%get3A_319] {strides = array<i32>} : memref<1536xi32, #tpu.memory_space<vmem>>, vector<16xi32>,
    %get3A_321 = vector.shape_cast %get3A_320 : vector<16xi32> to vector<16xi32>
    %shift_right_logical3A_322 = arith.constant 10 : i32
    %shift_right_logical3A_323 = vector.broadcast %shift_right_logical3A_322 : i32 to vector<16xi32>
    %shift_right_logical3A_324 = arith.shrui %add3A_318, %shift_right_logical3A_323 : vector<16xi32>
    %mul3A_325 = arith.constant 1000 : i32
    %mul3A_326 = vector.broadcast %mul3A_325 : i32 to vector<16xi32>
    %mul3A_327 = arith.muli %shift_right_logical3A_324, %mul3A_326 : vector<16xi32>
    %add3A_328 = arith.addi %get3A_321, %mul3A_327 : vector<16xi32>
    %swap3A_329 = arith.constant 256 : index
    %swap3A_330 = tpu.vector_load %arg6[%swap3A_329] {strides = array<i32>} : memref<1536xi32, #tpu.memory_space<vmem>>, vector<16xi32>,
    %swap3A_331 = vector.shape_cast %swap3A_330 : vector<16xi32> to vector<16xi32>
    %swap3A_332 = vector.shape_cast %add3A_328 : vector<16xi32> to vector<16xi32>
    tpu.vector_store %arg6[%swap3A_329], %swap3A_332 {strides = array<i32>} : memref<1536xi32, #tpu.memory_space<vmem>>, vector<16xi32>,
    %iota3A_333 = tpu.iota {dimensions = array<i32: 0>} : vector<16xi32>
    %add3A_334 = arith.constant 272 : i32
    %add3A_335 = arith.addi %mul3A_13, %add3A_334 : i32
    %add3A_336 = vector.broadcast %add3A_335 : i32 to vector<16xi32>
    %add3A_337 = arith.addi %iota3A_333, %add3A_336 : vector<16xi32>
    %get3A_338 = arith.constant 272 : index
    %get3A_339 = tpu.vector_load %arg5[%get3A_338] {strides = array<i32>} : memref<1536xi32, #tpu.memory_space<vmem>>, vector<16xi32>,
    %get3A_340 = vector.shape_cast %get3A_339 : vector<16xi32> to vector<16xi32>
    %shift_right_logical3A_341 = arith.constant 10 : i32
    %shift_right_logical3A_342 = vector.broadcast %shift_right_logical3A_341 : i32 to vector<16xi32>
    %shift_right_logical3A_343 = arith.shrui %add3A_337, %shift_right_logical3A_342 : vector<16xi32>
    %mul3A_344 = arith.constant 1000 : i32
    %mul3A_345 = vector.broadcast %mul3A_344 : i32 to vector<16xi32>
    %mul3A_346 = arith.muli %shift_right_logical3A_343, %mul3A_345 : vector<16xi32>
    %add3A_347 = arith.addi %get3A_340, %mul3A_346 : vector<16xi32>
    %swap3A_348 = arith.constant 272 : index
    %swap3A_349 = tpu.vector_load %arg6[%swap3A_348] {strides = array<i32>} : memref<1536xi32, #tpu.memory_space<vmem>>, vector<16xi32>,
    %swap3A_350 = vector.shape_cast %swap3A_349 : vector<16xi32> to vector<16xi32>
    %swap3A_351 = vector.shape_cast %add3A_347 : vector<16xi32> to vector<16xi32>
    tpu.vector_store %arg6[%swap3A_348], %swap3A_351 {strides = array<i32>} : memref<1536xi32, #tpu.memory_space<vmem>>, vector<16xi32>,
    %iota3A_352 = tpu.iota {dimensions = array<i32: 0>} : vector<16xi32>
    %add3A_353 = arith.constant 288 : i32
    %add3A_354 = arith.addi %mul3A_13, %add3A_353 : i32
    %add3A_355 = vector.broadcast %add3A_354 : i32 to vector<16xi32>
    %add3A_356 = arith.addi %iota3A_352, %add3A_355 : vector<16xi32>
    %get3A_357 = arith.constant 288 : index
    %get3A_358 = tpu.vector_load %arg5[%get3A_357] {strides = array<i32>} : memref<1536xi32, #tpu.memory_space<vmem>>, vector<16xi32>,
    %get3A_359 = vector.shape_cast %get3A_358 : vector<16xi32> to vector<16xi32>
    %shift_right_logical3A_360 = arith.constant 10 : i32
    %shift_right_logical3A_361 = vector.broadcast %shift_right_logical3A_360 : i32 to vector<16xi32>
    %shift_right_logical3A_362 = arith.shrui %add3A_356, %shift_right_logical3A_361 : vector<16xi32>
    %mul3A_363 = arith.constant 1000 : i32
    %mul3A_364 = vector.broadcast %mul3A_363 : i32 to vector<16xi32>
    %mul3A_365 = arith.muli %shift_right_logical3A_362, %mul3A_364 : vector<16xi32>
    %add3A_366 = arith.addi %get3A_359, %mul3A_365 : vector<16xi32>
    %swap3A_367 = arith.constant 288 : index
    %swap3A_368 = tpu.vector_load %arg6[%swap3A_367] {strides = array<i32>} : memref<1536xi32, #tpu.memory_space<vmem>>, vector<16xi32>,
    %swap3A_369 = vector.shape_cast %swap3A_368 : vector<16xi32> to vector<16xi32>
    %swap3A_370 = vector.shape_cast %add3A_366 : vector<16xi32> to vector<16xi32>
    tpu.vector_store %arg6[%swap3A_367], %swap3A_370 {strides = array<i32>} : memref<1536xi32, #tpu.memory_space<vmem>>, vector<16xi32>,
    %iota3A_371 = tpu.iota {dimensions = array<i32: 0>} : vector<16xi32>
    %add3A_372 = arith.constant 304 : i32
    %add3A_373 = arith.addi %mul3A_13, %add3A_372 : i32
    %add3A_374 = vector.broadcast %add3A_373 : i32 to vector<16xi32>
    %add3A_375 = arith.addi %iota3A_371, %add3A_374 : vector<16xi32>
    %get3A_376 = arith.constant 304 : index
    %get3A_377 = tpu.vector_load %arg5[%get3A_376] {strides = array<i32>} : memref<1536xi32, #tpu.memory_space<vmem>>, vector<16xi32>,
    %get3A_378 = vector.shape_cast %get3A_377 : vector<16xi32> to vector<16xi32>
    %shift_right_logical3A_379 = arith.constant 10 : i32
    %shift_right_logical3A_380 = vector.broadcast %shift_right_logical3A_379 : i32 to vector<16xi32>
    %shift_right_logical3A_381 = arith.shrui %add3A_375, %shift_right_logical3A_380 : vector<16xi32>
    %mul3A_382 = arith.constant 1000 : i32
    %mul3A_383 = vector.broadcast %mul3A_382 : i32 to vector<16xi32>
    %mul3A_384 = arith.muli %shift_right_logical3A_381, %mul3A_383 : vector<16xi32>
    %add3A_385 = arith.addi %get3A_378, %mul3A_384 : vector<16xi32>
    %swap3A_386 = arith.constant 304 : index
    %swap3A_387 = tpu.vector_load %arg6[%swap3A_386] {strides = array<i32>} : memref<1536xi32, #tpu.memory_space<vmem>>, vector<16xi32>,
    %swap3A_388 = vector.shape_cast %swap3A_387 : vector<16xi32> to vector<16xi32>
    %swap3A_389 = vector.shape_cast %add3A_385 : vector<16xi32> to vector<16xi32>
    tpu.vector_store %arg6[%swap3A_386], %swap3A_389 {strides = array<i32>} : memref<1536xi32, #tpu.memory_space<vmem>>, vector<16xi32>,
    %iota3A_390 = tpu.iota {dimensions = array<i32: 0>} : vector<16xi32>
    %add3A_391 = arith.constant 320 : i32
    %add3A_392 = arith.addi %mul3A_13, %add3A_391 : i32
    %add3A_393 = vector.broadcast %add3A_392 : i32 to vector<16xi32>
    %add3A_394 = arith.addi %iota3A_390, %add3A_393 : vector<16xi32>
    %get3A_395 = arith.constant 320 : index
    %get3A_396 = tpu.vector_load %arg5[%get3A_395] {strides = array<i32>} : memref<1536xi32, #tpu.memory_space<vmem>>, vector<16xi32>,
    %get3A_397 = vector.shape_cast %get3A_396 : vector<16xi32> to vector<16xi32>
    %shift_right_logical3A_398 = arith.constant 10 : i32
    %shift_right_logical3A_399 = vector.broadcast %shift_right_logical3A_398 : i32 to vector<16xi32>
    %shift_right_logical3A_400 = arith.shrui %add3A_394, %shift_right_logical3A_399 : vector<16xi32>
    %mul3A_401 = arith.constant 1000 : i32
    %mul3A_402 = vector.broadcast %mul3A_401 : i32 to vector<16xi32>
    %mul3A_403 = arith.muli %shift_right_logical3A_400, %mul3A_402 : vector<16xi32>
    %add3A_404 = arith.addi %get3A_397, %mul3A_403 : vector<16xi32>
    %swap3A_405 = arith.constant 320 : index
    %swap3A_406 = tpu.vector_load %arg6[%swap3A_405] {strides = array<i32>} : memref<1536xi32, #tpu.memory_space<vmem>>, vector<16xi32>,
    %swap3A_407 = vector.shape_cast %swap3A_406 : vector<16xi32> to vector<16xi32>
    %swap3A_408 = vector.shape_cast %add3A_404 : vector<16xi32> to vector<16xi32>
    tpu.vector_store %arg6[%swap3A_405], %swap3A_408 {strides = array<i32>} : memref<1536xi32, #tpu.memory_space<vmem>>, vector<16xi32>,
    %iota3A_409 = tpu.iota {dimensions = array<i32: 0>} : vector<16xi32>
    %add3A_410 = arith.constant 336 : i32
    %add3A_411 = arith.addi %mul3A_13, %add3A_410 : i32
    %add3A_412 = vector.broadcast %add3A_411 : i32 to vector<16xi32>
    %add3A_413 = arith.addi %iota3A_409, %add3A_412 : vector<16xi32>
    %get3A_414 = arith.constant 336 : index
    %get3A_415 = tpu.vector_load %arg5[%get3A_414] {strides = array<i32>} : memref<1536xi32, #tpu.memory_space<vmem>>, vector<16xi32>,
    %get3A_416 = vector.shape_cast %get3A_415 : vector<16xi32> to vector<16xi32>
    %shift_right_logical3A_417 = arith.constant 10 : i32
    %shift_right_logical3A_418 = vector.broadcast %shift_right_logical3A_417 : i32 to vector<16xi32>
    %shift_right_logical3A_419 = arith.shrui %add3A_413, %shift_right_logical3A_418 : vector<16xi32>
    %mul3A_420 = arith.constant 1000 : i32
    %mul3A_421 = vector.broadcast %mul3A_420 : i32 to vector<16xi32>
    %mul3A_422 = arith.muli %shift_right_logical3A_419, %mul3A_421 : vector<16xi32>
    %add3A_423 = arith.addi %get3A_416, %mul3A_422 : vector<16xi32>
    %swap3A_424 = arith.constant 336 : index
    %swap3A_425 = tpu.vector_load %arg6[%swap3A_424] {strides = array<i32>} : memref<1536xi32, #tpu.memory_space<vmem>>, vector<16xi32>,
    %swap3A_426 = vector.shape_cast %swap3A_425 : vector<16xi32> to vector<16xi32>
    %swap3A_427 = vector.shape_cast %add3A_423 : vector<16xi32> to vector<16xi32>
    tpu.vector_store %arg6[%swap3A_424], %swap3A_427 {strides = array<i32>} : memref<1536xi32, #tpu.memory_space<vmem>>, vector<16xi32>,
    %iota3A_428 = tpu.iota {dimensions = array<i32: 0>} : vector<16xi32>
    %add3A_429 = arith.constant 352 : i32
    %add3A_430 = arith.addi %mul3A_13, %add3A_429 : i32
    %add3A_431 = vector.broadcast %add3A_430 : i32 to vector<16xi32>
    %add3A_432 = arith.addi %iota3A_428, %add3A_431 : vector<16xi32>
    %get3A_433 = arith.constant 352 : index
    %get3A_434 = tpu.vector_load %arg5[%get3A_433] {strides = array<i32>} : memref<1536xi32, #tpu.memory_space<vmem>>, vector<16xi32>,
    %get3A_435 = vector.shape_cast %get3A_434 : vector<16xi32> to vector<16xi32>
    %shift_right_logical3A_436 = arith.constant 10 : i32
    %shift_right_logical3A_437 = vector.broadcast %shift_right_logical3A_436 : i32 to vector<16xi32>
    %shift_right_logical3A_438 = arith.shrui %add3A_432, %shift_right_logical3A_437 : vector<16xi32>
    %mul3A_439 = arith.constant 1000 : i32
    %mul3A_440 = vector.broadcast %mul3A_439 : i32 to vector<16xi32>
    %mul3A_441 = arith.muli %shift_right_logical3A_438, %mul3A_440 : vector<16xi32>
    %add3A_442 = arith.addi %get3A_435, %mul3A_441 : vector<16xi32>
    %swap3A_443 = arith.constant 352 : index
    %swap3A_444 = tpu.vector_load %arg6[%swap3A_443] {strides = array<i32>} : memref<1536xi32, #tpu.memory_space<vmem>>, vector<16xi32>,
    %swap3A_445 = vector.shape_cast %swap3A_444 : vector<16xi32> to vector<16xi32>
    %swap3A_446 = vector.shape_cast %add3A_442 : vector<16xi32> to vector<16xi32>
    tpu.vector_store %arg6[%swap3A_443], %swap3A_446 {strides = array<i32>} : memref<1536xi32, #tpu.memory_space<vmem>>, vector<16xi32>,
    %iota3A_447 = tpu.iota {dimensions = array<i32: 0>} : vector<16xi32>
    %add3A_448 = arith.constant 368 : i32
    %add3A_449 = arith.addi %mul3A_13, %add3A_448 : i32
    %add3A_450 = vector.broadcast %add3A_449 : i32 to vector<16xi32>
    %add3A_451 = arith.addi %iota3A_447, %add3A_450 : vector<16xi32>
    %get3A_452 = arith.constant 368 : index
    %get3A_453 = tpu.vector_load %arg5[%get3A_452] {strides = array<i32>} : memref<1536xi32, #tpu.memory_space<vmem>>, vector<16xi32>,
    %get3A_454 = vector.shape_cast %get3A_453 : vector<16xi32> to vector<16xi32>
    %shift_right_logical3A_455 = arith.constant 10 : i32
    %shift_right_logical3A_456 = vector.broadcast %shift_right_logical3A_455 : i32 to vector<16xi32>
    %shift_right_logical3A_457 = arith.shrui %add3A_451, %shift_right_logical3A_456 : vector<16xi32>
    %mul3A_458 = arith.constant 1000 : i32
    %mul3A_459 = vector.broadcast %mul3A_458 : i32 to vector<16xi32>
    %mul3A_460 = arith.muli %shift_right_logical3A_457, %mul3A_459 : vector<16xi32>
    %add3A_461 = arith.addi %get3A_454, %mul3A_460 : vector<16xi32>
    %swap3A_462 = arith.constant 368 : index
    %swap3A_463 = tpu.vector_load %arg6[%swap3A_462] {strides = array<i32>} : memref<1536xi32, #tpu.memory_space<vmem>>, vector<16xi32>,
    %swap3A_464 = vector.shape_cast %swap3A_463 : vector<16xi32> to vector<16xi32>
    %swap3A_465 = vector.shape_cast %add3A_461 : vector<16xi32> to vector<16xi32>
    tpu.vector_store %arg6[%swap3A_462], %swap3A_465 {strides = array<i32>} : memref<1536xi32, #tpu.memory_space<vmem>>, vector<16xi32>,
    %iota3A_466 = tpu.iota {dimensions = array<i32: 0>} : vector<16xi32>
    %add3A_467 = arith.constant 384 : i32
    %add3A_468 = arith.addi %mul3A_13, %add3A_467 : i32
    %add3A_469 = vector.broadcast %add3A_468 : i32 to vector<16xi32>
    %add3A_470 = arith.addi %iota3A_466, %add3A_469 : vector<16xi32>
    %get3A_471 = arith.constant 384 : index
    %get3A_472 = tpu.vector_load %arg5[%get3A_471] {strides = array<i32>} : memref<1536xi32, #tpu.memory_space<vmem>>, vector<16xi32>,
    %get3A_473 = vector.shape_cast %get3A_472 : vector<16xi32> to vector<16xi32>
    %shift_right_logical3A_474 = arith.constant 10 : i32
    %shift_right_logical3A_475 = vector.broadcast %shift_right_logical3A_474 : i32 to vector<16xi32>
    %shift_right_logical3A_476 = arith.shrui %add3A_470, %shift_right_logical3A_475 : vector<16xi32>
    %mul3A_477 = arith.constant 1000 : i32
    %mul3A_478 = vector.broadcast %mul3A_477 : i32 to vector<16xi32>
    %mul3A_479 = arith.muli %shift_right_logical3A_476, %mul3A_478 : vector<16xi32>
    %add3A_480 = arith.addi %get3A_473, %mul3A_479 : vector<16xi32>
    %swap3A_481 = arith.constant 384 : index
    %swap3A_482 = tpu.vector_load %arg6[%swap3A_481] {strides = array<i32>} : memref<1536xi32, #tpu.memory_space<vmem>>, vector<16xi32>,
    %swap3A_483 = vector.shape_cast %swap3A_482 : vector<16xi32> to vector<16xi32>
    %swap3A_484 = vector.shape_cast %add3A_480 : vector<16xi32> to vector<16xi32>
    tpu.vector_store %arg6[%swap3A_481], %swap3A_484 {strides = array<i32>} : memref<1536xi32, #tpu.memory_space<vmem>>, vector<16xi32>,
    %iota3A_485 = tpu.iota {dimensions = array<i32: 0>} : vector<16xi32>
    %add3A_486 = arith.constant 400 : i32
    %add3A_487 = arith.addi %mul3A_13, %add3A_486 : i32
    %add3A_488 = vector.broadcast %add3A_487 : i32 to vector<16xi32>
    %add3A_489 = arith.addi %iota3A_485, %add3A_488 : vector<16xi32>
    %get3A_490 = arith.constant 400 : index
    %get3A_491 = tpu.vector_load %arg5[%get3A_490] {strides = array<i32>} : memref<1536xi32, #tpu.memory_space<vmem>>, vector<16xi32>,
    %get3A_492 = vector.shape_cast %get3A_491 : vector<16xi32> to vector<16xi32>
    %shift_right_logical3A_493 = arith.constant 10 : i32
    %shift_right_logical3A_494 = vector.broadcast %shift_right_logical3A_493 : i32 to vector<16xi32>
    %shift_right_logical3A_495 = arith.shrui %add3A_489, %shift_right_logical3A_494 : vector<16xi32>
    %mul3A_496 = arith.constant 1000 : i32
    %mul3A_497 = vector.broadcast %mul3A_496 : i32 to vector<16xi32>
    %mul3A_498 = arith.muli %shift_right_logical3A_495, %mul3A_497 : vector<16xi32>
    %add3A_499 = arith.addi %get3A_492, %mul3A_498 : vector<16xi32>
    %swap3A_500 = arith.constant 400 : index
    %swap3A_501 = tpu.vector_load %arg6[%swap3A_500] {strides = array<i32>} : memref<1536xi32, #tpu.memory_space<vmem>>, vector<16xi32>,
    %swap3A_502 = vector.shape_cast %swap3A_501 : vector<16xi32> to vector<16xi32>
    %swap3A_503 = vector.shape_cast %add3A_499 : vector<16xi32> to vector<16xi32>
    tpu.vector_store %arg6[%swap3A_500], %swap3A_503 {strides = array<i32>} : memref<1536xi32, #tpu.memory_space<vmem>>, vector<16xi32>,
    %iota3A_504 = tpu.iota {dimensions = array<i32: 0>} : vector<16xi32>
    %add3A_505 = arith.constant 416 : i32
    %add3A_506 = arith.addi %mul3A_13, %add3A_505 : i32
    %add3A_507 = vector.broadcast %add3A_506 : i32 to vector<16xi32>
    %add3A_508 = arith.addi %iota3A_504, %add3A_507 : vector<16xi32>
    %get3A_509 = arith.constant 416 : index
    %get3A_510 = tpu.vector_load %arg5[%get3A_509] {strides = array<i32>} : memref<1536xi32, #tpu.memory_space<vmem>>, vector<16xi32>,
    %get3A_511 = vector.shape_cast %get3A_510 : vector<16xi32> to vector<16xi32>
    %shift_right_logical3A_512 = arith.constant 10 : i32
    %shift_right_logical3A_513 = vector.broadcast %shift_right_logical3A_512 : i32 to vector<16xi32>
    %shift_right_logical3A_514 = arith.shrui %add3A_508, %shift_right_logical3A_513 : vector<16xi32>
    %mul3A_515 = arith.constant 1000 : i32
    %mul3A_516 = vector.broadcast %mul3A_515 : i32 to vector<16xi32>
    %mul3A_517 = arith.muli %shift_right_logical3A_514, %mul3A_516 : vector<16xi32>
    %add3A_518 = arith.addi %get3A_511, %mul3A_517 : vector<16xi32>
    %swap3A_519 = arith.constant 416 : index
    %swap3A_520 = tpu.vector_load %arg6[%swap3A_519] {strides = array<i32>} : memref<1536xi32, #tpu.memory_space<vmem>>, vector<16xi32>,
    %swap3A_521 = vector.shape_cast %swap3A_520 : vector<16xi32> to vector<16xi32>
    %swap3A_522 = vector.shape_cast %add3A_518 : vector<16xi32> to vector<16xi32>
    tpu.vector_store %arg6[%swap3A_519], %swap3A_522 {strides = array<i32>} : memref<1536xi32, #tpu.memory_space<vmem>>, vector<16xi32>,
    %iota3A_523 = tpu.iota {dimensions = array<i32: 0>} : vector<16xi32>
    %add3A_524 = arith.constant 432 : i32
    %add3A_525 = arith.addi %mul3A_13, %add3A_524 : i32
    %add3A_526 = vector.broadcast %add3A_525 : i32 to vector<16xi32>
    %add3A_527 = arith.addi %iota3A_523, %add3A_526 : vector<16xi32>
    %get3A_528 = arith.constant 432 : index
    %get3A_529 = tpu.vector_load %arg5[%get3A_528] {strides = array<i32>} : memref<1536xi32, #tpu.memory_space<vmem>>, vector<16xi32>,
    %get3A_530 = vector.shape_cast %get3A_529 : vector<16xi32> to vector<16xi32>
    %shift_right_logical3A_531 = arith.constant 10 : i32
    %shift_right_logical3A_532 = vector.broadcast %shift_right_logical3A_531 : i32 to vector<16xi32>
    %shift_right_logical3A_533 = arith.shrui %add3A_527, %shift_right_logical3A_532 : vector<16xi32>
    %mul3A_534 = arith.constant 1000 : i32
    %mul3A_535 = vector.broadcast %mul3A_534 : i32 to vector<16xi32>
    %mul3A_536 = arith.muli %shift_right_logical3A_533, %mul3A_535 : vector<16xi32>
    %add3A_537 = arith.addi %get3A_530, %mul3A_536 : vector<16xi32>
    %swap3A_538 = arith.constant 432 : index
    %swap3A_539 = tpu.vector_load %arg6[%swap3A_538] {strides = array<i32>} : memref<1536xi32, #tpu.memory_space<vmem>>, vector<16xi32>,
    %swap3A_540 = vector.shape_cast %swap3A_539 : vector<16xi32> to vector<16xi32>
    %swap3A_541 = vector.shape_cast %add3A_537 : vector<16xi32> to vector<16xi32>
    tpu.vector_store %arg6[%swap3A_538], %swap3A_541 {strides = array<i32>} : memref<1536xi32, #tpu.memory_space<vmem>>, vector<16xi32>,
    %iota3A_542 = tpu.iota {dimensions = array<i32: 0>} : vector<16xi32>
    %add3A_543 = arith.constant 448 : i32
    %add3A_544 = arith.addi %mul3A_13, %add3A_543 : i32
    %add3A_545 = vector.broadcast %add3A_544 : i32 to vector<16xi32>
    %add3A_546 = arith.addi %iota3A_542, %add3A_545 : vector<16xi32>
    %get3A_547 = arith.constant 448 : index
    %get3A_548 = tpu.vector_load %arg5[%get3A_547] {strides = array<i32>} : memref<1536xi32, #tpu.memory_space<vmem>>, vector<16xi32>,
    %get3A_549 = vector.shape_cast %get3A_548 : vector<16xi32> to vector<16xi32>
    %shift_right_logical3A_550 = arith.constant 10 : i32
    %shift_right_logical3A_551 = vector.broadcast %shift_right_logical3A_550 : i32 to vector<16xi32>
    %shift_right_logical3A_552 = arith.shrui %add3A_546, %shift_right_logical3A_551 : vector<16xi32>
    %mul3A_553 = arith.constant 1000 : i32
    %mul3A_554 = vector.broadcast %mul3A_553 : i32 to vector<16xi32>
    %mul3A_555 = arith.muli %shift_right_logical3A_552, %mul3A_554 : vector<16xi32>
    %add3A_556 = arith.addi %get3A_549, %mul3A_555 : vector<16xi32>
    %swap3A_557 = arith.constant 448 : index
    %swap3A_558 = tpu.vector_load %arg6[%swap3A_557] {strides = array<i32>} : memref<1536xi32, #tpu.memory_space<vmem>>, vector<16xi32>,
    %swap3A_559 = vector.shape_cast %swap3A_558 : vector<16xi32> to vector<16xi32>
    %swap3A_560 = vector.shape_cast %add3A_556 : vector<16xi32> to vector<16xi32>
    tpu.vector_store %arg6[%swap3A_557], %swap3A_560 {strides = array<i32>} : memref<1536xi32, #tpu.memory_space<vmem>>, vector<16xi32>,
    %iota3A_561 = tpu.iota {dimensions = array<i32: 0>} : vector<16xi32>
    %add3A_562 = arith.constant 464 : i32
    %add3A_563 = arith.addi %mul3A_13, %add3A_562 : i32
    %add3A_564 = vector.broadcast %add3A_563 : i32 to vector<16xi32>
    %add3A_565 = arith.addi %iota3A_561, %add3A_564 : vector<16xi32>
    %get3A_566 = arith.constant 464 : index
    %get3A_567 = tpu.vector_load %arg5[%get3A_566] {strides = array<i32>} : memref<1536xi32, #tpu.memory_space<vmem>>, vector<16xi32>,
    %get3A_568 = vector.shape_cast %get3A_567 : vector<16xi32> to vector<16xi32>
    %shift_right_logical3A_569 = arith.constant 10 : i32
    %shift_right_logical3A_570 = vector.broadcast %shift_right_logical3A_569 : i32 to vector<16xi32>
    %shift_right_logical3A_571 = arith.shrui %add3A_565, %shift_right_logical3A_570 : vector<16xi32>
    %mul3A_572 = arith.constant 1000 : i32
    %mul3A_573 = vector.broadcast %mul3A_572 : i32 to vector<16xi32>
    %mul3A_574 = arith.muli %shift_right_logical3A_571, %mul3A_573 : vector<16xi32>
    %add3A_575 = arith.addi %get3A_568, %mul3A_574 : vector<16xi32>
    %swap3A_576 = arith.constant 464 : index
    %swap3A_577 = tpu.vector_load %arg6[%swap3A_576] {strides = array<i32>} : memref<1536xi32, #tpu.memory_space<vmem>>, vector<16xi32>,
    %swap3A_578 = vector.shape_cast %swap3A_577 : vector<16xi32> to vector<16xi32>
    %swap3A_579 = vector.shape_cast %add3A_575 : vector<16xi32> to vector<16xi32>
    tpu.vector_store %arg6[%swap3A_576], %swap3A_579 {strides = array<i32>} : memref<1536xi32, #tpu.memory_space<vmem>>, vector<16xi32>,
    %iota3A_580 = tpu.iota {dimensions = array<i32: 0>} : vector<16xi32>
    %add3A_581 = arith.constant 480 : i32
    %add3A_582 = arith.addi %mul3A_13, %add3A_581 : i32
    %add3A_583 = vector.broadcast %add3A_582 : i32 to vector<16xi32>
    %add3A_584 = arith.addi %iota3A_580, %add3A_583 : vector<16xi32>
    %get3A_585 = arith.constant 480 : index
    %get3A_586 = tpu.vector_load %arg5[%get3A_585] {strides = array<i32>} : memref<1536xi32, #tpu.memory_space<vmem>>, vector<16xi32>,
    %get3A_587 = vector.shape_cast %get3A_586 : vector<16xi32> to vector<16xi32>
    %shift_right_logical3A_588 = arith.constant 10 : i32
    %shift_right_logical3A_589 = vector.broadcast %shift_right_logical3A_588 : i32 to vector<16xi32>
    %shift_right_logical3A_590 = arith.shrui %add3A_584, %shift_right_logical3A_589 : vector<16xi32>
    %mul3A_591 = arith.constant 1000 : i32
    %mul3A_592 = vector.broadcast %mul3A_591 : i32 to vector<16xi32>
    %mul3A_593 = arith.muli %shift_right_logical3A_590, %mul3A_592 : vector<16xi32>
    %add3A_594 = arith.addi %get3A_587, %mul3A_593 : vector<16xi32>
    %swap3A_595 = arith.constant 480 : index
    %swap3A_596 = tpu.vector_load %arg6[%swap3A_595] {strides = array<i32>} : memref<1536xi32, #tpu.memory_space<vmem>>, vector<16xi32>,
    %swap3A_597 = vector.shape_cast %swap3A_596 : vector<16xi32> to vector<16xi32>
    %swap3A_598 = vector.shape_cast %add3A_594 : vector<16xi32> to vector<16xi32>
    tpu.vector_store %arg6[%swap3A_595], %swap3A_598 {strides = array<i32>} : memref<1536xi32, #tpu.memory_space<vmem>>, vector<16xi32>,
    %iota3A_599 = tpu.iota {dimensions = array<i32: 0>} : vector<16xi32>
    %add3A_600 = arith.constant 496 : i32
    %add3A_601 = arith.addi %mul3A_13, %add3A_600 : i32
    %add3A_602 = vector.broadcast %add3A_601 : i32 to vector<16xi32>
    %add3A_603 = arith.addi %iota3A_599, %add3A_602 : vector<16xi32>
    %get3A_604 = arith.constant 496 : index
    %get3A_605 = tpu.vector_load %arg5[%get3A_604] {strides = array<i32>} : memref<1536xi32, #tpu.memory_space<vmem>>, vector<16xi32>,
    %get3A_606 = vector.shape_cast %get3A_605 : vector<16xi32> to vector<16xi32>
    %shift_right_logical3A_607 = arith.constant 10 : i32
    %shift_right_logical3A_608 = vector.broadcast %shift_right_logical3A_607 : i32 to vector<16xi32>
    %shift_right_logical3A_609 = arith.shrui %add3A_603, %shift_right_logical3A_608 : vector<16xi32>
    %mul3A_610 = arith.constant 1000 : i32
    %mul3A_611 = vector.broadcast %mul3A_610 : i32 to vector<16xi32>
    %mul3A_612 = arith.muli %shift_right_logical3A_609, %mul3A_611 : vector<16xi32>
    %add3A_613 = arith.addi %get3A_606, %mul3A_612 : vector<16xi32>
    %swap3A_614 = arith.constant 496 : index
    %swap3A_615 = tpu.vector_load %arg6[%swap3A_614] {strides = array<i32>} : memref<1536xi32, #tpu.memory_space<vmem>>, vector<16xi32>,
    %swap3A_616 = vector.shape_cast %swap3A_615 : vector<16xi32> to vector<16xi32>
    %swap3A_617 = vector.shape_cast %add3A_613 : vector<16xi32> to vector<16xi32>
    tpu.vector_store %arg6[%swap3A_614], %swap3A_617 {strides = array<i32>} : memref<1536xi32, #tpu.memory_space<vmem>>, vector<16xi32>,
    %iota3A_618 = tpu.iota {dimensions = array<i32: 0>} : vector<16xi32>
    %add3A_619 = arith.constant 512 : i32
    %add3A_620 = arith.addi %mul3A_13, %add3A_619 : i32
    %add3A_621 = vector.broadcast %add3A_620 : i32 to vector<16xi32>
    %add3A_622 = arith.addi %iota3A_618, %add3A_621 : vector<16xi32>
    %get3A_623 = arith.constant 512 : index
    %get3A_624 = tpu.vector_load %arg5[%get3A_623] {strides = array<i32>} : memref<1536xi32, #tpu.memory_space<vmem>>, vector<16xi32>,
    %get3A_625 = vector.shape_cast %get3A_624 : vector<16xi32> to vector<16xi32>
    %shift_right_logical3A_626 = arith.constant 10 : i32
    %shift_right_logical3A_627 = vector.broadcast %shift_right_logical3A_626 : i32 to vector<16xi32>
    %shift_right_logical3A_628 = arith.shrui %add3A_622, %shift_right_logical3A_627 : vector<16xi32>
    %mul3A_629 = arith.constant 1000 : i32
    %mul3A_630 = vector.broadcast %mul3A_629 : i32 to vector<16xi32>
    %mul3A_631 = arith.muli %shift_right_logical3A_628, %mul3A_630 : vector<16xi32>
    %add3A_632 = arith.addi %get3A_625, %mul3A_631 : vector<16xi32>
    %swap3A_633 = arith.constant 512 : index
    %swap3A_634 = tpu.vector_load %arg6[%swap3A_633] {strides = array<i32>} : memref<1536xi32, #tpu.memory_space<vmem>>, vector<16xi32>,
    %swap3A_635 = vector.shape_cast %swap3A_634 : vector<16xi32> to vector<16xi32>
    %swap3A_636 = vector.shape_cast %add3A_632 : vector<16xi32> to vector<16xi32>
    tpu.vector_store %arg6[%swap3A_633], %swap3A_636 {strides = array<i32>} : memref<1536xi32, #tpu.memory_space<vmem>>, vector<16xi32>,
    %iota3A_637 = tpu.iota {dimensions = array<i32: 0>} : vector<16xi32>
    %add3A_638 = arith.constant 528 : i32
    %add3A_639 = arith.addi %mul3A_13, %add3A_638 : i32
    %add3A_640 = vector.broadcast %add3A_639 : i32 to vector<16xi32>
    %add3A_641 = arith.addi %iota3A_637, %add3A_640 : vector<16xi32>
    %get3A_642 = arith.constant 528 : index
    %get3A_643 = tpu.vector_load %arg5[%get3A_642] {strides = array<i32>} : memref<1536xi32, #tpu.memory_space<vmem>>, vector<16xi32>,
    %get3A_644 = vector.shape_cast %get3A_643 : vector<16xi32> to vector<16xi32>
    %shift_right_logical3A_645 = arith.constant 10 : i32
    %shift_right_logical3A_646 = vector.broadcast %shift_right_logical3A_645 : i32 to vector<16xi32>
    %shift_right_logical3A_647 = arith.shrui %add3A_641, %shift_right_logical3A_646 : vector<16xi32>
    %mul3A_648 = arith.constant 1000 : i32
    %mul3A_649 = vector.broadcast %mul3A_648 : i32 to vector<16xi32>
    %mul3A_650 = arith.muli %shift_right_logical3A_647, %mul3A_649 : vector<16xi32>
    %add3A_651 = arith.addi %get3A_644, %mul3A_650 : vector<16xi32>
    %swap3A_652 = arith.constant 528 : index
    %swap3A_653 = tpu.vector_load %arg6[%swap3A_652] {strides = array<i32>} : memref<1536xi32, #tpu.memory_space<vmem>>, vector<16xi32>,
    %swap3A_654 = vector.shape_cast %swap3A_653 : vector<16xi32> to vector<16xi32>
    %swap3A_655 = vector.shape_cast %add3A_651 : vector<16xi32> to vector<16xi32>
    tpu.vector_store %arg6[%swap3A_652], %swap3A_655 {strides = array<i32>} : memref<1536xi32, #tpu.memory_space<vmem>>, vector<16xi32>,
    %iota3A_656 = tpu.iota {dimensions = array<i32: 0>} : vector<16xi32>
    %add3A_657 = arith.constant 544 : i32
    %add3A_658 = arith.addi %mul3A_13, %add3A_657 : i32
    %add3A_659 = vector.broadcast %add3A_658 : i32 to vector<16xi32>
    %add3A_660 = arith.addi %iota3A_656, %add3A_659 : vector<16xi32>
    %get3A_661 = arith.constant 544 : index
    %get3A_662 = tpu.vector_load %arg5[%get3A_661] {strides = array<i32>} : memref<1536xi32, #tpu.memory_space<vmem>>, vector<16xi32>,
    %get3A_663 = vector.shape_cast %get3A_662 : vector<16xi32> to vector<16xi32>
    %shift_right_logical3A_664 = arith.constant 10 : i32
    %shift_right_logical3A_665 = vector.broadcast %shift_right_logical3A_664 : i32 to vector<16xi32>
    %shift_right_logical3A_666 = arith.shrui %add3A_660, %shift_right_logical3A_665 : vector<16xi32>
    %mul3A_667 = arith.constant 1000 : i32
    %mul3A_668 = vector.broadcast %mul3A_667 : i32 to vector<16xi32>
    %mul3A_669 = arith.muli %shift_right_logical3A_666, %mul3A_668 : vector<16xi32>
    %add3A_670 = arith.addi %get3A_663, %mul3A_669 : vector<16xi32>
    %swap3A_671 = arith.constant 544 : index
    %swap3A_672 = tpu.vector_load %arg6[%swap3A_671] {strides = array<i32>} : memref<1536xi32, #tpu.memory_space<vmem>>, vector<16xi32>,
    %swap3A_673 = vector.shape_cast %swap3A_672 : vector<16xi32> to vector<16xi32>
    %swap3A_674 = vector.shape_cast %add3A_670 : vector<16xi32> to vector<16xi32>
    tpu.vector_store %arg6[%swap3A_671], %swap3A_674 {strides = array<i32>} : memref<1536xi32, #tpu.memory_space<vmem>>, vector<16xi32>,
    %iota3A_675 = tpu.iota {dimensions = array<i32: 0>} : vector<16xi32>
    %add3A_676 = arith.constant 560 : i32
    %add3A_677 = arith.addi %mul3A_13, %add3A_676 : i32
    %add3A_678 = vector.broadcast %add3A_677 : i32 to vector<16xi32>
    %add3A_679 = arith.addi %iota3A_675, %add3A_678 : vector<16xi32>
    %get3A_680 = arith.constant 560 : index
    %get3A_681 = tpu.vector_load %arg5[%get3A_680] {strides = array<i32>} : memref<1536xi32, #tpu.memory_space<vmem>>, vector<16xi32>,
    %get3A_682 = vector.shape_cast %get3A_681 : vector<16xi32> to vector<16xi32>
    %shift_right_logical3A_683 = arith.constant 10 : i32
    %shift_right_logical3A_684 = vector.broadcast %shift_right_logical3A_683 : i32 to vector<16xi32>
    %shift_right_logical3A_685 = arith.shrui %add3A_679, %shift_right_logical3A_684 : vector<16xi32>
    %mul3A_686 = arith.constant 1000 : i32
    %mul3A_687 = vector.broadcast %mul3A_686 : i32 to vector<16xi32>
    %mul3A_688 = arith.muli %shift_right_logical3A_685, %mul3A_687 : vector<16xi32>
    %add3A_689 = arith.addi %get3A_682, %mul3A_688 : vector<16xi32>
    %swap3A_690 = arith.constant 560 : index
    %swap3A_691 = tpu.vector_load %arg6[%swap3A_690] {strides = array<i32>} : memref<1536xi32, #tpu.memory_space<vmem>>, vector<16xi32>,
    %swap3A_692 = vector.shape_cast %swap3A_691 : vector<16xi32> to vector<16xi32>
    %swap3A_693 = vector.shape_cast %add3A_689 : vector<16xi32> to vector<16xi32>
    tpu.vector_store %arg6[%swap3A_690], %swap3A_693 {strides = array<i32>} : memref<1536xi32, #tpu.memory_space<vmem>>, vector<16xi32>,
    %iota3A_694 = tpu.iota {dimensions = array<i32: 0>} : vector<16xi32>
    %add3A_695 = arith.constant 576 : i32
    %add3A_696 = arith.addi %mul3A_13, %add3A_695 : i32
    %add3A_697 = vector.broadcast %add3A_696 : i32 to vector<16xi32>
    %add3A_698 = arith.addi %iota3A_694, %add3A_697 : vector<16xi32>
    %get3A_699 = arith.constant 576 : index
    %get3A_700 = tpu.vector_load %arg5[%get3A_699] {strides = array<i32>} : memref<1536xi32, #tpu.memory_space<vmem>>, vector<16xi32>,
    %get3A_701 = vector.shape_cast %get3A_700 : vector<16xi32> to vector<16xi32>
    %shift_right_logical3A_702 = arith.constant 10 : i32
    %shift_right_logical3A_703 = vector.broadcast %shift_right_logical3A_702 : i32 to vector<16xi32>
    %shift_right_logical3A_704 = arith.shrui %add3A_698, %shift_right_logical3A_703 : vector<16xi32>
    %mul3A_705 = arith.constant 1000 : i32
    %mul3A_706 = vector.broadcast %mul3A_705 : i32 to vector<16xi32>
    %mul3A_707 = arith.muli %shift_right_logical3A_704, %mul3A_706 : vector<16xi32>
    %add3A_708 = arith.addi %get3A_701, %mul3A_707 : vector<16xi32>
    %swap3A_709 = arith.constant 576 : index
    %swap3A_710 = tpu.vector_load %arg6[%swap3A_709] {strides = array<i32>} : memref<1536xi32, #tpu.memory_space<vmem>>, vector<16xi32>,
    %swap3A_711 = vector.shape_cast %swap3A_710 : vector<16xi32> to vector<16xi32>
    %swap3A_712 = vector.shape_cast %add3A_708 : vector<16xi32> to vector<16xi32>
    tpu.vector_store %arg6[%swap3A_709], %swap3A_712 {strides = array<i32>} : memref<1536xi32, #tpu.memory_space<vmem>>, vector<16xi32>,
    %iota3A_713 = tpu.iota {dimensions = array<i32: 0>} : vector<16xi32>
    %add3A_714 = arith.constant 592 : i32
    %add3A_715 = arith.addi %mul3A_13, %add3A_714 : i32
    %add3A_716 = vector.broadcast %add3A_715 : i32 to vector<16xi32>
    %add3A_717 = arith.addi %iota3A_713, %add3A_716 : vector<16xi32>
    %get3A_718 = arith.constant 592 : index
    %get3A_719 = tpu.vector_load %arg5[%get3A_718] {strides = array<i32>} : memref<1536xi32, #tpu.memory_space<vmem>>, vector<16xi32>,
    %get3A_720 = vector.shape_cast %get3A_719 : vector<16xi32> to vector<16xi32>
    %shift_right_logical3A_721 = arith.constant 10 : i32
    %shift_right_logical3A_722 = vector.broadcast %shift_right_logical3A_721 : i32 to vector<16xi32>
    %shift_right_logical3A_723 = arith.shrui %add3A_717, %shift_right_logical3A_722 : vector<16xi32>
    %mul3A_724 = arith.constant 1000 : i32
    %mul3A_725 = vector.broadcast %mul3A_724 : i32 to vector<16xi32>
    %mul3A_726 = arith.muli %shift_right_logical3A_723, %mul3A_725 : vector<16xi32>
    %add3A_727 = arith.addi %get3A_720, %mul3A_726 : vector<16xi32>
    %swap3A_728 = arith.constant 592 : index
    %swap3A_729 = tpu.vector_load %arg6[%swap3A_728] {strides = array<i32>} : memref<1536xi32, #tpu.memory_space<vmem>>, vector<16xi32>,
    %swap3A_730 = vector.shape_cast %swap3A_729 : vector<16xi32> to vector<16xi32>
    %swap3A_731 = vector.shape_cast %add3A_727 : vector<16xi32> to vector<16xi32>
    tpu.vector_store %arg6[%swap3A_728], %swap3A_731 {strides = array<i32>} : memref<1536xi32, #tpu.memory_space<vmem>>, vector<16xi32>,
    %iota3A_732 = tpu.iota {dimensions = array<i32: 0>} : vector<16xi32>
    %add3A_733 = arith.constant 608 : i32
    %add3A_734 = arith.addi %mul3A_13, %add3A_733 : i32
    %add3A_735 = vector.broadcast %add3A_734 : i32 to vector<16xi32>
    %add3A_736 = arith.addi %iota3A_732, %add3A_735 : vector<16xi32>
    %get3A_737 = arith.constant 608 : index
    %get3A_738 = tpu.vector_load %arg5[%get3A_737] {strides = array<i32>} : memref<1536xi32, #tpu.memory_space<vmem>>, vector<16xi32>,
    %get3A_739 = vector.shape_cast %get3A_738 : vector<16xi32> to vector<16xi32>
    %shift_right_logical3A_740 = arith.constant 10 : i32
    %shift_right_logical3A_741 = vector.broadcast %shift_right_logical3A_740 : i32 to vector<16xi32>
    %shift_right_logical3A_742 = arith.shrui %add3A_736, %shift_right_logical3A_741 : vector<16xi32>
    %mul3A_743 = arith.constant 1000 : i32
    %mul3A_744 = vector.broadcast %mul3A_743 : i32 to vector<16xi32>
    %mul3A_745 = arith.muli %shift_right_logical3A_742, %mul3A_744 : vector<16xi32>
    %add3A_746 = arith.addi %get3A_739, %mul3A_745 : vector<16xi32>
    %swap3A_747 = arith.constant 608 : index
    %swap3A_748 = tpu.vector_load %arg6[%swap3A_747] {strides = array<i32>} : memref<1536xi32, #tpu.memory_space<vmem>>, vector<16xi32>,
    %swap3A_749 = vector.shape_cast %swap3A_748 : vector<16xi32> to vector<16xi32>
    %swap3A_750 = vector.shape_cast %add3A_746 : vector<16xi32> to vector<16xi32>
    tpu.vector_store %arg6[%swap3A_747], %swap3A_750 {strides = array<i32>} : memref<1536xi32, #tpu.memory_space<vmem>>, vector<16xi32>,
    %iota3A_751 = tpu.iota {dimensions = array<i32: 0>} : vector<16xi32>
    %add3A_752 = arith.constant 624 : i32
    %add3A_753 = arith.addi %mul3A_13, %add3A_752 : i32
    %add3A_754 = vector.broadcast %add3A_753 : i32 to vector<16xi32>
    %add3A_755 = arith.addi %iota3A_751, %add3A_754 : vector<16xi32>
    %get3A_756 = arith.constant 624 : index
    %get3A_757 = tpu.vector_load %arg5[%get3A_756] {strides = array<i32>} : memref<1536xi32, #tpu.memory_space<vmem>>, vector<16xi32>,
    %get3A_758 = vector.shape_cast %get3A_757 : vector<16xi32> to vector<16xi32>
    %shift_right_logical3A_759 = arith.constant 10 : i32
    %shift_right_logical3A_760 = vector.broadcast %shift_right_logical3A_759 : i32 to vector<16xi32>
    %shift_right_logical3A_761 = arith.shrui %add3A_755, %shift_right_logical3A_760 : vector<16xi32>
    %mul3A_762 = arith.constant 1000 : i32
    %mul3A_763 = vector.broadcast %mul3A_762 : i32 to vector<16xi32>
    %mul3A_764 = arith.muli %shift_right_logical3A_761, %mul3A_763 : vector<16xi32>
    %add3A_765 = arith.addi %get3A_758, %mul3A_764 : vector<16xi32>
    %swap3A_766 = arith.constant 624 : index
    %swap3A_767 = tpu.vector_load %arg6[%swap3A_766] {strides = array<i32>} : memref<1536xi32, #tpu.memory_space<vmem>>, vector<16xi32>,
    %swap3A_768 = vector.shape_cast %swap3A_767 : vector<16xi32> to vector<16xi32>
    %swap3A_769 = vector.shape_cast %add3A_765 : vector<16xi32> to vector<16xi32>
    tpu.vector_store %arg6[%swap3A_766], %swap3A_769 {strides = array<i32>} : memref<1536xi32, #tpu.memory_space<vmem>>, vector<16xi32>,
    %iota3A_770 = tpu.iota {dimensions = array<i32: 0>} : vector<16xi32>
    %add3A_771 = arith.constant 640 : i32
    %add3A_772 = arith.addi %mul3A_13, %add3A_771 : i32
    %add3A_773 = vector.broadcast %add3A_772 : i32 to vector<16xi32>
    %add3A_774 = arith.addi %iota3A_770, %add3A_773 : vector<16xi32>
    %get3A_775 = arith.constant 640 : index
    %get3A_776 = tpu.vector_load %arg5[%get3A_775] {strides = array<i32>} : memref<1536xi32, #tpu.memory_space<vmem>>, vector<16xi32>,
    %get3A_777 = vector.shape_cast %get3A_776 : vector<16xi32> to vector<16xi32>
    %shift_right_logical3A_778 = arith.constant 10 : i32
    %shift_right_logical3A_779 = vector.broadcast %shift_right_logical3A_778 : i32 to vector<16xi32>
    %shift_right_logical3A_780 = arith.shrui %add3A_774, %shift_right_logical3A_779 : vector<16xi32>
    %mul3A_781 = arith.constant 1000 : i32
    %mul3A_782 = vector.broadcast %mul3A_781 : i32 to vector<16xi32>
    %mul3A_783 = arith.muli %shift_right_logical3A_780, %mul3A_782 : vector<16xi32>
    %add3A_784 = arith.addi %get3A_777, %mul3A_783 : vector<16xi32>
    %swap3A_785 = arith.constant 640 : index
    %swap3A_786 = tpu.vector_load %arg6[%swap3A_785] {strides = array<i32>} : memref<1536xi32, #tpu.memory_space<vmem>>, vector<16xi32>,
    %swap3A_787 = vector.shape_cast %swap3A_786 : vector<16xi32> to vector<16xi32>
    %swap3A_788 = vector.shape_cast %add3A_784 : vector<16xi32> to vector<16xi32>
    tpu.vector_store %arg6[%swap3A_785], %swap3A_788 {strides = array<i32>} : memref<1536xi32, #tpu.memory_space<vmem>>, vector<16xi32>,
    %iota3A_789 = tpu.iota {dimensions = array<i32: 0>} : vector<16xi32>
    %add3A_790 = arith.constant 656 : i32
    %add3A_791 = arith.addi %mul3A_13, %add3A_790 : i32
    %add3A_792 = vector.broadcast %add3A_791 : i32 to vector<16xi32>
    %add3A_793 = arith.addi %iota3A_789, %add3A_792 : vector<16xi32>
    %get3A_794 = arith.constant 656 : index
    %get3A_795 = tpu.vector_load %arg5[%get3A_794] {strides = array<i32>} : memref<1536xi32, #tpu.memory_space<vmem>>, vector<16xi32>,
    %get3A_796 = vector.shape_cast %get3A_795 : vector<16xi32> to vector<16xi32>
    %shift_right_logical3A_797 = arith.constant 10 : i32
    %shift_right_logical3A_798 = vector.broadcast %shift_right_logical3A_797 : i32 to vector<16xi32>
    %shift_right_logical3A_799 = arith.shrui %add3A_793, %shift_right_logical3A_798 : vector<16xi32>
    %mul3A_800 = arith.constant 1000 : i32
    %mul3A_801 = vector.broadcast %mul3A_800 : i32 to vector<16xi32>
    %mul3A_802 = arith.muli %shift_right_logical3A_799, %mul3A_801 : vector<16xi32>
    %add3A_803 = arith.addi %get3A_796, %mul3A_802 : vector<16xi32>
    %swap3A_804 = arith.constant 656 : index
    %swap3A_805 = tpu.vector_load %arg6[%swap3A_804] {strides = array<i32>} : memref<1536xi32, #tpu.memory_space<vmem>>, vector<16xi32>,
    %swap3A_806 = vector.shape_cast %swap3A_805 : vector<16xi32> to vector<16xi32>
    %swap3A_807 = vector.shape_cast %add3A_803 : vector<16xi32> to vector<16xi32>
    tpu.vector_store %arg6[%swap3A_804], %swap3A_807 {strides = array<i32>} : memref<1536xi32, #tpu.memory_space<vmem>>, vector<16xi32>,
    %iota3A_808 = tpu.iota {dimensions = array<i32: 0>} : vector<16xi32>
    %add3A_809 = arith.constant 672 : i32
    %add3A_810 = arith.addi %mul3A_13, %add3A_809 : i32
    %add3A_811 = vector.broadcast %add3A_810 : i32 to vector<16xi32>
    %add3A_812 = arith.addi %iota3A_808, %add3A_811 : vector<16xi32>
    %get3A_813 = arith.constant 672 : index
    %get3A_814 = tpu.vector_load %arg5[%get3A_813] {strides = array<i32>} : memref<1536xi32, #tpu.memory_space<vmem>>, vector<16xi32>,
    %get3A_815 = vector.shape_cast %get3A_814 : vector<16xi32> to vector<16xi32>
    %shift_right_logical3A_816 = arith.constant 10 : i32
    %shift_right_logical3A_817 = vector.broadcast %shift_right_logical3A_816 : i32 to vector<16xi32>
    %shift_right_logical3A_818 = arith.shrui %add3A_812, %shift_right_logical3A_817 : vector<16xi32>
    %mul3A_819 = arith.constant 1000 : i32
    %mul3A_820 = vector.broadcast %mul3A_819 : i32 to vector<16xi32>
    %mul3A_821 = arith.muli %shift_right_logical3A_818, %mul3A_820 : vector<16xi32>
    %add3A_822 = arith.addi %get3A_815, %mul3A_821 : vector<16xi32>
    %swap3A_823 = arith.constant 672 : index
    %swap3A_824 = tpu.vector_load %arg6[%swap3A_823] {strides = array<i32>} : memref<1536xi32, #tpu.memory_space<vmem>>, vector<16xi32>,
    %swap3A_825 = vector.shape_cast %swap3A_824 : vector<16xi32> to vector<16xi32>
    %swap3A_826 = vector.shape_cast %add3A_822 : vector<16xi32> to vector<16xi32>
    tpu.vector_store %arg6[%swap3A_823], %swap3A_826 {strides = array<i32>} : memref<1536xi32, #tpu.memory_space<vmem>>, vector<16xi32>,
    %iota3A_827 = tpu.iota {dimensions = array<i32: 0>} : vector<16xi32>
    %add3A_828 = arith.constant 688 : i32
    %add3A_829 = arith.addi %mul3A_13, %add3A_828 : i32
    %add3A_830 = vector.broadcast %add3A_829 : i32 to vector<16xi32>
    %add3A_831 = arith.addi %iota3A_827, %add3A_830 : vector<16xi32>
    %get3A_832 = arith.constant 688 : index
    %get3A_833 = tpu.vector_load %arg5[%get3A_832] {strides = array<i32>} : memref<1536xi32, #tpu.memory_space<vmem>>, vector<16xi32>,
    %get3A_834 = vector.shape_cast %get3A_833 : vector<16xi32> to vector<16xi32>
    %shift_right_logical3A_835 = arith.constant 10 : i32
    %shift_right_logical3A_836 = vector.broadcast %shift_right_logical3A_835 : i32 to vector<16xi32>
    %shift_right_logical3A_837 = arith.shrui %add3A_831, %shift_right_logical3A_836 : vector<16xi32>
    %mul3A_838 = arith.constant 1000 : i32
    %mul3A_839 = vector.broadcast %mul3A_838 : i32 to vector<16xi32>
    %mul3A_840 = arith.muli %shift_right_logical3A_837, %mul3A_839 : vector<16xi32>
    %add3A_841 = arith.addi %get3A_834, %mul3A_840 : vector<16xi32>
    %swap3A_842 = arith.constant 688 : index
    %swap3A_843 = tpu.vector_load %arg6[%swap3A_842] {strides = array<i32>} : memref<1536xi32, #tpu.memory_space<vmem>>, vector<16xi32>,
    %swap3A_844 = vector.shape_cast %swap3A_843 : vector<16xi32> to vector<16xi32>
    %swap3A_845 = vector.shape_cast %add3A_841 : vector<16xi32> to vector<16xi32>
    tpu.vector_store %arg6[%swap3A_842], %swap3A_845 {strides = array<i32>} : memref<1536xi32, #tpu.memory_space<vmem>>, vector<16xi32>,
    %iota3A_846 = tpu.iota {dimensions = array<i32: 0>} : vector<16xi32>
    %add3A_847 = arith.constant 704 : i32
    %add3A_848 = arith.addi %mul3A_13, %add3A_847 : i32
    %add3A_849 = vector.broadcast %add3A_848 : i32 to vector<16xi32>
    %add3A_850 = arith.addi %iota3A_846, %add3A_849 : vector<16xi32>
    %get3A_851 = arith.constant 704 : index
    %get3A_852 = tpu.vector_load %arg5[%get3A_851] {strides = array<i32>} : memref<1536xi32, #tpu.memory_space<vmem>>, vector<16xi32>,
    %get3A_853 = vector.shape_cast %get3A_852 : vector<16xi32> to vector<16xi32>
    %shift_right_logical3A_854 = arith.constant 10 : i32
    %shift_right_logical3A_855 = vector.broadcast %shift_right_logical3A_854 : i32 to vector<16xi32>
    %shift_right_logical3A_856 = arith.shrui %add3A_850, %shift_right_logical3A_855 : vector<16xi32>
    %mul3A_857 = arith.constant 1000 : i32
    %mul3A_858 = vector.broadcast %mul3A_857 : i32 to vector<16xi32>
    %mul3A_859 = arith.muli %shift_right_logical3A_856, %mul3A_858 : vector<16xi32>
    %add3A_860 = arith.addi %get3A_853, %mul3A_859 : vector<16xi32>
    %swap3A_861 = arith.constant 704 : index
    %swap3A_862 = tpu.vector_load %arg6[%swap3A_861] {strides = array<i32>} : memref<1536xi32, #tpu.memory_space<vmem>>, vector<16xi32>,
    %swap3A_863 = vector.shape_cast %swap3A_862 : vector<16xi32> to vector<16xi32>
    %swap3A_864 = vector.shape_cast %add3A_860 : vector<16xi32> to vector<16xi32>
    tpu.vector_store %arg6[%swap3A_861], %swap3A_864 {strides = array<i32>} : memref<1536xi32, #tpu.memory_space<vmem>>, vector<16xi32>,
    %iota3A_865 = tpu.iota {dimensions = array<i32: 0>} : vector<16xi32>
    %add3A_866 = arith.constant 720 : i32
    %add3A_867 = arith.addi %mul3A_13, %add3A_866 : i32
    %add3A_868 = vector.broadcast %add3A_867 : i32 to vector<16xi32>
    %add3A_869 = arith.addi %iota3A_865, %add3A_868 : vector<16xi32>
    %get3A_870 = arith.constant 720 : index
    %get3A_871 = tpu.vector_load %arg5[%get3A_870] {strides = array<i32>} : memref<1536xi32, #tpu.memory_space<vmem>>, vector<16xi32>,
    %get3A_872 = vector.shape_cast %get3A_871 : vector<16xi32> to vector<16xi32>
    %shift_right_logical3A_873 = arith.constant 10 : i32
    %shift_right_logical3A_874 = vector.broadcast %shift_right_logical3A_873 : i32 to vector<16xi32>
    %shift_right_logical3A_875 = arith.shrui %add3A_869, %shift_right_logical3A_874 : vector<16xi32>
    %mul3A_876 = arith.constant 1000 : i32
    %mul3A_877 = vector.broadcast %mul3A_876 : i32 to vector<16xi32>
    %mul3A_878 = arith.muli %shift_right_logical3A_875, %mul3A_877 : vector<16xi32>
    %add3A_879 = arith.addi %get3A_872, %mul3A_878 : vector<16xi32>
    %swap3A_880 = arith.constant 720 : index
    %swap3A_881 = tpu.vector_load %arg6[%swap3A_880] {strides = array<i32>} : memref<1536xi32, #tpu.memory_space<vmem>>, vector<16xi32>,
    %swap3A_882 = vector.shape_cast %swap3A_881 : vector<16xi32> to vector<16xi32>
    %swap3A_883 = vector.shape_cast %add3A_879 : vector<16xi32> to vector<16xi32>
    tpu.vector_store %arg6[%swap3A_880], %swap3A_883 {strides = array<i32>} : memref<1536xi32, #tpu.memory_space<vmem>>, vector<16xi32>,
    %iota3A_884 = tpu.iota {dimensions = array<i32: 0>} : vector<16xi32>
    %add3A_885 = arith.constant 736 : i32
    %add3A_886 = arith.addi %mul3A_13, %add3A_885 : i32
    %add3A_887 = vector.broadcast %add3A_886 : i32 to vector<16xi32>
    %add3A_888 = arith.addi %iota3A_884, %add3A_887 : vector<16xi32>
    %get3A_889 = arith.constant 736 : index
    %get3A_890 = tpu.vector_load %arg5[%get3A_889] {strides = array<i32>} : memref<1536xi32, #tpu.memory_space<vmem>>, vector<16xi32>,
    %get3A_891 = vector.shape_cast %get3A_890 : vector<16xi32> to vector<16xi32>
    %shift_right_logical3A_892 = arith.constant 10 : i32
    %shift_right_logical3A_893 = vector.broadcast %shift_right_logical3A_892 : i32 to vector<16xi32>
    %shift_right_logical3A_894 = arith.shrui %add3A_888, %shift_right_logical3A_893 : vector<16xi32>
    %mul3A_895 = arith.constant 1000 : i32
    %mul3A_896 = vector.broadcast %mul3A_895 : i32 to vector<16xi32>
    %mul3A_897 = arith.muli %shift_right_logical3A_894, %mul3A_896 : vector<16xi32>
    %add3A_898 = arith.addi %get3A_891, %mul3A_897 : vector<16xi32>
    %swap3A_899 = arith.constant 736 : index
    %swap3A_900 = tpu.vector_load %arg6[%swap3A_899] {strides = array<i32>} : memref<1536xi32, #tpu.memory_space<vmem>>, vector<16xi32>,
    %swap3A_901 = vector.shape_cast %swap3A_900 : vector<16xi32> to vector<16xi32>
    %swap3A_902 = vector.shape_cast %add3A_898 : vector<16xi32> to vector<16xi32>
    tpu.vector_store %arg6[%swap3A_899], %swap3A_902 {strides = array<i32>} : memref<1536xi32, #tpu.memory_space<vmem>>, vector<16xi32>,
    %iota3A_903 = tpu.iota {dimensions = array<i32: 0>} : vector<16xi32>
    %add3A_904 = arith.constant 752 : i32
    %add3A_905 = arith.addi %mul3A_13, %add3A_904 : i32
    %add3A_906 = vector.broadcast %add3A_905 : i32 to vector<16xi32>
    %add3A_907 = arith.addi %iota3A_903, %add3A_906 : vector<16xi32>
    %get3A_908 = arith.constant 752 : index
    %get3A_909 = tpu.vector_load %arg5[%get3A_908] {strides = array<i32>} : memref<1536xi32, #tpu.memory_space<vmem>>, vector<16xi32>,
    %get3A_910 = vector.shape_cast %get3A_909 : vector<16xi32> to vector<16xi32>
    %shift_right_logical3A_911 = arith.constant 10 : i32
    %shift_right_logical3A_912 = vector.broadcast %shift_right_logical3A_911 : i32 to vector<16xi32>
    %shift_right_logical3A_913 = arith.shrui %add3A_907, %shift_right_logical3A_912 : vector<16xi32>
    %mul3A_914 = arith.constant 1000 : i32
    %mul3A_915 = vector.broadcast %mul3A_914 : i32 to vector<16xi32>
    %mul3A_916 = arith.muli %shift_right_logical3A_913, %mul3A_915 : vector<16xi32>
    %add3A_917 = arith.addi %get3A_910, %mul3A_916 : vector<16xi32>
    %swap3A_918 = arith.constant 752 : index
    %swap3A_919 = tpu.vector_load %arg6[%swap3A_918] {strides = array<i32>} : memref<1536xi32, #tpu.memory_space<vmem>>, vector<16xi32>,
    %swap3A_920 = vector.shape_cast %swap3A_919 : vector<16xi32> to vector<16xi32>
    %swap3A_921 = vector.shape_cast %add3A_917 : vector<16xi32> to vector<16xi32>
    tpu.vector_store %arg6[%swap3A_918], %swap3A_921 {strides = array<i32>} : memref<1536xi32, #tpu.memory_space<vmem>>, vector<16xi32>,
    %iota3A_922 = tpu.iota {dimensions = array<i32: 0>} : vector<16xi32>
    %add3A_923 = arith.constant 768 : i32
    %add3A_924 = arith.addi %mul3A_13, %add3A_923 : i32
    %add3A_925 = vector.broadcast %add3A_924 : i32 to vector<16xi32>
    %add3A_926 = arith.addi %iota3A_922, %add3A_925 : vector<16xi32>
    %get3A_927 = arith.constant 768 : index
    %get3A_928 = tpu.vector_load %arg5[%get3A_927] {strides = array<i32>} : memref<1536xi32, #tpu.memory_space<vmem>>, vector<16xi32>,
    %get3A_929 = vector.shape_cast %get3A_928 : vector<16xi32> to vector<16xi32>
    %shift_right_logical3A_930 = arith.constant 10 : i32
    %shift_right_logical3A_931 = vector.broadcast %shift_right_logical3A_930 : i32 to vector<16xi32>
    %shift_right_logical3A_932 = arith.shrui %add3A_926, %shift_right_logical3A_931 : vector<16xi32>
    %mul3A_933 = arith.constant 1000 : i32
    %mul3A_934 = vector.broadcast %mul3A_933 : i32 to vector<16xi32>
    %mul3A_935 = arith.muli %shift_right_logical3A_932, %mul3A_934 : vector<16xi32>
    %add3A_936 = arith.addi %get3A_929, %mul3A_935 : vector<16xi32>
    %swap3A_937 = arith.constant 768 : index
    %swap3A_938 = tpu.vector_load %arg6[%swap3A_937] {strides = array<i32>} : memref<1536xi32, #tpu.memory_space<vmem>>, vector<16xi32>,
    %swap3A_939 = vector.shape_cast %swap3A_938 : vector<16xi32> to vector<16xi32>
    %swap3A_940 = vector.shape_cast %add3A_936 : vector<16xi32> to vector<16xi32>
    tpu.vector_store %arg6[%swap3A_937], %swap3A_940 {strides = array<i32>} : memref<1536xi32, #tpu.memory_space<vmem>>, vector<16xi32>,
    %iota3A_941 = tpu.iota {dimensions = array<i32: 0>} : vector<16xi32>
    %add3A_942 = arith.constant 784 : i32
    %add3A_943 = arith.addi %mul3A_13, %add3A_942 : i32
    %add3A_944 = vector.broadcast %add3A_943 : i32 to vector<16xi32>
    %add3A_945 = arith.addi %iota3A_941, %add3A_944 : vector<16xi32>
    %get3A_946 = arith.constant 784 : index
    %get3A_947 = tpu.vector_load %arg5[%get3A_946] {strides = array<i32>} : memref<1536xi32, #tpu.memory_space<vmem>>, vector<16xi32>,
    %get3A_948 = vector.shape_cast %get3A_947 : vector<16xi32> to vector<16xi32>
    %shift_right_logical3A_949 = arith.constant 10 : i32
    %shift_right_logical3A_950 = vector.broadcast %shift_right_logical3A_949 : i32 to vector<16xi32>
    %shift_right_logical3A_951 = arith.shrui %add3A_945, %shift_right_logical3A_950 : vector<16xi32>
    %mul3A_952 = arith.constant 1000 : i32
    %mul3A_953 = vector.broadcast %mul3A_952 : i32 to vector<16xi32>
    %mul3A_954 = arith.muli %shift_right_logical3A_951, %mul3A_953 : vector<16xi32>
    %add3A_955 = arith.addi %get3A_948, %mul3A_954 : vector<16xi32>
    %swap3A_956 = arith.constant 784 : index
    %swap3A_957 = tpu.vector_load %arg6[%swap3A_956] {strides = array<i32>} : memref<1536xi32, #tpu.memory_space<vmem>>, vector<16xi32>,
    %swap3A_958 = vector.shape_cast %swap3A_957 : vector<16xi32> to vector<16xi32>
    %swap3A_959 = vector.shape_cast %add3A_955 : vector<16xi32> to vector<16xi32>
    tpu.vector_store %arg6[%swap3A_956], %swap3A_959 {strides = array<i32>} : memref<1536xi32, #tpu.memory_space<vmem>>, vector<16xi32>,
    %iota3A_960 = tpu.iota {dimensions = array<i32: 0>} : vector<16xi32>
    %add3A_961 = arith.constant 800 : i32
    %add3A_962 = arith.addi %mul3A_13, %add3A_961 : i32
    %add3A_963 = vector.broadcast %add3A_962 : i32 to vector<16xi32>
    %add3A_964 = arith.addi %iota3A_960, %add3A_963 : vector<16xi32>
    %get3A_965 = arith.constant 800 : index
    %get3A_966 = tpu.vector_load %arg5[%get3A_965] {strides = array<i32>} : memref<1536xi32, #tpu.memory_space<vmem>>, vector<16xi32>,
    %get3A_967 = vector.shape_cast %get3A_966 : vector<16xi32> to vector<16xi32>
    %shift_right_logical3A_968 = arith.constant 10 : i32
    %shift_right_logical3A_969 = vector.broadcast %shift_right_logical3A_968 : i32 to vector<16xi32>
    %shift_right_logical3A_970 = arith.shrui %add3A_964, %shift_right_logical3A_969 : vector<16xi32>
    %mul3A_971 = arith.constant 1000 : i32
    %mul3A_972 = vector.broadcast %mul3A_971 : i32 to vector<16xi32>
    %mul3A_973 = arith.muli %shift_right_logical3A_970, %mul3A_972 : vector<16xi32>
    %add3A_974 = arith.addi %get3A_967, %mul3A_973 : vector<16xi32>
    %swap3A_975 = arith.constant 800 : index
    %swap3A_976 = tpu.vector_load %arg6[%swap3A_975] {strides = array<i32>} : memref<1536xi32, #tpu.memory_space<vmem>>, vector<16xi32>,
    %swap3A_977 = vector.shape_cast %swap3A_976 : vector<16xi32> to vector<16xi32>
    %swap3A_978 = vector.shape_cast %add3A_974 : vector<16xi32> to vector<16xi32>
    tpu.vector_store %arg6[%swap3A_975], %swap3A_978 {strides = array<i32>} : memref<1536xi32, #tpu.memory_space<vmem>>, vector<16xi32>,
    %iota3A_979 = tpu.iota {dimensions = array<i32: 0>} : vector<16xi32>
    %add3A_980 = arith.constant 816 : i32
    %add3A_981 = arith.addi %mul3A_13, %add3A_980 : i32
    %add3A_982 = vector.broadcast %add3A_981 : i32 to vector<16xi32>
    %add3A_983 = arith.addi %iota3A_979, %add3A_982 : vector<16xi32>
    %get3A_984 = arith.constant 816 : index
    %get3A_985 = tpu.vector_load %arg5[%get3A_984] {strides = array<i32>} : memref<1536xi32, #tpu.memory_space<vmem>>, vector<16xi32>,
    %get3A_986 = vector.shape_cast %get3A_985 : vector<16xi32> to vector<16xi32>
    %shift_right_logical3A_987 = arith.constant 10 : i32
    %shift_right_logical3A_988 = vector.broadcast %shift_right_logical3A_987 : i32 to vector<16xi32>
    %shift_right_logical3A_989 = arith.shrui %add3A_983, %shift_right_logical3A_988 : vector<16xi32>
    %mul3A_990 = arith.constant 1000 : i32
    %mul3A_991 = vector.broadcast %mul3A_990 : i32 to vector<16xi32>
    %mul3A_992 = arith.muli %shift_right_logical3A_989, %mul3A_991 : vector<16xi32>
    %add3A_993 = arith.addi %get3A_986, %mul3A_992 : vector<16xi32>
    %swap3A_994 = arith.constant 816 : index
    %swap3A_995 = tpu.vector_load %arg6[%swap3A_994] {strides = array<i32>} : memref<1536xi32, #tpu.memory_space<vmem>>, vector<16xi32>,
    %swap3A_996 = vector.shape_cast %swap3A_995 : vector<16xi32> to vector<16xi32>
    %swap3A_997 = vector.shape_cast %add3A_993 : vector<16xi32> to vector<16xi32>
    tpu.vector_store %arg6[%swap3A_994], %swap3A_997 {strides = array<i32>} : memref<1536xi32, #tpu.memory_space<vmem>>, vector<16xi32>,
    %iota3A_998 = tpu.iota {dimensions = array<i32: 0>} : vector<16xi32>
    %add3A_999 = arith.constant 832 : i32
    %add3A_1000 = arith.addi %mul3A_13, %add3A_999 : i32
    %add3A_1001 = vector.broadcast %add3A_1000 : i32 to vector<16xi32>
    %add3A_1002 = arith.addi %iota3A_998, %add3A_1001 : vector<16xi32>
    %get3A_1003 = arith.constant 832 : index
    %get3A_1004 = tpu.vector_load %arg5[%get3A_1003] {strides = array<i32>} : memref<1536xi32, #tpu.memory_space<vmem>>, vector<16xi32>,
    %get3A_1005 = vector.shape_cast %get3A_1004 : vector<16xi32> to vector<16xi32>
    %shift_right_logical3A_1006 = arith.constant 10 : i32
    %shift_right_logical3A_1007 = vector.broadcast %shift_right_logical3A_1006 : i32 to vector<16xi32>
    %shift_right_logical3A_1008 = arith.shrui %add3A_1002, %shift_right_logical3A_1007 : vector<16xi32>
    %mul3A_1009 = arith.constant 1000 : i32
    %mul3A_1010 = vector.broadcast %mul3A_1009 : i32 to vector<16xi32>
    %mul3A_1011 = arith.muli %shift_right_logical3A_1008, %mul3A_1010 : vector<16xi32>
    %add3A_1012 = arith.addi %get3A_1005, %mul3A_1011 : vector<16xi32>
    %swap3A_1013 = arith.constant 832 : index
    %swap3A_1014 = tpu.vector_load %arg6[%swap3A_1013] {strides = array<i32>} : memref<1536xi32, #tpu.memory_space<vmem>>, vector<16xi32>,
    %swap3A_1015 = vector.shape_cast %swap3A_1014 : vector<16xi32> to vector<16xi32>
    %swap3A_1016 = vector.shape_cast %add3A_1012 : vector<16xi32> to vector<16xi32>
    tpu.vector_store %arg6[%swap3A_1013], %swap3A_1016 {strides = array<i32>} : memref<1536xi32, #tpu.memory_space<vmem>>, vector<16xi32>,
    %iota3A_1017 = tpu.iota {dimensions = array<i32: 0>} : vector<16xi32>
    %add3A_1018 = arith.constant 848 : i32
    %add3A_1019 = arith.addi %mul3A_13, %add3A_1018 : i32
    %add3A_1020 = vector.broadcast %add3A_1019 : i32 to vector<16xi32>
    %add3A_1021 = arith.addi %iota3A_1017, %add3A_1020 : vector<16xi32>
    %get3A_1022 = arith.constant 848 : index
    %get3A_1023 = tpu.vector_load %arg5[%get3A_1022] {strides = array<i32>} : memref<1536xi32, #tpu.memory_space<vmem>>, vector<16xi32>,
    %get3A_1024 = vector.shape_cast %get3A_1023 : vector<16xi32> to vector<16xi32>
    %shift_right_logical3A_1025 = arith.constant 10 : i32
    %shift_right_logical3A_1026 = vector.broadcast %shift_right_logical3A_1025 : i32 to vector<16xi32>
    %shift_right_logical3A_1027 = arith.shrui %add3A_1021, %shift_right_logical3A_1026 : vector<16xi32>
    %mul3A_1028 = arith.constant 1000 : i32
    %mul3A_1029 = vector.broadcast %mul3A_1028 : i32 to vector<16xi32>
    %mul3A_1030 = arith.muli %shift_right_logical3A_1027, %mul3A_1029 : vector<16xi32>
    %add3A_1031 = arith.addi %get3A_1024, %mul3A_1030 : vector<16xi32>
    %swap3A_1032 = arith.constant 848 : index
    %swap3A_1033 = tpu.vector_load %arg6[%swap3A_1032] {strides = array<i32>} : memref<1536xi32, #tpu.memory_space<vmem>>, vector<16xi32>,
    %swap3A_1034 = vector.shape_cast %swap3A_1033 : vector<16xi32> to vector<16xi32>
    %swap3A_1035 = vector.shape_cast %add3A_1031 : vector<16xi32> to vector<16xi32>
    tpu.vector_store %arg6[%swap3A_1032], %swap3A_1035 {strides = array<i32>} : memref<1536xi32, #tpu.memory_space<vmem>>, vector<16xi32>,
    %iota3A_1036 = tpu.iota {dimensions = array<i32: 0>} : vector<16xi32>
    %add3A_1037 = arith.constant 864 : i32
    %add3A_1038 = arith.addi %mul3A_13, %add3A_1037 : i32
    %add3A_1039 = vector.broadcast %add3A_1038 : i32 to vector<16xi32>
    %add3A_1040 = arith.addi %iota3A_1036, %add3A_1039 : vector<16xi32>
    %get3A_1041 = arith.constant 864 : index
    %get3A_1042 = tpu.vector_load %arg5[%get3A_1041] {strides = array<i32>} : memref<1536xi32, #tpu.memory_space<vmem>>, vector<16xi32>,
    %get3A_1043 = vector.shape_cast %get3A_1042 : vector<16xi32> to vector<16xi32>
    %shift_right_logical3A_1044 = arith.constant 10 : i32
    %shift_right_logical3A_1045 = vector.broadcast %shift_right_logical3A_1044 : i32 to vector<16xi32>
    %shift_right_logical3A_1046 = arith.shrui %add3A_1040, %shift_right_logical3A_1045 : vector<16xi32>
    %mul3A_1047 = arith.constant 1000 : i32
    %mul3A_1048 = vector.broadcast %mul3A_1047 : i32 to vector<16xi32>
    %mul3A_1049 = arith.muli %shift_right_logical3A_1046, %mul3A_1048 : vector<16xi32>
    %add3A_1050 = arith.addi %get3A_1043, %mul3A_1049 : vector<16xi32>
    %swap3A_1051 = arith.constant 864 : index
    %swap3A_1052 = tpu.vector_load %arg6[%swap3A_1051] {strides = array<i32>} : memref<1536xi32, #tpu.memory_space<vmem>>, vector<16xi32>,
    %swap3A_1053 = vector.shape_cast %swap3A_1052 : vector<16xi32> to vector<16xi32>
    %swap3A_1054 = vector.shape_cast %add3A_1050 : vector<16xi32> to vector<16xi32>
    tpu.vector_store %arg6[%swap3A_1051], %swap3A_1054 {strides = array<i32>} : memref<1536xi32, #tpu.memory_space<vmem>>, vector<16xi32>,
    %iota3A_1055 = tpu.iota {dimensions = array<i32: 0>} : vector<16xi32>
    %add3A_1056 = arith.constant 880 : i32
    %add3A_1057 = arith.addi %mul3A_13, %add3A_1056 : i32
    %add3A_1058 = vector.broadcast %add3A_1057 : i32 to vector<16xi32>
    %add3A_1059 = arith.addi %iota3A_1055, %add3A_1058 : vector<16xi32>
    %get3A_1060 = arith.constant 880 : index
    %get3A_1061 = tpu.vector_load %arg5[%get3A_1060] {strides = array<i32>} : memref<1536xi32, #tpu.memory_space<vmem>>, vector<16xi32>,
    %get3A_1062 = vector.shape_cast %get3A_1061 : vector<16xi32> to vector<16xi32>
    %shift_right_logical3A_1063 = arith.constant 10 : i32
    %shift_right_logical3A_1064 = vector.broadcast %shift_right_logical3A_1063 : i32 to vector<16xi32>
    %shift_right_logical3A_1065 = arith.shrui %add3A_1059, %shift_right_logical3A_1064 : vector<16xi32>
    %mul3A_1066 = arith.constant 1000 : i32
    %mul3A_1067 = vector.broadcast %mul3A_1066 : i32 to vector<16xi32>
    %mul3A_1068 = arith.muli %shift_right_logical3A_1065, %mul3A_1067 : vector<16xi32>
    %add3A_1069 = arith.addi %get3A_1062, %mul3A_1068 : vector<16xi32>
    %swap3A_1070 = arith.constant 880 : index
    %swap3A_1071 = tpu.vector_load %arg6[%swap3A_1070] {strides = array<i32>} : memref<1536xi32, #tpu.memory_space<vmem>>, vector<16xi32>,
    %swap3A_1072 = vector.shape_cast %swap3A_1071 : vector<16xi32> to vector<16xi32>
    %swap3A_1073 = vector.shape_cast %add3A_1069 : vector<16xi32> to vector<16xi32>
    tpu.vector_store %arg6[%swap3A_1070], %swap3A_1073 {strides = array<i32>} : memref<1536xi32, #tpu.memory_space<vmem>>, vector<16xi32>,
    %iota3A_1074 = tpu.iota {dimensions = array<i32: 0>} : vector<16xi32>
    %add3A_1075 = arith.constant 896 : i32
    %add3A_1076 = arith.addi %mul3A_13, %add3A_1075 : i32
    %add3A_1077 = vector.broadcast %add3A_1076 : i32 to vector<16xi32>
    %add3A_1078 = arith.addi %iota3A_1074, %add3A_1077 : vector<16xi32>
    %get3A_1079 = arith.constant 896 : index
    %get3A_1080 = tpu.vector_load %arg5[%get3A_1079] {strides = array<i32>} : memref<1536xi32, #tpu.memory_space<vmem>>, vector<16xi32>,
    %get3A_1081 = vector.shape_cast %get3A_1080 : vector<16xi32> to vector<16xi32>
    %shift_right_logical3A_1082 = arith.constant 10 : i32
    %shift_right_logical3A_1083 = vector.broadcast %shift_right_logical3A_1082 : i32 to vector<16xi32>
    %shift_right_logical3A_1084 = arith.shrui %add3A_1078, %shift_right_logical3A_1083 : vector<16xi32>
    %mul3A_1085 = arith.constant 1000 : i32
    %mul3A_1086 = vector.broadcast %mul3A_1085 : i32 to vector<16xi32>
    %mul3A_1087 = arith.muli %shift_right_logical3A_1084, %mul3A_1086 : vector<16xi32>
    %add3A_1088 = arith.addi %get3A_1081, %mul3A_1087 : vector<16xi32>
    %swap3A_1089 = arith.constant 896 : index
    %swap3A_1090 = tpu.vector_load %arg6[%swap3A_1089] {strides = array<i32>} : memref<1536xi32, #tpu.memory_space<vmem>>, vector<16xi32>,
    %swap3A_1091 = vector.shape_cast %swap3A_1090 : vector<16xi32> to vector<16xi32>
    %swap3A_1092 = vector.shape_cast %add3A_1088 : vector<16xi32> to vector<16xi32>
    tpu.vector_store %arg6[%swap3A_1089], %swap3A_1092 {strides = array<i32>} : memref<1536xi32, #tpu.memory_space<vmem>>, vector<16xi32>,
    %iota3A_1093 = tpu.iota {dimensions = array<i32: 0>} : vector<16xi32>
    %add3A_1094 = arith.constant 912 : i32
    %add3A_1095 = arith.addi %mul3A_13, %add3A_1094 : i32
    %add3A_1096 = vector.broadcast %add3A_1095 : i32 to vector<16xi32>
    %add3A_1097 = arith.addi %iota3A_1093, %add3A_1096 : vector<16xi32>
    %get3A_1098 = arith.constant 912 : index
    %get3A_1099 = tpu.vector_load %arg5[%get3A_1098] {strides = array<i32>} : memref<1536xi32, #tpu.memory_space<vmem>>, vector<16xi32>,
    %get3A_1100 = vector.shape_cast %get3A_1099 : vector<16xi32> to vector<16xi32>
    %shift_right_logical3A_1101 = arith.constant 10 : i32
    %shift_right_logical3A_1102 = vector.broadcast %shift_right_logical3A_1101 : i32 to vector<16xi32>
    %shift_right_logical3A_1103 = arith.shrui %add3A_1097, %shift_right_logical3A_1102 : vector<16xi32>
    %mul3A_1104 = arith.constant 1000 : i32
    %mul3A_1105 = vector.broadcast %mul3A_1104 : i32 to vector<16xi32>
    %mul3A_1106 = arith.muli %shift_right_logical3A_1103, %mul3A_1105 : vector<16xi32>
    %add3A_1107 = arith.addi %get3A_1100, %mul3A_1106 : vector<16xi32>
    %swap3A_1108 = arith.constant 912 : index
    %swap3A_1109 = tpu.vector_load %arg6[%swap3A_1108] {strides = array<i32>} : memref<1536xi32, #tpu.memory_space<vmem>>, vector<16xi32>,
    %swap3A_1110 = vector.shape_cast %swap3A_1109 : vector<16xi32> to vector<16xi32>
    %swap3A_1111 = vector.shape_cast %add3A_1107 : vector<16xi32> to vector<16xi32>
    tpu.vector_store %arg6[%swap3A_1108], %swap3A_1111 {strides = array<i32>} : memref<1536xi32, #tpu.memory_space<vmem>>, vector<16xi32>,
    %iota3A_1112 = tpu.iota {dimensions = array<i32: 0>} : vector<16xi32>
    %add3A_1113 = arith.constant 928 : i32
    %add3A_1114 = arith.addi %mul3A_13, %add3A_1113 : i32
    %add3A_1115 = vector.broadcast %add3A_1114 : i32 to vector<16xi32>
    %add3A_1116 = arith.addi %iota3A_1112, %add3A_1115 : vector<16xi32>
    %get3A_1117 = arith.constant 928 : index
    %get3A_1118 = tpu.vector_load %arg5[%get3A_1117] {strides = array<i32>} : memref<1536xi32, #tpu.memory_space<vmem>>, vector<16xi32>,
    %get3A_1119 = vector.shape_cast %get3A_1118 : vector<16xi32> to vector<16xi32>
    %shift_right_logical3A_1120 = arith.constant 10 : i32
    %shift_right_logical3A_1121 = vector.broadcast %shift_right_logical3A_1120 : i32 to vector<16xi32>
    %shift_right_logical3A_1122 = arith.shrui %add3A_1116, %shift_right_logical3A_1121 : vector<16xi32>
    %mul3A_1123 = arith.constant 1000 : i32
    %mul3A_1124 = vector.broadcast %mul3A_1123 : i32 to vector<16xi32>
    %mul3A_1125 = arith.muli %shift_right_logical3A_1122, %mul3A_1124 : vector<16xi32>
    %add3A_1126 = arith.addi %get3A_1119, %mul3A_1125 : vector<16xi32>
    %swap3A_1127 = arith.constant 928 : index
    %swap3A_1128 = tpu.vector_load %arg6[%swap3A_1127] {strides = array<i32>} : memref<1536xi32, #tpu.memory_space<vmem>>, vector<16xi32>,
    %swap3A_1129 = vector.shape_cast %swap3A_1128 : vector<16xi32> to vector<16xi32>
    %swap3A_1130 = vector.shape_cast %add3A_1126 : vector<16xi32> to vector<16xi32>
    tpu.vector_store %arg6[%swap3A_1127], %swap3A_1130 {strides = array<i32>} : memref<1536xi32, #tpu.memory_space<vmem>>, vector<16xi32>,
    %iota3A_1131 = tpu.iota {dimensions = array<i32: 0>} : vector<16xi32>
    %add3A_1132 = arith.constant 944 : i32
    %add3A_1133 = arith.addi %mul3A_13, %add3A_1132 : i32
    %add3A_1134 = vector.broadcast %add3A_1133 : i32 to vector<16xi32>
    %add3A_1135 = arith.addi %iota3A_1131, %add3A_1134 : vector<16xi32>
    %get3A_1136 = arith.constant 944 : index
    %get3A_1137 = tpu.vector_load %arg5[%get3A_1136] {strides = array<i32>} : memref<1536xi32, #tpu.memory_space<vmem>>, vector<16xi32>,
    %get3A_1138 = vector.shape_cast %get3A_1137 : vector<16xi32> to vector<16xi32>
    %shift_right_logical3A_1139 = arith.constant 10 : i32
    %shift_right_logical3A_1140 = vector.broadcast %shift_right_logical3A_1139 : i32 to vector<16xi32>
    %shift_right_logical3A_1141 = arith.shrui %add3A_1135, %shift_right_logical3A_1140 : vector<16xi32>
    %mul3A_1142 = arith.constant 1000 : i32
    %mul3A_1143 = vector.broadcast %mul3A_1142 : i32 to vector<16xi32>
    %mul3A_1144 = arith.muli %shift_right_logical3A_1141, %mul3A_1143 : vector<16xi32>
    %add3A_1145 = arith.addi %get3A_1138, %mul3A_1144 : vector<16xi32>
    %swap3A_1146 = arith.constant 944 : index
    %swap3A_1147 = tpu.vector_load %arg6[%swap3A_1146] {strides = array<i32>} : memref<1536xi32, #tpu.memory_space<vmem>>, vector<16xi32>,
    %swap3A_1148 = vector.shape_cast %swap3A_1147 : vector<16xi32> to vector<16xi32>
    %swap3A_1149 = vector.shape_cast %add3A_1145 : vector<16xi32> to vector<16xi32>
    tpu.vector_store %arg6[%swap3A_1146], %swap3A_1149 {strides = array<i32>} : memref<1536xi32, #tpu.memory_space<vmem>>, vector<16xi32>,
    %iota3A_1150 = tpu.iota {dimensions = array<i32: 0>} : vector<16xi32>
    %add3A_1151 = arith.constant 960 : i32
    %add3A_1152 = arith.addi %mul3A_13, %add3A_1151 : i32
    %add3A_1153 = vector.broadcast %add3A_1152 : i32 to vector<16xi32>
    %add3A_1154 = arith.addi %iota3A_1150, %add3A_1153 : vector<16xi32>
    %get3A_1155 = arith.constant 960 : index
    %get3A_1156 = tpu.vector_load %arg5[%get3A_1155] {strides = array<i32>} : memref<1536xi32, #tpu.memory_space<vmem>>, vector<16xi32>,
    %get3A_1157 = vector.shape_cast %get3A_1156 : vector<16xi32> to vector<16xi32>
    %shift_right_logical3A_1158 = arith.constant 10 : i32
    %shift_right_logical3A_1159 = vector.broadcast %shift_right_logical3A_1158 : i32 to vector<16xi32>
    %shift_right_logical3A_1160 = arith.shrui %add3A_1154, %shift_right_logical3A_1159 : vector<16xi32>
    %mul3A_1161 = arith.constant 1000 : i32
    %mul3A_1162 = vector.broadcast %mul3A_1161 : i32 to vector<16xi32>
    %mul3A_1163 = arith.muli %shift_right_logical3A_1160, %mul3A_1162 : vector<16xi32>
    %add3A_1164 = arith.addi %get3A_1157, %mul3A_1163 : vector<16xi32>
    %swap3A_1165 = arith.constant 960 : index
    %swap3A_1166 = tpu.vector_load %arg6[%swap3A_1165] {strides = array<i32>} : memref<1536xi32, #tpu.memory_space<vmem>>, vector<16xi32>,
    %swap3A_1167 = vector.shape_cast %swap3A_1166 : vector<16xi32> to vector<16xi32>
    %swap3A_1168 = vector.shape_cast %add3A_1164 : vector<16xi32> to vector<16xi32>
    tpu.vector_store %arg6[%swap3A_1165], %swap3A_1168 {strides = array<i32>} : memref<1536xi32, #tpu.memory_space<vmem>>, vector<16xi32>,
    %iota3A_1169 = tpu.iota {dimensions = array<i32: 0>} : vector<16xi32>
    %add3A_1170 = arith.constant 976 : i32
    %add3A_1171 = arith.addi %mul3A_13, %add3A_1170 : i32
    %add3A_1172 = vector.broadcast %add3A_1171 : i32 to vector<16xi32>
    %add3A_1173 = arith.addi %iota3A_1169, %add3A_1172 : vector<16xi32>
    %get3A_1174 = arith.constant 976 : index
    %get3A_1175 = tpu.vector_load %arg5[%get3A_1174] {strides = array<i32>} : memref<1536xi32, #tpu.memory_space<vmem>>, vector<16xi32>,
    %get3A_1176 = vector.shape_cast %get3A_1175 : vector<16xi32> to vector<16xi32>
    %shift_right_logical3A_1177 = arith.constant 10 : i32
    %shift_right_logical3A_1178 = vector.broadcast %shift_right_logical3A_1177 : i32 to vector<16xi32>
    %shift_right_logical3A_1179 = arith.shrui %add3A_1173, %shift_right_logical3A_1178 : vector<16xi32>
    %mul3A_1180 = arith.constant 1000 : i32
    %mul3A_1181 = vector.broadcast %mul3A_1180 : i32 to vector<16xi32>
    %mul3A_1182 = arith.muli %shift_right_logical3A_1179, %mul3A_1181 : vector<16xi32>
    %add3A_1183 = arith.addi %get3A_1176, %mul3A_1182 : vector<16xi32>
    %swap3A_1184 = arith.constant 976 : index
    %swap3A_1185 = tpu.vector_load %arg6[%swap3A_1184] {strides = array<i32>} : memref<1536xi32, #tpu.memory_space<vmem>>, vector<16xi32>,
    %swap3A_1186 = vector.shape_cast %swap3A_1185 : vector<16xi32> to vector<16xi32>
    %swap3A_1187 = vector.shape_cast %add3A_1183 : vector<16xi32> to vector<16xi32>
    tpu.vector_store %arg6[%swap3A_1184], %swap3A_1187 {strides = array<i32>} : memref<1536xi32, #tpu.memory_space<vmem>>, vector<16xi32>,
    %iota3A_1188 = tpu.iota {dimensions = array<i32: 0>} : vector<16xi32>
    %add3A_1189 = arith.constant 992 : i32
    %add3A_1190 = arith.addi %mul3A_13, %add3A_1189 : i32
    %add3A_1191 = vector.broadcast %add3A_1190 : i32 to vector<16xi32>
    %add3A_1192 = arith.addi %iota3A_1188, %add3A_1191 : vector<16xi32>
    %get3A_1193 = arith.constant 992 : index
    %get3A_1194 = tpu.vector_load %arg5[%get3A_1193] {strides = array<i32>} : memref<1536xi32, #tpu.memory_space<vmem>>, vector<16xi32>,
    %get3A_1195 = vector.shape_cast %get3A_1194 : vector<16xi32> to vector<16xi32>
    %shift_right_logical3A_1196 = arith.constant 10 : i32
    %shift_right_logical3A_1197 = vector.broadcast %shift_right_logical3A_1196 : i32 to vector<16xi32>
    %shift_right_logical3A_1198 = arith.shrui %add3A_1192, %shift_right_logical3A_1197 : vector<16xi32>
    %mul3A_1199 = arith.constant 1000 : i32
    %mul3A_1200 = vector.broadcast %mul3A_1199 : i32 to vector<16xi32>
    %mul3A_1201 = arith.muli %shift_right_logical3A_1198, %mul3A_1200 : vector<16xi32>
    %add3A_1202 = arith.addi %get3A_1195, %mul3A_1201 : vector<16xi32>
    %swap3A_1203 = arith.constant 992 : index
    %swap3A_1204 = tpu.vector_load %arg6[%swap3A_1203] {strides = array<i32>} : memref<1536xi32, #tpu.memory_space<vmem>>, vector<16xi32>,
    %swap3A_1205 = vector.shape_cast %swap3A_1204 : vector<16xi32> to vector<16xi32>
    %swap3A_1206 = vector.shape_cast %add3A_1202 : vector<16xi32> to vector<16xi32>
    tpu.vector_store %arg6[%swap3A_1203], %swap3A_1206 {strides = array<i32>} : memref<1536xi32, #tpu.memory_space<vmem>>, vector<16xi32>,
    %iota3A_1207 = tpu.iota {dimensions = array<i32: 0>} : vector<16xi32>
    %add3A_1208 = arith.constant 1008 : i32
    %add3A_1209 = arith.addi %mul3A_13, %add3A_1208 : i32
    %add3A_1210 = vector.broadcast %add3A_1209 : i32 to vector<16xi32>
    %add3A_1211 = arith.addi %iota3A_1207, %add3A_1210 : vector<16xi32>
    %get3A_1212 = arith.constant 1008 : index
    %get3A_1213 = tpu.vector_load %arg5[%get3A_1212] {strides = array<i32>} : memref<1536xi32, #tpu.memory_space<vmem>>, vector<16xi32>,
    %get3A_1214 = vector.shape_cast %get3A_1213 : vector<16xi32> to vector<16xi32>
    %shift_right_logical3A_1215 = arith.constant 10 : i32
    %shift_right_logical3A_1216 = vector.broadcast %shift_right_logical3A_1215 : i32 to vector<16xi32>
    %shift_right_logical3A_1217 = arith.shrui %add3A_1211, %shift_right_logical3A_1216 : vector<16xi32>
    %mul3A_1218 = arith.constant 1000 : i32
    %mul3A_1219 = vector.broadcast %mul3A_1218 : i32 to vector<16xi32>
    %mul3A_1220 = arith.muli %shift_right_logical3A_1217, %mul3A_1219 : vector<16xi32>
    %add3A_1221 = arith.addi %get3A_1214, %mul3A_1220 : vector<16xi32>
    %swap3A_1222 = arith.constant 1008 : index
    %swap3A_1223 = tpu.vector_load %arg6[%swap3A_1222] {strides = array<i32>} : memref<1536xi32, #tpu.memory_space<vmem>>, vector<16xi32>,
    %swap3A_1224 = vector.shape_cast %swap3A_1223 : vector<16xi32> to vector<16xi32>
    %swap3A_1225 = vector.shape_cast %add3A_1221 : vector<16xi32> to vector<16xi32>
    tpu.vector_store %arg6[%swap3A_1222], %swap3A_1225 {strides = array<i32>} : memref<1536xi32, #tpu.memory_space<vmem>>, vector<16xi32>,
    %iota3A_1226 = tpu.iota {dimensions = array<i32: 0>} : vector<16xi32>
    %add3A_1227 = arith.constant 1024 : i32
    %add3A_1228 = arith.addi %mul3A_13, %add3A_1227 : i32
    %add3A_1229 = vector.broadcast %add3A_1228 : i32 to vector<16xi32>
    %add3A_1230 = arith.addi %iota3A_1226, %add3A_1229 : vector<16xi32>
    %get3A_1231 = arith.constant 1024 : index
    %get3A_1232 = tpu.vector_load %arg5[%get3A_1231] {strides = array<i32>} : memref<1536xi32, #tpu.memory_space<vmem>>, vector<16xi32>,
    %get3A_1233 = vector.shape_cast %get3A_1232 : vector<16xi32> to vector<16xi32>
    %shift_right_logical3A_1234 = arith.constant 10 : i32
    %shift_right_logical3A_1235 = vector.broadcast %shift_right_logical3A_1234 : i32 to vector<16xi32>
    %shift_right_logical3A_1236 = arith.shrui %add3A_1230, %shift_right_logical3A_1235 : vector<16xi32>
    %mul3A_1237 = arith.constant 1000 : i32
    %mul3A_1238 = vector.broadcast %mul3A_1237 : i32 to vector<16xi32>
    %mul3A_1239 = arith.muli %shift_right_logical3A_1236, %mul3A_1238 : vector<16xi32>
    %add3A_1240 = arith.addi %get3A_1233, %mul3A_1239 : vector<16xi32>
    %swap3A_1241 = arith.constant 1024 : index
    %swap3A_1242 = tpu.vector_load %arg6[%swap3A_1241] {strides = array<i32>} : memref<1536xi32, #tpu.memory_space<vmem>>, vector<16xi32>,
    %swap3A_1243 = vector.shape_cast %swap3A_1242 : vector<16xi32> to vector<16xi32>
    %swap3A_1244 = vector.shape_cast %add3A_1240 : vector<16xi32> to vector<16xi32>
    tpu.vector_store %arg6[%swap3A_1241], %swap3A_1244 {strides = array<i32>} : memref<1536xi32, #tpu.memory_space<vmem>>, vector<16xi32>,
    %iota3A_1245 = tpu.iota {dimensions = array<i32: 0>} : vector<16xi32>
    %add3A_1246 = arith.constant 1040 : i32
    %add3A_1247 = arith.addi %mul3A_13, %add3A_1246 : i32
    %add3A_1248 = vector.broadcast %add3A_1247 : i32 to vector<16xi32>
    %add3A_1249 = arith.addi %iota3A_1245, %add3A_1248 : vector<16xi32>
    %get3A_1250 = arith.constant 1040 : index
    %get3A_1251 = tpu.vector_load %arg5[%get3A_1250] {strides = array<i32>} : memref<1536xi32, #tpu.memory_space<vmem>>, vector<16xi32>,
    %get3A_1252 = vector.shape_cast %get3A_1251 : vector<16xi32> to vector<16xi32>
    %shift_right_logical3A_1253 = arith.constant 10 : i32
    %shift_right_logical3A_1254 = vector.broadcast %shift_right_logical3A_1253 : i32 to vector<16xi32>
    %shift_right_logical3A_1255 = arith.shrui %add3A_1249, %shift_right_logical3A_1254 : vector<16xi32>
    %mul3A_1256 = arith.constant 1000 : i32
    %mul3A_1257 = vector.broadcast %mul3A_1256 : i32 to vector<16xi32>
    %mul3A_1258 = arith.muli %shift_right_logical3A_1255, %mul3A_1257 : vector<16xi32>
    %add3A_1259 = arith.addi %get3A_1252, %mul3A_1258 : vector<16xi32>
    %swap3A_1260 = arith.constant 1040 : index
    %swap3A_1261 = tpu.vector_load %arg6[%swap3A_1260] {strides = array<i32>} : memref<1536xi32, #tpu.memory_space<vmem>>, vector<16xi32>,
    %swap3A_1262 = vector.shape_cast %swap3A_1261 : vector<16xi32> to vector<16xi32>
    %swap3A_1263 = vector.shape_cast %add3A_1259 : vector<16xi32> to vector<16xi32>
    tpu.vector_store %arg6[%swap3A_1260], %swap3A_1263 {strides = array<i32>} : memref<1536xi32, #tpu.memory_space<vmem>>, vector<16xi32>,
    %iota3A_1264 = tpu.iota {dimensions = array<i32: 0>} : vector<16xi32>
    %add3A_1265 = arith.constant 1056 : i32
    %add3A_1266 = arith.addi %mul3A_13, %add3A_1265 : i32
    %add3A_1267 = vector.broadcast %add3A_1266 : i32 to vector<16xi32>
    %add3A_1268 = arith.addi %iota3A_1264, %add3A_1267 : vector<16xi32>
    %get3A_1269 = arith.constant 1056 : index
    %get3A_1270 = tpu.vector_load %arg5[%get3A_1269] {strides = array<i32>} : memref<1536xi32, #tpu.memory_space<vmem>>, vector<16xi32>,
    %get3A_1271 = vector.shape_cast %get3A_1270 : vector<16xi32> to vector<16xi32>
    %shift_right_logical3A_1272 = arith.constant 10 : i32
    %shift_right_logical3A_1273 = vector.broadcast %shift_right_logical3A_1272 : i32 to vector<16xi32>
    %shift_right_logical3A_1274 = arith.shrui %add3A_1268, %shift_right_logical3A_1273 : vector<16xi32>
    %mul3A_1275 = arith.constant 1000 : i32
    %mul3A_1276 = vector.broadcast %mul3A_1275 : i32 to vector<16xi32>
    %mul3A_1277 = arith.muli %shift_right_logical3A_1274, %mul3A_1276 : vector<16xi32>
    %add3A_1278 = arith.addi %get3A_1271, %mul3A_1277 : vector<16xi32>
    %swap3A_1279 = arith.constant 1056 : index
    %swap3A_1280 = tpu.vector_load %arg6[%swap3A_1279] {strides = array<i32>} : memref<1536xi32, #tpu.memory_space<vmem>>, vector<16xi32>,
    %swap3A_1281 = vector.shape_cast %swap3A_1280 : vector<16xi32> to vector<16xi32>
    %swap3A_1282 = vector.shape_cast %add3A_1278 : vector<16xi32> to vector<16xi32>
    tpu.vector_store %arg6[%swap3A_1279], %swap3A_1282 {strides = array<i32>} : memref<1536xi32, #tpu.memory_space<vmem>>, vector<16xi32>,
    %iota3A_1283 = tpu.iota {dimensions = array<i32: 0>} : vector<16xi32>
    %add3A_1284 = arith.constant 1072 : i32
    %add3A_1285 = arith.addi %mul3A_13, %add3A_1284 : i32
    %add3A_1286 = vector.broadcast %add3A_1285 : i32 to vector<16xi32>
    %add3A_1287 = arith.addi %iota3A_1283, %add3A_1286 : vector<16xi32>
    %get3A_1288 = arith.constant 1072 : index
    %get3A_1289 = tpu.vector_load %arg5[%get3A_1288] {strides = array<i32>} : memref<1536xi32, #tpu.memory_space<vmem>>, vector<16xi32>,
    %get3A_1290 = vector.shape_cast %get3A_1289 : vector<16xi32> to vector<16xi32>
    %shift_right_logical3A_1291 = arith.constant 10 : i32
    %shift_right_logical3A_1292 = vector.broadcast %shift_right_logical3A_1291 : i32 to vector<16xi32>
    %shift_right_logical3A_1293 = arith.shrui %add3A_1287, %shift_right_logical3A_1292 : vector<16xi32>
    %mul3A_1294 = arith.constant 1000 : i32
    %mul3A_1295 = vector.broadcast %mul3A_1294 : i32 to vector<16xi32>
    %mul3A_1296 = arith.muli %shift_right_logical3A_1293, %mul3A_1295 : vector<16xi32>
    %add3A_1297 = arith.addi %get3A_1290, %mul3A_1296 : vector<16xi32>
    %swap3A_1298 = arith.constant 1072 : index
    %swap3A_1299 = tpu.vector_load %arg6[%swap3A_1298] {strides = array<i32>} : memref<1536xi32, #tpu.memory_space<vmem>>, vector<16xi32>,
    %swap3A_1300 = vector.shape_cast %swap3A_1299 : vector<16xi32> to vector<16xi32>
    %swap3A_1301 = vector.shape_cast %add3A_1297 : vector<16xi32> to vector<16xi32>
    tpu.vector_store %arg6[%swap3A_1298], %swap3A_1301 {strides = array<i32>} : memref<1536xi32, #tpu.memory_space<vmem>>, vector<16xi32>,
    %iota3A_1302 = tpu.iota {dimensions = array<i32: 0>} : vector<16xi32>
    %add3A_1303 = arith.constant 1088 : i32
    %add3A_1304 = arith.addi %mul3A_13, %add3A_1303 : i32
    %add3A_1305 = vector.broadcast %add3A_1304 : i32 to vector<16xi32>
    %add3A_1306 = arith.addi %iota3A_1302, %add3A_1305 : vector<16xi32>
    %get3A_1307 = arith.constant 1088 : index
    %get3A_1308 = tpu.vector_load %arg5[%get3A_1307] {strides = array<i32>} : memref<1536xi32, #tpu.memory_space<vmem>>, vector<16xi32>,
    %get3A_1309 = vector.shape_cast %get3A_1308 : vector<16xi32> to vector<16xi32>
    %shift_right_logical3A_1310 = arith.constant 10 : i32
    %shift_right_logical3A_1311 = vector.broadcast %shift_right_logical3A_1310 : i32 to vector<16xi32>
    %shift_right_logical3A_1312 = arith.shrui %add3A_1306, %shift_right_logical3A_1311 : vector<16xi32>
    %mul3A_1313 = arith.constant 1000 : i32
    %mul3A_1314 = vector.broadcast %mul3A_1313 : i32 to vector<16xi32>
    %mul3A_1315 = arith.muli %shift_right_logical3A_1312, %mul3A_1314 : vector<16xi32>
    %add3A_1316 = arith.addi %get3A_1309, %mul3A_1315 : vector<16xi32>
    %swap3A_1317 = arith.constant 1088 : index
    %swap3A_1318 = tpu.vector_load %arg6[%swap3A_1317] {strides = array<i32>} : memref<1536xi32, #tpu.memory_space<vmem>>, vector<16xi32>,
    %swap3A_1319 = vector.shape_cast %swap3A_1318 : vector<16xi32> to vector<16xi32>
    %swap3A_1320 = vector.shape_cast %add3A_1316 : vector<16xi32> to vector<16xi32>
    tpu.vector_store %arg6[%swap3A_1317], %swap3A_1320 {strides = array<i32>} : memref<1536xi32, #tpu.memory_space<vmem>>, vector<16xi32>,
    %iota3A_1321 = tpu.iota {dimensions = array<i32: 0>} : vector<16xi32>
    %add3A_1322 = arith.constant 1104 : i32
    %add3A_1323 = arith.addi %mul3A_13, %add3A_1322 : i32
    %add3A_1324 = vector.broadcast %add3A_1323 : i32 to vector<16xi32>
    %add3A_1325 = arith.addi %iota3A_1321, %add3A_1324 : vector<16xi32>
    %get3A_1326 = arith.constant 1104 : index
    %get3A_1327 = tpu.vector_load %arg5[%get3A_1326] {strides = array<i32>} : memref<1536xi32, #tpu.memory_space<vmem>>, vector<16xi32>,
    %get3A_1328 = vector.shape_cast %get3A_1327 : vector<16xi32> to vector<16xi32>
    %shift_right_logical3A_1329 = arith.constant 10 : i32
    %shift_right_logical3A_1330 = vector.broadcast %shift_right_logical3A_1329 : i32 to vector<16xi32>
    %shift_right_logical3A_1331 = arith.shrui %add3A_1325, %shift_right_logical3A_1330 : vector<16xi32>
    %mul3A_1332 = arith.constant 1000 : i32
    %mul3A_1333 = vector.broadcast %mul3A_1332 : i32 to vector<16xi32>
    %mul3A_1334 = arith.muli %shift_right_logical3A_1331, %mul3A_1333 : vector<16xi32>
    %add3A_1335 = arith.addi %get3A_1328, %mul3A_1334 : vector<16xi32>
    %swap3A_1336 = arith.constant 1104 : index
    %swap3A_1337 = tpu.vector_load %arg6[%swap3A_1336] {strides = array<i32>} : memref<1536xi32, #tpu.memory_space<vmem>>, vector<16xi32>,
    %swap3A_1338 = vector.shape_cast %swap3A_1337 : vector<16xi32> to vector<16xi32>
    %swap3A_1339 = vector.shape_cast %add3A_1335 : vector<16xi32> to vector<16xi32>
    tpu.vector_store %arg6[%swap3A_1336], %swap3A_1339 {strides = array<i32>} : memref<1536xi32, #tpu.memory_space<vmem>>, vector<16xi32>,
    %iota3A_1340 = tpu.iota {dimensions = array<i32: 0>} : vector<16xi32>
    %add3A_1341 = arith.constant 1120 : i32
    %add3A_1342 = arith.addi %mul3A_13, %add3A_1341 : i32
    %add3A_1343 = vector.broadcast %add3A_1342 : i32 to vector<16xi32>
    %add3A_1344 = arith.addi %iota3A_1340, %add3A_1343 : vector<16xi32>
    %get3A_1345 = arith.constant 1120 : index
    %get3A_1346 = tpu.vector_load %arg5[%get3A_1345] {strides = array<i32>} : memref<1536xi32, #tpu.memory_space<vmem>>, vector<16xi32>,
    %get3A_1347 = vector.shape_cast %get3A_1346 : vector<16xi32> to vector<16xi32>
    %shift_right_logical3A_1348 = arith.constant 10 : i32
    %shift_right_logical3A_1349 = vector.broadcast %shift_right_logical3A_1348 : i32 to vector<16xi32>
    %shift_right_logical3A_1350 = arith.shrui %add3A_1344, %shift_right_logical3A_1349 : vector<16xi32>
    %mul3A_1351 = arith.constant 1000 : i32
    %mul3A_1352 = vector.broadcast %mul3A_1351 : i32 to vector<16xi32>
    %mul3A_1353 = arith.muli %shift_right_logical3A_1350, %mul3A_1352 : vector<16xi32>
    %add3A_1354 = arith.addi %get3A_1347, %mul3A_1353 : vector<16xi32>
    %swap3A_1355 = arith.constant 1120 : index
    %swap3A_1356 = tpu.vector_load %arg6[%swap3A_1355] {strides = array<i32>} : memref<1536xi32, #tpu.memory_space<vmem>>, vector<16xi32>,
    %swap3A_1357 = vector.shape_cast %swap3A_1356 : vector<16xi32> to vector<16xi32>
    %swap3A_1358 = vector.shape_cast %add3A_1354 : vector<16xi32> to vector<16xi32>
    tpu.vector_store %arg6[%swap3A_1355], %swap3A_1358 {strides = array<i32>} : memref<1536xi32, #tpu.memory_space<vmem>>, vector<16xi32>,
    %iota3A_1359 = tpu.iota {dimensions = array<i32: 0>} : vector<16xi32>
    %add3A_1360 = arith.constant 1136 : i32
    %add3A_1361 = arith.addi %mul3A_13, %add3A_1360 : i32
    %add3A_1362 = vector.broadcast %add3A_1361 : i32 to vector<16xi32>
    %add3A_1363 = arith.addi %iota3A_1359, %add3A_1362 : vector<16xi32>
    %get3A_1364 = arith.constant 1136 : index
    %get3A_1365 = tpu.vector_load %arg5[%get3A_1364] {strides = array<i32>} : memref<1536xi32, #tpu.memory_space<vmem>>, vector<16xi32>,
    %get3A_1366 = vector.shape_cast %get3A_1365 : vector<16xi32> to vector<16xi32>
    %shift_right_logical3A_1367 = arith.constant 10 : i32
    %shift_right_logical3A_1368 = vector.broadcast %shift_right_logical3A_1367 : i32 to vector<16xi32>
    %shift_right_logical3A_1369 = arith.shrui %add3A_1363, %shift_right_logical3A_1368 : vector<16xi32>
    %mul3A_1370 = arith.constant 1000 : i32
    %mul3A_1371 = vector.broadcast %mul3A_1370 : i32 to vector<16xi32>
    %mul3A_1372 = arith.muli %shift_right_logical3A_1369, %mul3A_1371 : vector<16xi32>
    %add3A_1373 = arith.addi %get3A_1366, %mul3A_1372 : vector<16xi32>
    %swap3A_1374 = arith.constant 1136 : index
    %swap3A_1375 = tpu.vector_load %arg6[%swap3A_1374] {strides = array<i32>} : memref<1536xi32, #tpu.memory_space<vmem>>, vector<16xi32>,
    %swap3A_1376 = vector.shape_cast %swap3A_1375 : vector<16xi32> to vector<16xi32>
    %swap3A_1377 = vector.shape_cast %add3A_1373 : vector<16xi32> to vector<16xi32>
    tpu.vector_store %arg6[%swap3A_1374], %swap3A_1377 {strides = array<i32>} : memref<1536xi32, #tpu.memory_space<vmem>>, vector<16xi32>,
    %iota3A_1378 = tpu.iota {dimensions = array<i32: 0>} : vector<16xi32>
    %add3A_1379 = arith.constant 1152 : i32
    %add3A_1380 = arith.addi %mul3A_13, %add3A_1379 : i32
    %add3A_1381 = vector.broadcast %add3A_1380 : i32 to vector<16xi32>
    %add3A_1382 = arith.addi %iota3A_1378, %add3A_1381 : vector<16xi32>
    %get3A_1383 = arith.constant 1152 : index
    %get3A_1384 = tpu.vector_load %arg5[%get3A_1383] {strides = array<i32>} : memref<1536xi32, #tpu.memory_space<vmem>>, vector<16xi32>,
    %get3A_1385 = vector.shape_cast %get3A_1384 : vector<16xi32> to vector<16xi32>
    %shift_right_logical3A_1386 = arith.constant 10 : i32
    %shift_right_logical3A_1387 = vector.broadcast %shift_right_logical3A_1386 : i32 to vector<16xi32>
    %shift_right_logical3A_1388 = arith.shrui %add3A_1382, %shift_right_logical3A_1387 : vector<16xi32>
    %mul3A_1389 = arith.constant 1000 : i32
    %mul3A_1390 = vector.broadcast %mul3A_1389 : i32 to vector<16xi32>
    %mul3A_1391 = arith.muli %shift_right_logical3A_1388, %mul3A_1390 : vector<16xi32>
    %add3A_1392 = arith.addi %get3A_1385, %mul3A_1391 : vector<16xi32>
    %swap3A_1393 = arith.constant 1152 : index
    %swap3A_1394 = tpu.vector_load %arg6[%swap3A_1393] {strides = array<i32>} : memref<1536xi32, #tpu.memory_space<vmem>>, vector<16xi32>,
    %swap3A_1395 = vector.shape_cast %swap3A_1394 : vector<16xi32> to vector<16xi32>
    %swap3A_1396 = vector.shape_cast %add3A_1392 : vector<16xi32> to vector<16xi32>
    tpu.vector_store %arg6[%swap3A_1393], %swap3A_1396 {strides = array<i32>} : memref<1536xi32, #tpu.memory_space<vmem>>, vector<16xi32>,
    %iota3A_1397 = tpu.iota {dimensions = array<i32: 0>} : vector<16xi32>
    %add3A_1398 = arith.constant 1168 : i32
    %add3A_1399 = arith.addi %mul3A_13, %add3A_1398 : i32
    %add3A_1400 = vector.broadcast %add3A_1399 : i32 to vector<16xi32>
    %add3A_1401 = arith.addi %iota3A_1397, %add3A_1400 : vector<16xi32>
    %get3A_1402 = arith.constant 1168 : index
    %get3A_1403 = tpu.vector_load %arg5[%get3A_1402] {strides = array<i32>} : memref<1536xi32, #tpu.memory_space<vmem>>, vector<16xi32>,
    %get3A_1404 = vector.shape_cast %get3A_1403 : vector<16xi32> to vector<16xi32>
    %shift_right_logical3A_1405 = arith.constant 10 : i32
    %shift_right_logical3A_1406 = vector.broadcast %shift_right_logical3A_1405 : i32 to vector<16xi32>
    %shift_right_logical3A_1407 = arith.shrui %add3A_1401, %shift_right_logical3A_1406 : vector<16xi32>
    %mul3A_1408 = arith.constant 1000 : i32
    %mul3A_1409 = vector.broadcast %mul3A_1408 : i32 to vector<16xi32>
    %mul3A_1410 = arith.muli %shift_right_logical3A_1407, %mul3A_1409 : vector<16xi32>
    %add3A_1411 = arith.addi %get3A_1404, %mul3A_1410 : vector<16xi32>
    %swap3A_1412 = arith.constant 1168 : index
    %swap3A_1413 = tpu.vector_load %arg6[%swap3A_1412] {strides = array<i32>} : memref<1536xi32, #tpu.memory_space<vmem>>, vector<16xi32>,
    %swap3A_1414 = vector.shape_cast %swap3A_1413 : vector<16xi32> to vector<16xi32>
    %swap3A_1415 = vector.shape_cast %add3A_1411 : vector<16xi32> to vector<16xi32>
    tpu.vector_store %arg6[%swap3A_1412], %swap3A_1415 {strides = array<i32>} : memref<1536xi32, #tpu.memory_space<vmem>>, vector<16xi32>,
    %iota3A_1416 = tpu.iota {dimensions = array<i32: 0>} : vector<16xi32>
    %add3A_1417 = arith.constant 1184 : i32
    %add3A_1418 = arith.addi %mul3A_13, %add3A_1417 : i32
    %add3A_1419 = vector.broadcast %add3A_1418 : i32 to vector<16xi32>
    %add3A_1420 = arith.addi %iota3A_1416, %add3A_1419 : vector<16xi32>
    %get3A_1421 = arith.constant 1184 : index
    %get3A_1422 = tpu.vector_load %arg5[%get3A_1421] {strides = array<i32>} : memref<1536xi32, #tpu.memory_space<vmem>>, vector<16xi32>,
    %get3A_1423 = vector.shape_cast %get3A_1422 : vector<16xi32> to vector<16xi32>
    %shift_right_logical3A_1424 = arith.constant 10 : i32
    %shift_right_logical3A_1425 = vector.broadcast %shift_right_logical3A_1424 : i32 to vector<16xi32>
    %shift_right_logical3A_1426 = arith.shrui %add3A_1420, %shift_right_logical3A_1425 : vector<16xi32>
    %mul3A_1427 = arith.constant 1000 : i32
    %mul3A_1428 = vector.broadcast %mul3A_1427 : i32 to vector<16xi32>
    %mul3A_1429 = arith.muli %shift_right_logical3A_1426, %mul3A_1428 : vector<16xi32>
    %add3A_1430 = arith.addi %get3A_1423, %mul3A_1429 : vector<16xi32>
    %swap3A_1431 = arith.constant 1184 : index
    %swap3A_1432 = tpu.vector_load %arg6[%swap3A_1431] {strides = array<i32>} : memref<1536xi32, #tpu.memory_space<vmem>>, vector<16xi32>,
    %swap3A_1433 = vector.shape_cast %swap3A_1432 : vector<16xi32> to vector<16xi32>
    %swap3A_1434 = vector.shape_cast %add3A_1430 : vector<16xi32> to vector<16xi32>
    tpu.vector_store %arg6[%swap3A_1431], %swap3A_1434 {strides = array<i32>} : memref<1536xi32, #tpu.memory_space<vmem>>, vector<16xi32>,
    %iota3A_1435 = tpu.iota {dimensions = array<i32: 0>} : vector<16xi32>
    %add3A_1436 = arith.constant 1200 : i32
    %add3A_1437 = arith.addi %mul3A_13, %add3A_1436 : i32
    %add3A_1438 = vector.broadcast %add3A_1437 : i32 to vector<16xi32>
    %add3A_1439 = arith.addi %iota3A_1435, %add3A_1438 : vector<16xi32>
    %get3A_1440 = arith.constant 1200 : index
    %get3A_1441 = tpu.vector_load %arg5[%get3A_1440] {strides = array<i32>} : memref<1536xi32, #tpu.memory_space<vmem>>, vector<16xi32>,
    %get3A_1442 = vector.shape_cast %get3A_1441 : vector<16xi32> to vector<16xi32>
    %shift_right_logical3A_1443 = arith.constant 10 : i32
    %shift_right_logical3A_1444 = vector.broadcast %shift_right_logical3A_1443 : i32 to vector<16xi32>
    %shift_right_logical3A_1445 = arith.shrui %add3A_1439, %shift_right_logical3A_1444 : vector<16xi32>
    %mul3A_1446 = arith.constant 1000 : i32
    %mul3A_1447 = vector.broadcast %mul3A_1446 : i32 to vector<16xi32>
    %mul3A_1448 = arith.muli %shift_right_logical3A_1445, %mul3A_1447 : vector<16xi32>
    %add3A_1449 = arith.addi %get3A_1442, %mul3A_1448 : vector<16xi32>
    %swap3A_1450 = arith.constant 1200 : index
    %swap3A_1451 = tpu.vector_load %arg6[%swap3A_1450] {strides = array<i32>} : memref<1536xi32, #tpu.memory_space<vmem>>, vector<16xi32>,
    %swap3A_1452 = vector.shape_cast %swap3A_1451 : vector<16xi32> to vector<16xi32>
    %swap3A_1453 = vector.shape_cast %add3A_1449 : vector<16xi32> to vector<16xi32>
    tpu.vector_store %arg6[%swap3A_1450], %swap3A_1453 {strides = array<i32>} : memref<1536xi32, #tpu.memory_space<vmem>>, vector<16xi32>,
    %iota3A_1454 = tpu.iota {dimensions = array<i32: 0>} : vector<16xi32>
    %add3A_1455 = arith.constant 1216 : i32
    %add3A_1456 = arith.addi %mul3A_13, %add3A_1455 : i32
    %add3A_1457 = vector.broadcast %add3A_1456 : i32 to vector<16xi32>
    %add3A_1458 = arith.addi %iota3A_1454, %add3A_1457 : vector<16xi32>
    %get3A_1459 = arith.constant 1216 : index
    %get3A_1460 = tpu.vector_load %arg5[%get3A_1459] {strides = array<i32>} : memref<1536xi32, #tpu.memory_space<vmem>>, vector<16xi32>,
    %get3A_1461 = vector.shape_cast %get3A_1460 : vector<16xi32> to vector<16xi32>
    %shift_right_logical3A_1462 = arith.constant 10 : i32
    %shift_right_logical3A_1463 = vector.broadcast %shift_right_logical3A_1462 : i32 to vector<16xi32>
    %shift_right_logical3A_1464 = arith.shrui %add3A_1458, %shift_right_logical3A_1463 : vector<16xi32>
    %mul3A_1465 = arith.constant 1000 : i32
    %mul3A_1466 = vector.broadcast %mul3A_1465 : i32 to vector<16xi32>
    %mul3A_1467 = arith.muli %shift_right_logical3A_1464, %mul3A_1466 : vector<16xi32>
    %add3A_1468 = arith.addi %get3A_1461, %mul3A_1467 : vector<16xi32>
    %swap3A_1469 = arith.constant 1216 : index
    %swap3A_1470 = tpu.vector_load %arg6[%swap3A_1469] {strides = array<i32>} : memref<1536xi32, #tpu.memory_space<vmem>>, vector<16xi32>,
    %swap3A_1471 = vector.shape_cast %swap3A_1470 : vector<16xi32> to vector<16xi32>
    %swap3A_1472 = vector.shape_cast %add3A_1468 : vector<16xi32> to vector<16xi32>
    tpu.vector_store %arg6[%swap3A_1469], %swap3A_1472 {strides = array<i32>} : memref<1536xi32, #tpu.memory_space<vmem>>, vector<16xi32>,
    %iota3A_1473 = tpu.iota {dimensions = array<i32: 0>} : vector<16xi32>
    %add3A_1474 = arith.constant 1232 : i32
    %add3A_1475 = arith.addi %mul3A_13, %add3A_1474 : i32
    %add3A_1476 = vector.broadcast %add3A_1475 : i32 to vector<16xi32>
    %add3A_1477 = arith.addi %iota3A_1473, %add3A_1476 : vector<16xi32>
    %get3A_1478 = arith.constant 1232 : index
    %get3A_1479 = tpu.vector_load %arg5[%get3A_1478] {strides = array<i32>} : memref<1536xi32, #tpu.memory_space<vmem>>, vector<16xi32>,
    %get3A_1480 = vector.shape_cast %get3A_1479 : vector<16xi32> to vector<16xi32>
    %shift_right_logical3A_1481 = arith.constant 10 : i32
    %shift_right_logical3A_1482 = vector.broadcast %shift_right_logical3A_1481 : i32 to vector<16xi32>
    %shift_right_logical3A_1483 = arith.shrui %add3A_1477, %shift_right_logical3A_1482 : vector<16xi32>
    %mul3A_1484 = arith.constant 1000 : i32
    %mul3A_1485 = vector.broadcast %mul3A_1484 : i32 to vector<16xi32>
    %mul3A_1486 = arith.muli %shift_right_logical3A_1483, %mul3A_1485 : vector<16xi32>
    %add3A_1487 = arith.addi %get3A_1480, %mul3A_1486 : vector<16xi32>
    %swap3A_1488 = arith.constant 1232 : index
    %swap3A_1489 = tpu.vector_load %arg6[%swap3A_1488] {strides = array<i32>} : memref<1536xi32, #tpu.memory_space<vmem>>, vector<16xi32>,
    %swap3A_1490 = vector.shape_cast %swap3A_1489 : vector<16xi32> to vector<16xi32>
    %swap3A_1491 = vector.shape_cast %add3A_1487 : vector<16xi32> to vector<16xi32>
    tpu.vector_store %arg6[%swap3A_1488], %swap3A_1491 {strides = array<i32>} : memref<1536xi32, #tpu.memory_space<vmem>>, vector<16xi32>,
    %iota3A_1492 = tpu.iota {dimensions = array<i32: 0>} : vector<16xi32>
    %add3A_1493 = arith.constant 1248 : i32
    %add3A_1494 = arith.addi %mul3A_13, %add3A_1493 : i32
    %add3A_1495 = vector.broadcast %add3A_1494 : i32 to vector<16xi32>
    %add3A_1496 = arith.addi %iota3A_1492, %add3A_1495 : vector<16xi32>
    %get3A_1497 = arith.constant 1248 : index
    %get3A_1498 = tpu.vector_load %arg5[%get3A_1497] {strides = array<i32>} : memref<1536xi32, #tpu.memory_space<vmem>>, vector<16xi32>,
    %get3A_1499 = vector.shape_cast %get3A_1498 : vector<16xi32> to vector<16xi32>
    %shift_right_logical3A_1500 = arith.constant 10 : i32
    %shift_right_logical3A_1501 = vector.broadcast %shift_right_logical3A_1500 : i32 to vector<16xi32>
    %shift_right_logical3A_1502 = arith.shrui %add3A_1496, %shift_right_logical3A_1501 : vector<16xi32>
    %mul3A_1503 = arith.constant 1000 : i32
    %mul3A_1504 = vector.broadcast %mul3A_1503 : i32 to vector<16xi32>
    %mul3A_1505 = arith.muli %shift_right_logical3A_1502, %mul3A_1504 : vector<16xi32>
    %add3A_1506 = arith.addi %get3A_1499, %mul3A_1505 : vector<16xi32>
    %swap3A_1507 = arith.constant 1248 : index
    %swap3A_1508 = tpu.vector_load %arg6[%swap3A_1507] {strides = array<i32>} : memref<1536xi32, #tpu.memory_space<vmem>>, vector<16xi32>,
    %swap3A_1509 = vector.shape_cast %swap3A_1508 : vector<16xi32> to vector<16xi32>
    %swap3A_1510 = vector.shape_cast %add3A_1506 : vector<16xi32> to vector<16xi32>
    tpu.vector_store %arg6[%swap3A_1507], %swap3A_1510 {strides = array<i32>} : memref<1536xi32, #tpu.memory_space<vmem>>, vector<16xi32>,
    %iota3A_1511 = tpu.iota {dimensions = array<i32: 0>} : vector<16xi32>
    %add3A_1512 = arith.constant 1264 : i32
    %add3A_1513 = arith.addi %mul3A_13, %add3A_1512 : i32
    %add3A_1514 = vector.broadcast %add3A_1513 : i32 to vector<16xi32>
    %add3A_1515 = arith.addi %iota3A_1511, %add3A_1514 : vector<16xi32>
    %get3A_1516 = arith.constant 1264 : index
    %get3A_1517 = tpu.vector_load %arg5[%get3A_1516] {strides = array<i32>} : memref<1536xi32, #tpu.memory_space<vmem>>, vector<16xi32>,
    %get3A_1518 = vector.shape_cast %get3A_1517 : vector<16xi32> to vector<16xi32>
    %shift_right_logical3A_1519 = arith.constant 10 : i32
    %shift_right_logical3A_1520 = vector.broadcast %shift_right_logical3A_1519 : i32 to vector<16xi32>
    %shift_right_logical3A_1521 = arith.shrui %add3A_1515, %shift_right_logical3A_1520 : vector<16xi32>
    %mul3A_1522 = arith.constant 1000 : i32
    %mul3A_1523 = vector.broadcast %mul3A_1522 : i32 to vector<16xi32>
    %mul3A_1524 = arith.muli %shift_right_logical3A_1521, %mul3A_1523 : vector<16xi32>
    %add3A_1525 = arith.addi %get3A_1518, %mul3A_1524 : vector<16xi32>
    %swap3A_1526 = arith.constant 1264 : index
    %swap3A_1527 = tpu.vector_load %arg6[%swap3A_1526] {strides = array<i32>} : memref<1536xi32, #tpu.memory_space<vmem>>, vector<16xi32>,
    %swap3A_1528 = vector.shape_cast %swap3A_1527 : vector<16xi32> to vector<16xi32>
    %swap3A_1529 = vector.shape_cast %add3A_1525 : vector<16xi32> to vector<16xi32>
    tpu.vector_store %arg6[%swap3A_1526], %swap3A_1529 {strides = array<i32>} : memref<1536xi32, #tpu.memory_space<vmem>>, vector<16xi32>,
    %iota3A_1530 = tpu.iota {dimensions = array<i32: 0>} : vector<16xi32>
    %add3A_1531 = arith.constant 1280 : i32
    %add3A_1532 = arith.addi %mul3A_13, %add3A_1531 : i32
    %add3A_1533 = vector.broadcast %add3A_1532 : i32 to vector<16xi32>
    %add3A_1534 = arith.addi %iota3A_1530, %add3A_1533 : vector<16xi32>
    %get3A_1535 = arith.constant 1280 : index
    %get3A_1536 = tpu.vector_load %arg5[%get3A_1535] {strides = array<i32>} : memref<1536xi32, #tpu.memory_space<vmem>>, vector<16xi32>,
    %get3A_1537 = vector.shape_cast %get3A_1536 : vector<16xi32> to vector<16xi32>
    %shift_right_logical3A_1538 = arith.constant 10 : i32
    %shift_right_logical3A_1539 = vector.broadcast %shift_right_logical3A_1538 : i32 to vector<16xi32>
    %shift_right_logical3A_1540 = arith.shrui %add3A_1534, %shift_right_logical3A_1539 : vector<16xi32>
    %mul3A_1541 = arith.constant 1000 : i32
    %mul3A_1542 = vector.broadcast %mul3A_1541 : i32 to vector<16xi32>
    %mul3A_1543 = arith.muli %shift_right_logical3A_1540, %mul3A_1542 : vector<16xi32>
    %add3A_1544 = arith.addi %get3A_1537, %mul3A_1543 : vector<16xi32>
    %swap3A_1545 = arith.constant 1280 : index
    %swap3A_1546 = tpu.vector_load %arg6[%swap3A_1545] {strides = array<i32>} : memref<1536xi32, #tpu.memory_space<vmem>>, vector<16xi32>,
    %swap3A_1547 = vector.shape_cast %swap3A_1546 : vector<16xi32> to vector<16xi32>
    %swap3A_1548 = vector.shape_cast %add3A_1544 : vector<16xi32> to vector<16xi32>
    tpu.vector_store %arg6[%swap3A_1545], %swap3A_1548 {strides = array<i32>} : memref<1536xi32, #tpu.memory_space<vmem>>, vector<16xi32>,
    %iota3A_1549 = tpu.iota {dimensions = array<i32: 0>} : vector<16xi32>
    %add3A_1550 = arith.constant 1296 : i32
    %add3A_1551 = arith.addi %mul3A_13, %add3A_1550 : i32
    %add3A_1552 = vector.broadcast %add3A_1551 : i32 to vector<16xi32>
    %add3A_1553 = arith.addi %iota3A_1549, %add3A_1552 : vector<16xi32>
    %get3A_1554 = arith.constant 1296 : index
    %get3A_1555 = tpu.vector_load %arg5[%get3A_1554] {strides = array<i32>} : memref<1536xi32, #tpu.memory_space<vmem>>, vector<16xi32>,
    %get3A_1556 = vector.shape_cast %get3A_1555 : vector<16xi32> to vector<16xi32>
    %shift_right_logical3A_1557 = arith.constant 10 : i32
    %shift_right_logical3A_1558 = vector.broadcast %shift_right_logical3A_1557 : i32 to vector<16xi32>
    %shift_right_logical3A_1559 = arith.shrui %add3A_1553, %shift_right_logical3A_1558 : vector<16xi32>
    %mul3A_1560 = arith.constant 1000 : i32
    %mul3A_1561 = vector.broadcast %mul3A_1560 : i32 to vector<16xi32>
    %mul3A_1562 = arith.muli %shift_right_logical3A_1559, %mul3A_1561 : vector<16xi32>
    %add3A_1563 = arith.addi %get3A_1556, %mul3A_1562 : vector<16xi32>
    %swap3A_1564 = arith.constant 1296 : index
    %swap3A_1565 = tpu.vector_load %arg6[%swap3A_1564] {strides = array<i32>} : memref<1536xi32, #tpu.memory_space<vmem>>, vector<16xi32>,
    %swap3A_1566 = vector.shape_cast %swap3A_1565 : vector<16xi32> to vector<16xi32>
    %swap3A_1567 = vector.shape_cast %add3A_1563 : vector<16xi32> to vector<16xi32>
    tpu.vector_store %arg6[%swap3A_1564], %swap3A_1567 {strides = array<i32>} : memref<1536xi32, #tpu.memory_space<vmem>>, vector<16xi32>,
    %iota3A_1568 = tpu.iota {dimensions = array<i32: 0>} : vector<16xi32>
    %add3A_1569 = arith.constant 1312 : i32
    %add3A_1570 = arith.addi %mul3A_13, %add3A_1569 : i32
    %add3A_1571 = vector.broadcast %add3A_1570 : i32 to vector<16xi32>
    %add3A_1572 = arith.addi %iota3A_1568, %add3A_1571 : vector<16xi32>
    %get3A_1573 = arith.constant 1312 : index
    %get3A_1574 = tpu.vector_load %arg5[%get3A_1573] {strides = array<i32>} : memref<1536xi32, #tpu.memory_space<vmem>>, vector<16xi32>,
    %get3A_1575 = vector.shape_cast %get3A_1574 : vector<16xi32> to vector<16xi32>
    %shift_right_logical3A_1576 = arith.constant 10 : i32
    %shift_right_logical3A_1577 = vector.broadcast %shift_right_logical3A_1576 : i32 to vector<16xi32>
    %shift_right_logical3A_1578 = arith.shrui %add3A_1572, %shift_right_logical3A_1577 : vector<16xi32>
    %mul3A_1579 = arith.constant 1000 : i32
    %mul3A_1580 = vector.broadcast %mul3A_1579 : i32 to vector<16xi32>
    %mul3A_1581 = arith.muli %shift_right_logical3A_1578, %mul3A_1580 : vector<16xi32>
    %add3A_1582 = arith.addi %get3A_1575, %mul3A_1581 : vector<16xi32>
    %swap3A_1583 = arith.constant 1312 : index
    %swap3A_1584 = tpu.vector_load %arg6[%swap3A_1583] {strides = array<i32>} : memref<1536xi32, #tpu.memory_space<vmem>>, vector<16xi32>,
    %swap3A_1585 = vector.shape_cast %swap3A_1584 : vector<16xi32> to vector<16xi32>
    %swap3A_1586 = vector.shape_cast %add3A_1582 : vector<16xi32> to vector<16xi32>
    tpu.vector_store %arg6[%swap3A_1583], %swap3A_1586 {strides = array<i32>} : memref<1536xi32, #tpu.memory_space<vmem>>, vector<16xi32>,
    %iota3A_1587 = tpu.iota {dimensions = array<i32: 0>} : vector<16xi32>
    %add3A_1588 = arith.constant 1328 : i32
    %add3A_1589 = arith.addi %mul3A_13, %add3A_1588 : i32
    %add3A_1590 = vector.broadcast %add3A_1589 : i32 to vector<16xi32>
    %add3A_1591 = arith.addi %iota3A_1587, %add3A_1590 : vector<16xi32>
    %get3A_1592 = arith.constant 1328 : index
    %get3A_1593 = tpu.vector_load %arg5[%get3A_1592] {strides = array<i32>} : memref<1536xi32, #tpu.memory_space<vmem>>, vector<16xi32>,
    %get3A_1594 = vector.shape_cast %get3A_1593 : vector<16xi32> to vector<16xi32>
    %shift_right_logical3A_1595 = arith.constant 10 : i32
    %shift_right_logical3A_1596 = vector.broadcast %shift_right_logical3A_1595 : i32 to vector<16xi32>
    %shift_right_logical3A_1597 = arith.shrui %add3A_1591, %shift_right_logical3A_1596 : vector<16xi32>
    %mul3A_1598 = arith.constant 1000 : i32
    %mul3A_1599 = vector.broadcast %mul3A_1598 : i32 to vector<16xi32>
    %mul3A_1600 = arith.muli %shift_right_logical3A_1597, %mul3A_1599 : vector<16xi32>
    %add3A_1601 = arith.addi %get3A_1594, %mul3A_1600 : vector<16xi32>
    %swap3A_1602 = arith.constant 1328 : index
    %swap3A_1603 = tpu.vector_load %arg6[%swap3A_1602] {strides = array<i32>} : memref<1536xi32, #tpu.memory_space<vmem>>, vector<16xi32>,
    %swap3A_1604 = vector.shape_cast %swap3A_1603 : vector<16xi32> to vector<16xi32>
    %swap3A_1605 = vector.shape_cast %add3A_1601 : vector<16xi32> to vector<16xi32>
    tpu.vector_store %arg6[%swap3A_1602], %swap3A_1605 {strides = array<i32>} : memref<1536xi32, #tpu.memory_space<vmem>>, vector<16xi32>,
    %iota3A_1606 = tpu.iota {dimensions = array<i32: 0>} : vector<16xi32>
    %add3A_1607 = arith.constant 1344 : i32
    %add3A_1608 = arith.addi %mul3A_13, %add3A_1607 : i32
    %add3A_1609 = vector.broadcast %add3A_1608 : i32 to vector<16xi32>
    %add3A_1610 = arith.addi %iota3A_1606, %add3A_1609 : vector<16xi32>
    %get3A_1611 = arith.constant 1344 : index
    %get3A_1612 = tpu.vector_load %arg5[%get3A_1611] {strides = array<i32>} : memref<1536xi32, #tpu.memory_space<vmem>>, vector<16xi32>,
    %get3A_1613 = vector.shape_cast %get3A_1612 : vector<16xi32> to vector<16xi32>
    %shift_right_logical3A_1614 = arith.constant 10 : i32
    %shift_right_logical3A_1615 = vector.broadcast %shift_right_logical3A_1614 : i32 to vector<16xi32>
    %shift_right_logical3A_1616 = arith.shrui %add3A_1610, %shift_right_logical3A_1615 : vector<16xi32>
    %mul3A_1617 = arith.constant 1000 : i32
    %mul3A_1618 = vector.broadcast %mul3A_1617 : i32 to vector<16xi32>
    %mul3A_1619 = arith.muli %shift_right_logical3A_1616, %mul3A_1618 : vector<16xi32>
    %add3A_1620 = arith.addi %get3A_1613, %mul3A_1619 : vector<16xi32>
    %swap3A_1621 = arith.constant 1344 : index
    %swap3A_1622 = tpu.vector_load %arg6[%swap3A_1621] {strides = array<i32>} : memref<1536xi32, #tpu.memory_space<vmem>>, vector<16xi32>,
    %swap3A_1623 = vector.shape_cast %swap3A_1622 : vector<16xi32> to vector<16xi32>
    %swap3A_1624 = vector.shape_cast %add3A_1620 : vector<16xi32> to vector<16xi32>
    tpu.vector_store %arg6[%swap3A_1621], %swap3A_1624 {strides = array<i32>} : memref<1536xi32, #tpu.memory_space<vmem>>, vector<16xi32>,
    %iota3A_1625 = tpu.iota {dimensions = array<i32: 0>} : vector<16xi32>
    %add3A_1626 = arith.constant 1360 : i32
    %add3A_1627 = arith.addi %mul3A_13, %add3A_1626 : i32
    %add3A_1628 = vector.broadcast %add3A_1627 : i32 to vector<16xi32>
    %add3A_1629 = arith.addi %iota3A_1625, %add3A_1628 : vector<16xi32>
    %get3A_1630 = arith.constant 1360 : index
    %get3A_1631 = tpu.vector_load %arg5[%get3A_1630] {strides = array<i32>} : memref<1536xi32, #tpu.memory_space<vmem>>, vector<16xi32>,
    %get3A_1632 = vector.shape_cast %get3A_1631 : vector<16xi32> to vector<16xi32>
    %shift_right_logical3A_1633 = arith.constant 10 : i32
    %shift_right_logical3A_1634 = vector.broadcast %shift_right_logical3A_1633 : i32 to vector<16xi32>
    %shift_right_logical3A_1635 = arith.shrui %add3A_1629, %shift_right_logical3A_1634 : vector<16xi32>
    %mul3A_1636 = arith.constant 1000 : i32
    %mul3A_1637 = vector.broadcast %mul3A_1636 : i32 to vector<16xi32>
    %mul3A_1638 = arith.muli %shift_right_logical3A_1635, %mul3A_1637 : vector<16xi32>
    %add3A_1639 = arith.addi %get3A_1632, %mul3A_1638 : vector<16xi32>
    %swap3A_1640 = arith.constant 1360 : index
    %swap3A_1641 = tpu.vector_load %arg6[%swap3A_1640] {strides = array<i32>} : memref<1536xi32, #tpu.memory_space<vmem>>, vector<16xi32>,
    %swap3A_1642 = vector.shape_cast %swap3A_1641 : vector<16xi32> to vector<16xi32>
    %swap3A_1643 = vector.shape_cast %add3A_1639 : vector<16xi32> to vector<16xi32>
    tpu.vector_store %arg6[%swap3A_1640], %swap3A_1643 {strides = array<i32>} : memref<1536xi32, #tpu.memory_space<vmem>>, vector<16xi32>,
    %iota3A_1644 = tpu.iota {dimensions = array<i32: 0>} : vector<16xi32>
    %add3A_1645 = arith.constant 1376 : i32
    %add3A_1646 = arith.addi %mul3A_13, %add3A_1645 : i32
    %add3A_1647 = vector.broadcast %add3A_1646 : i32 to vector<16xi32>
    %add3A_1648 = arith.addi %iota3A_1644, %add3A_1647 : vector<16xi32>
    %get3A_1649 = arith.constant 1376 : index
    %get3A_1650 = tpu.vector_load %arg5[%get3A_1649] {strides = array<i32>} : memref<1536xi32, #tpu.memory_space<vmem>>, vector<16xi32>,
    %get3A_1651 = vector.shape_cast %get3A_1650 : vector<16xi32> to vector<16xi32>
    %shift_right_logical3A_1652 = arith.constant 10 : i32
    %shift_right_logical3A_1653 = vector.broadcast %shift_right_logical3A_1652 : i32 to vector<16xi32>
    %shift_right_logical3A_1654 = arith.shrui %add3A_1648, %shift_right_logical3A_1653 : vector<16xi32>
    %mul3A_1655 = arith.constant 1000 : i32
    %mul3A_1656 = vector.broadcast %mul3A_1655 : i32 to vector<16xi32>
    %mul3A_1657 = arith.muli %shift_right_logical3A_1654, %mul3A_1656 : vector<16xi32>
    %add3A_1658 = arith.addi %get3A_1651, %mul3A_1657 : vector<16xi32>
    %swap3A_1659 = arith.constant 1376 : index
    %swap3A_1660 = tpu.vector_load %arg6[%swap3A_1659] {strides = array<i32>} : memref<1536xi32, #tpu.memory_space<vmem>>, vector<16xi32>,
    %swap3A_1661 = vector.shape_cast %swap3A_1660 : vector<16xi32> to vector<16xi32>
    %swap3A_1662 = vector.shape_cast %add3A_1658 : vector<16xi32> to vector<16xi32>
    tpu.vector_store %arg6[%swap3A_1659], %swap3A_1662 {strides = array<i32>} : memref<1536xi32, #tpu.memory_space<vmem>>, vector<16xi32>,
    %iota3A_1663 = tpu.iota {dimensions = array<i32: 0>} : vector<16xi32>
    %add3A_1664 = arith.constant 1392 : i32
    %add3A_1665 = arith.addi %mul3A_13, %add3A_1664 : i32
    %add3A_1666 = vector.broadcast %add3A_1665 : i32 to vector<16xi32>
    %add3A_1667 = arith.addi %iota3A_1663, %add3A_1666 : vector<16xi32>
    %get3A_1668 = arith.constant 1392 : index
    %get3A_1669 = tpu.vector_load %arg5[%get3A_1668] {strides = array<i32>} : memref<1536xi32, #tpu.memory_space<vmem>>, vector<16xi32>,
    %get3A_1670 = vector.shape_cast %get3A_1669 : vector<16xi32> to vector<16xi32>
    %shift_right_logical3A_1671 = arith.constant 10 : i32
    %shift_right_logical3A_1672 = vector.broadcast %shift_right_logical3A_1671 : i32 to vector<16xi32>
    %shift_right_logical3A_1673 = arith.shrui %add3A_1667, %shift_right_logical3A_1672 : vector<16xi32>
    %mul3A_1674 = arith.constant 1000 : i32
    %mul3A_1675 = vector.broadcast %mul3A_1674 : i32 to vector<16xi32>
    %mul3A_1676 = arith.muli %shift_right_logical3A_1673, %mul3A_1675 : vector<16xi32>
    %add3A_1677 = arith.addi %get3A_1670, %mul3A_1676 : vector<16xi32>
    %swap3A_1678 = arith.constant 1392 : index
    %swap3A_1679 = tpu.vector_load %arg6[%swap3A_1678] {strides = array<i32>} : memref<1536xi32, #tpu.memory_space<vmem>>, vector<16xi32>,
    %swap3A_1680 = vector.shape_cast %swap3A_1679 : vector<16xi32> to vector<16xi32>
    %swap3A_1681 = vector.shape_cast %add3A_1677 : vector<16xi32> to vector<16xi32>
    tpu.vector_store %arg6[%swap3A_1678], %swap3A_1681 {strides = array<i32>} : memref<1536xi32, #tpu.memory_space<vmem>>, vector<16xi32>,
    %iota3A_1682 = tpu.iota {dimensions = array<i32: 0>} : vector<16xi32>
    %add3A_1683 = arith.constant 1408 : i32
    %add3A_1684 = arith.addi %mul3A_13, %add3A_1683 : i32
    %add3A_1685 = vector.broadcast %add3A_1684 : i32 to vector<16xi32>
    %add3A_1686 = arith.addi %iota3A_1682, %add3A_1685 : vector<16xi32>
    %get3A_1687 = arith.constant 1408 : index
    %get3A_1688 = tpu.vector_load %arg5[%get3A_1687] {strides = array<i32>} : memref<1536xi32, #tpu.memory_space<vmem>>, vector<16xi32>,
    %get3A_1689 = vector.shape_cast %get3A_1688 : vector<16xi32> to vector<16xi32>
    %shift_right_logical3A_1690 = arith.constant 10 : i32
    %shift_right_logical3A_1691 = vector.broadcast %shift_right_logical3A_1690 : i32 to vector<16xi32>
    %shift_right_logical3A_1692 = arith.shrui %add3A_1686, %shift_right_logical3A_1691 : vector<16xi32>
    %mul3A_1693 = arith.constant 1000 : i32
    %mul3A_1694 = vector.broadcast %mul3A_1693 : i32 to vector<16xi32>
    %mul3A_1695 = arith.muli %shift_right_logical3A_1692, %mul3A_1694 : vector<16xi32>
    %add3A_1696 = arith.addi %get3A_1689, %mul3A_1695 : vector<16xi32>
    %swap3A_1697 = arith.constant 1408 : index
    %swap3A_1698 = tpu.vector_load %arg6[%swap3A_1697] {strides = array<i32>} : memref<1536xi32, #tpu.memory_space<vmem>>, vector<16xi32>,
    %swap3A_1699 = vector.shape_cast %swap3A_1698 : vector<16xi32> to vector<16xi32>
    %swap3A_1700 = vector.shape_cast %add3A_1696 : vector<16xi32> to vector<16xi32>
    tpu.vector_store %arg6[%swap3A_1697], %swap3A_1700 {strides = array<i32>} : memref<1536xi32, #tpu.memory_space<vmem>>, vector<16xi32>,
    %iota3A_1701 = tpu.iota {dimensions = array<i32: 0>} : vector<16xi32>
    %add3A_1702 = arith.constant 1424 : i32
    %add3A_1703 = arith.addi %mul3A_13, %add3A_1702 : i32
    %add3A_1704 = vector.broadcast %add3A_1703 : i32 to vector<16xi32>
    %add3A_1705 = arith.addi %iota3A_1701, %add3A_1704 : vector<16xi32>
    %get3A_1706 = arith.constant 1424 : index
    %get3A_1707 = tpu.vector_load %arg5[%get3A_1706] {strides = array<i32>} : memref<1536xi32, #tpu.memory_space<vmem>>, vector<16xi32>,
    %get3A_1708 = vector.shape_cast %get3A_1707 : vector<16xi32> to vector<16xi32>
    %shift_right_logical3A_1709 = arith.constant 10 : i32
    %shift_right_logical3A_1710 = vector.broadcast %shift_right_logical3A_1709 : i32 to vector<16xi32>
    %shift_right_logical3A_1711 = arith.shrui %add3A_1705, %shift_right_logical3A_1710 : vector<16xi32>
    %mul3A_1712 = arith.constant 1000 : i32
    %mul3A_1713 = vector.broadcast %mul3A_1712 : i32 to vector<16xi32>
    %mul3A_1714 = arith.muli %shift_right_logical3A_1711, %mul3A_1713 : vector<16xi32>
    %add3A_1715 = arith.addi %get3A_1708, %mul3A_1714 : vector<16xi32>
    %swap3A_1716 = arith.constant 1424 : index
    %swap3A_1717 = tpu.vector_load %arg6[%swap3A_1716] {strides = array<i32>} : memref<1536xi32, #tpu.memory_space<vmem>>, vector<16xi32>,
    %swap3A_1718 = vector.shape_cast %swap3A_1717 : vector<16xi32> to vector<16xi32>
    %swap3A_1719 = vector.shape_cast %add3A_1715 : vector<16xi32> to vector<16xi32>
    tpu.vector_store %arg6[%swap3A_1716], %swap3A_1719 {strides = array<i32>} : memref<1536xi32, #tpu.memory_space<vmem>>, vector<16xi32>,
    %iota3A_1720 = tpu.iota {dimensions = array<i32: 0>} : vector<16xi32>
    %add3A_1721 = arith.constant 1440 : i32
    %add3A_1722 = arith.addi %mul3A_13, %add3A_1721 : i32
    %add3A_1723 = vector.broadcast %add3A_1722 : i32 to vector<16xi32>
    %add3A_1724 = arith.addi %iota3A_1720, %add3A_1723 : vector<16xi32>
    %get3A_1725 = arith.constant 1440 : index
    %get3A_1726 = tpu.vector_load %arg5[%get3A_1725] {strides = array<i32>} : memref<1536xi32, #tpu.memory_space<vmem>>, vector<16xi32>,
    %get3A_1727 = vector.shape_cast %get3A_1726 : vector<16xi32> to vector<16xi32>
    %shift_right_logical3A_1728 = arith.constant 10 : i32
    %shift_right_logical3A_1729 = vector.broadcast %shift_right_logical3A_1728 : i32 to vector<16xi32>
    %shift_right_logical3A_1730 = arith.shrui %add3A_1724, %shift_right_logical3A_1729 : vector<16xi32>
    %mul3A_1731 = arith.constant 1000 : i32
    %mul3A_1732 = vector.broadcast %mul3A_1731 : i32 to vector<16xi32>
    %mul3A_1733 = arith.muli %shift_right_logical3A_1730, %mul3A_1732 : vector<16xi32>
    %add3A_1734 = arith.addi %get3A_1727, %mul3A_1733 : vector<16xi32>
    %swap3A_1735 = arith.constant 1440 : index
    %swap3A_1736 = tpu.vector_load %arg6[%swap3A_1735] {strides = array<i32>} : memref<1536xi32, #tpu.memory_space<vmem>>, vector<16xi32>,
    %swap3A_1737 = vector.shape_cast %swap3A_1736 : vector<16xi32> to vector<16xi32>
    %swap3A_1738 = vector.shape_cast %add3A_1734 : vector<16xi32> to vector<16xi32>
    tpu.vector_store %arg6[%swap3A_1735], %swap3A_1738 {strides = array<i32>} : memref<1536xi32, #tpu.memory_space<vmem>>, vector<16xi32>,
    %iota3A_1739 = tpu.iota {dimensions = array<i32: 0>} : vector<16xi32>
    %add3A_1740 = arith.constant 1456 : i32
    %add3A_1741 = arith.addi %mul3A_13, %add3A_1740 : i32
    %add3A_1742 = vector.broadcast %add3A_1741 : i32 to vector<16xi32>
    %add3A_1743 = arith.addi %iota3A_1739, %add3A_1742 : vector<16xi32>
    %get3A_1744 = arith.constant 1456 : index
    %get3A_1745 = tpu.vector_load %arg5[%get3A_1744] {strides = array<i32>} : memref<1536xi32, #tpu.memory_space<vmem>>, vector<16xi32>,
    %get3A_1746 = vector.shape_cast %get3A_1745 : vector<16xi32> to vector<16xi32>
    %shift_right_logical3A_1747 = arith.constant 10 : i32
    %shift_right_logical3A_1748 = vector.broadcast %shift_right_logical3A_1747 : i32 to vector<16xi32>
    %shift_right_logical3A_1749 = arith.shrui %add3A_1743, %shift_right_logical3A_1748 : vector<16xi32>
    %mul3A_1750 = arith.constant 1000 : i32
    %mul3A_1751 = vector.broadcast %mul3A_1750 : i32 to vector<16xi32>
    %mul3A_1752 = arith.muli %shift_right_logical3A_1749, %mul3A_1751 : vector<16xi32>
    %add3A_1753 = arith.addi %get3A_1746, %mul3A_1752 : vector<16xi32>
    %swap3A_1754 = arith.constant 1456 : index
    %swap3A_1755 = tpu.vector_load %arg6[%swap3A_1754] {strides = array<i32>} : memref<1536xi32, #tpu.memory_space<vmem>>, vector<16xi32>,
    %swap3A_1756 = vector.shape_cast %swap3A_1755 : vector<16xi32> to vector<16xi32>
    %swap3A_1757 = vector.shape_cast %add3A_1753 : vector<16xi32> to vector<16xi32>
    tpu.vector_store %arg6[%swap3A_1754], %swap3A_1757 {strides = array<i32>} : memref<1536xi32, #tpu.memory_space<vmem>>, vector<16xi32>,
    %iota3A_1758 = tpu.iota {dimensions = array<i32: 0>} : vector<16xi32>
    %add3A_1759 = arith.constant 1472 : i32
    %add3A_1760 = arith.addi %mul3A_13, %add3A_1759 : i32
    %add3A_1761 = vector.broadcast %add3A_1760 : i32 to vector<16xi32>
    %add3A_1762 = arith.addi %iota3A_1758, %add3A_1761 : vector<16xi32>
    %get3A_1763 = arith.constant 1472 : index
    %get3A_1764 = tpu.vector_load %arg5[%get3A_1763] {strides = array<i32>} : memref<1536xi32, #tpu.memory_space<vmem>>, vector<16xi32>,
    %get3A_1765 = vector.shape_cast %get3A_1764 : vector<16xi32> to vector<16xi32>
    %shift_right_logical3A_1766 = arith.constant 10 : i32
    %shift_right_logical3A_1767 = vector.broadcast %shift_right_logical3A_1766 : i32 to vector<16xi32>
    %shift_right_logical3A_1768 = arith.shrui %add3A_1762, %shift_right_logical3A_1767 : vector<16xi32>
    %mul3A_1769 = arith.constant 1000 : i32
    %mul3A_1770 = vector.broadcast %mul3A_1769 : i32 to vector<16xi32>
    %mul3A_1771 = arith.muli %shift_right_logical3A_1768, %mul3A_1770 : vector<16xi32>
    %add3A_1772 = arith.addi %get3A_1765, %mul3A_1771 : vector<16xi32>
    %swap3A_1773 = arith.constant 1472 : index
    %swap3A_1774 = tpu.vector_load %arg6[%swap3A_1773] {strides = array<i32>} : memref<1536xi32, #tpu.memory_space<vmem>>, vector<16xi32>,
    %swap3A_1775 = vector.shape_cast %swap3A_1774 : vector<16xi32> to vector<16xi32>
    %swap3A_1776 = vector.shape_cast %add3A_1772 : vector<16xi32> to vector<16xi32>
    tpu.vector_store %arg6[%swap3A_1773], %swap3A_1776 {strides = array<i32>} : memref<1536xi32, #tpu.memory_space<vmem>>, vector<16xi32>,
    %iota3A_1777 = tpu.iota {dimensions = array<i32: 0>} : vector<16xi32>
    %add3A_1778 = arith.constant 1488 : i32
    %add3A_1779 = arith.addi %mul3A_13, %add3A_1778 : i32
    %add3A_1780 = vector.broadcast %add3A_1779 : i32 to vector<16xi32>
    %add3A_1781 = arith.addi %iota3A_1777, %add3A_1780 : vector<16xi32>
    %get3A_1782 = arith.constant 1488 : index
    %get3A_1783 = tpu.vector_load %arg5[%get3A_1782] {strides = array<i32>} : memref<1536xi32, #tpu.memory_space<vmem>>, vector<16xi32>,
    %get3A_1784 = vector.shape_cast %get3A_1783 : vector<16xi32> to vector<16xi32>
    %shift_right_logical3A_1785 = arith.constant 10 : i32
    %shift_right_logical3A_1786 = vector.broadcast %shift_right_logical3A_1785 : i32 to vector<16xi32>
    %shift_right_logical3A_1787 = arith.shrui %add3A_1781, %shift_right_logical3A_1786 : vector<16xi32>
    %mul3A_1788 = arith.constant 1000 : i32
    %mul3A_1789 = vector.broadcast %mul3A_1788 : i32 to vector<16xi32>
    %mul3A_1790 = arith.muli %shift_right_logical3A_1787, %mul3A_1789 : vector<16xi32>
    %add3A_1791 = arith.addi %get3A_1784, %mul3A_1790 : vector<16xi32>
    %swap3A_1792 = arith.constant 1488 : index
    %swap3A_1793 = tpu.vector_load %arg6[%swap3A_1792] {strides = array<i32>} : memref<1536xi32, #tpu.memory_space<vmem>>, vector<16xi32>,
    %swap3A_1794 = vector.shape_cast %swap3A_1793 : vector<16xi32> to vector<16xi32>
    %swap3A_1795 = vector.shape_cast %add3A_1791 : vector<16xi32> to vector<16xi32>
    tpu.vector_store %arg6[%swap3A_1792], %swap3A_1795 {strides = array<i32>} : memref<1536xi32, #tpu.memory_space<vmem>>, vector<16xi32>,
    %iota3A_1796 = tpu.iota {dimensions = array<i32: 0>} : vector<16xi32>
    %add3A_1797 = arith.constant 1504 : i32
    %add3A_1798 = arith.addi %mul3A_13, %add3A_1797 : i32
    %add3A_1799 = vector.broadcast %add3A_1798 : i32 to vector<16xi32>
    %add3A_1800 = arith.addi %iota3A_1796, %add3A_1799 : vector<16xi32>
    %get3A_1801 = arith.constant 1504 : index
    %get3A_1802 = tpu.vector_load %arg5[%get3A_1801] {strides = array<i32>} : memref<1536xi32, #tpu.memory_space<vmem>>, vector<16xi32>,
    %get3A_1803 = vector.shape_cast %get3A_1802 : vector<16xi32> to vector<16xi32>
    %shift_right_logical3A_1804 = arith.constant 10 : i32
    %shift_right_logical3A_1805 = vector.broadcast %shift_right_logical3A_1804 : i32 to vector<16xi32>
    %shift_right_logical3A_1806 = arith.shrui %add3A_1800, %shift_right_logical3A_1805 : vector<16xi32>
    %mul3A_1807 = arith.constant 1000 : i32
    %mul3A_1808 = vector.broadcast %mul3A_1807 : i32 to vector<16xi32>
    %mul3A_1809 = arith.muli %shift_right_logical3A_1806, %mul3A_1808 : vector<16xi32>
    %add3A_1810 = arith.addi %get3A_1803, %mul3A_1809 : vector<16xi32>
    %swap3A_1811 = arith.constant 1504 : index
    %swap3A_1812 = tpu.vector_load %arg6[%swap3A_1811] {strides = array<i32>} : memref<1536xi32, #tpu.memory_space<vmem>>, vector<16xi32>,
    %swap3A_1813 = vector.shape_cast %swap3A_1812 : vector<16xi32> to vector<16xi32>
    %swap3A_1814 = vector.shape_cast %add3A_1810 : vector<16xi32> to vector<16xi32>
    tpu.vector_store %arg6[%swap3A_1811], %swap3A_1814 {strides = array<i32>} : memref<1536xi32, #tpu.memory_space<vmem>>, vector<16xi32>,
    %iota3A_1815 = tpu.iota {dimensions = array<i32: 0>} : vector<16xi32>
    %add3A_1816 = arith.constant 1520 : i32
    %add3A_1817 = arith.addi %mul3A_13, %add3A_1816 : i32
    %add3A_1818 = vector.broadcast %add3A_1817 : i32 to vector<16xi32>
    %add3A_1819 = arith.addi %iota3A_1815, %add3A_1818 : vector<16xi32>
    %get3A_1820 = arith.constant 1520 : index
    %get3A_1821 = tpu.vector_load %arg5[%get3A_1820] {strides = array<i32>} : memref<1536xi32, #tpu.memory_space<vmem>>, vector<16xi32>,
    %get3A_1822 = vector.shape_cast %get3A_1821 : vector<16xi32> to vector<16xi32>
    %shift_right_logical3A_1823 = arith.constant 10 : i32
    %shift_right_logical3A_1824 = vector.broadcast %shift_right_logical3A_1823 : i32 to vector<16xi32>
    %shift_right_logical3A_1825 = arith.shrui %add3A_1819, %shift_right_logical3A_1824 : vector<16xi32>
    %mul3A_1826 = arith.constant 1000 : i32
    %mul3A_1827 = vector.broadcast %mul3A_1826 : i32 to vector<16xi32>
    %mul3A_1828 = arith.muli %shift_right_logical3A_1825, %mul3A_1827 : vector<16xi32>
    %add3A_1829 = arith.addi %get3A_1822, %mul3A_1828 : vector<16xi32>
    %swap3A_1830 = arith.constant 1520 : index
    %swap3A_1831 = tpu.vector_load %arg6[%swap3A_1830] {strides = array<i32>} : memref<1536xi32, #tpu.memory_space<vmem>>, vector<16xi32>,
    %swap3A_1832 = vector.shape_cast %swap3A_1831 : vector<16xi32> to vector<16xi32>
    %swap3A_1833 = vector.shape_cast %add3A_1829 : vector<16xi32> to vector<16xi32>
    tpu.vector_store %arg6[%swap3A_1830], %swap3A_1833 {strides = array<i32>} : memref<1536xi32, #tpu.memory_space<vmem>>, vector<16xi32>,
    %dma_start3A = arith.constant 0 : i32
    %dma_start3A_1834 = tpu.memref_slice %arg6[%dma_start3A] : memref<1536xi32, #tpu.memory_space<vmem>> -> memref<16xi32, #tpu.memory_space<vmem>>
    %dma_start3A_1835 = arith.constant 0 : i32
    %dma_start3A_1836 = arith.constant 0 : i32
    %dma_start3A_1837 = tpu.memref_slice %arg3[%dma_start3A_1835, %dma_start3A_1836] : memref<6000x1024xf32, #tpu.memory_space<hbm>> -> memref<6000x1024xf32, #tpu.memory_space<hbm>>
    tpu.enqueue_indirect_dma source(%dma_start3A_1837 : memref<6000x1024xf32, #tpu.memory_space<hbm>>) target(%arg7 : memref<16x1024xf32, #tpu.memory_space<vmem>>) offsets(%dma_start3A_1834 : memref<16xi32, #tpu.memory_space<vmem>>) semaphore(%arg13 : memref<!tpu.dma_semaphore, #tpu.memory_space<semaphore_mem>>)
    %dma_start3A_1838 = arith.constant 16 : i32
    %dma_start3A_1839 = tpu.memref_slice %arg6[%dma_start3A_1838] : memref<1536xi32, #tpu.memory_space<vmem>> -> memref<16xi32, #tpu.memory_space<vmem>>
    %dma_start3A_1840 = arith.constant 0 : i32
    %dma_start3A_1841 = arith.constant 0 : i32
    %dma_start3A_1842 = tpu.memref_slice %arg3[%dma_start3A_1840, %dma_start3A_1841] : memref<6000x1024xf32, #tpu.memory_space<hbm>> -> memref<6000x1024xf32, #tpu.memory_space<hbm>>
    tpu.enqueue_indirect_dma source(%dma_start3A_1842 : memref<6000x1024xf32, #tpu.memory_space<hbm>>) target(%arg8 : memref<16x1024xf32, #tpu.memory_space<vmem>>) offsets(%dma_start3A_1839 : memref<16xi32, #tpu.memory_space<vmem>>) semaphore(%arg14 : memref<!tpu.dma_semaphore, #tpu.memory_space<semaphore_mem>>)
    %dma_start3A_1843 = arith.constant 32 : i32
    %dma_start3A_1844 = tpu.memref_slice %arg6[%dma_start3A_1843] : memref<1536xi32, #tpu.memory_space<vmem>> -> memref<16xi32, #tpu.memory_space<vmem>>
    %dma_start3A_1845 = arith.constant 0 : i32
    %dma_start3A_1846 = arith.constant 0 : i32
    %dma_start3A_1847 = tpu.memref_slice %arg3[%dma_start3A_1845, %dma_start3A_1846] : memref<6000x1024xf32, #tpu.memory_space<hbm>> -> memref<6000x1024xf32, #tpu.memory_space<hbm>>
    tpu.enqueue_indirect_dma source(%dma_start3A_1847 : memref<6000x1024xf32, #tpu.memory_space<hbm>>) target(%arg9 : memref<16x1024xf32, #tpu.memory_space<vmem>>) offsets(%dma_start3A_1844 : memref<16xi32, #tpu.memory_space<vmem>>) semaphore(%arg15 : memref<!tpu.dma_semaphore, #tpu.memory_space<semaphore_mem>>)
    %dma_start3A_1848 = arith.constant 48 : i32
    %dma_start3A_1849 = tpu.memref_slice %arg6[%dma_start3A_1848] : memref<1536xi32, #tpu.memory_space<vmem>> -> memref<16xi32, #tpu.memory_space<vmem>>
    %dma_start3A_1850 = arith.constant 0 : i32
    %dma_start3A_1851 = arith.constant 0 : i32
    %dma_start3A_1852 = tpu.memref_slice %arg3[%dma_start3A_1850, %dma_start3A_1851] : memref<6000x1024xf32, #tpu.memory_space<hbm>> -> memref<6000x1024xf32, #tpu.memory_space<hbm>>
    tpu.enqueue_indirect_dma source(%dma_start3A_1852 : memref<6000x1024xf32, #tpu.memory_space<hbm>>) target(%arg10 : memref<16x1024xf32, #tpu.memory_space<vmem>>) offsets(%dma_start3A_1849 : memref<16xi32, #tpu.memory_space<vmem>>) semaphore(%arg16 : memref<!tpu.dma_semaphore, #tpu.memory_space<semaphore_mem>>)
    %scan3A = arith.constant 0 : i32
    %scan3A_1853 = arith.constant 0 : i32
    %scan3A_1854 = arith.constant 16 : i32
    %scan3A_1855 = arith.addi %scan3A_1853, %scan3A_1854 : i32
    %scan3A_1856 = arith.constant 1 : i32
    scf.for %scan3A_1871 = %scan3A_1853 to %scan3A_1855 step %scan3A_1856  : i32 {
      %mul3A_1872 = arith.constant 6 : i32
      %mul3A_1873 = arith.muli %mul3A_1872, %scan3A_1871 : i32
      %add3A_1874 = arith.constant 0 : i32
      %add3A_1875 = arith.addi %mul3A_1873, %add3A_1874 : i32
      %mul3A_1876 = arith.constant 16 : i32
      %mul3A_1877 = arith.muli %add3A_1875, %mul3A_1876 : i32
      %dma_wait3A_1878 = tpu.memref_slice %arg6[%mul3A_1877] : memref<1536xi32, #tpu.memory_space<vmem>> -> memref<16xi32, #tpu.memory_space<vmem>>
      %dma_wait3A_1879 = arith.constant 0 : i32
      %dma_wait3A_1880 = arith.constant 0 : i32
      %dma_wait3A_1881 = tpu.memref_slice %arg3[%dma_wait3A_1879, %dma_wait3A_1880] : memref<6000x1024xf32, #tpu.memory_space<hbm>> -> memref<6000x1024xf32, #tpu.memory_space<hbm>>
      tpu.wait_indirect_dma semaphore(%arg13 : memref<!tpu.dma_semaphore, #tpu.memory_space<semaphore_mem>>) src(%dma_wait3A_1881 : memref<6000x1024xf32, #tpu.memory_space<hbm>>) dst(%arg7 : memref<16x1024xf32, #tpu.memory_space<vmem>>)
      %mul3A_1882 = arith.constant 16 : i32
      %mul3A_1883 = arith.muli %add3A_1875, %mul3A_1882 : i32
      %add3A_1884 = arith.addi %mul3A_2, %mul3A_1883 : i32
      %multiple_of3A_1885 = tpu.assume_multiple %add3A_1884, 8 : i32
      %dma_start3A_1886 = arith.constant 0 : i32
      %dma_start3A_1887 = tpu.memref_slice %arg4[%multiple_of3A_1885, %dma_start3A_1886] : memref<49152x1024xf32, #tpu.memory_space<hbm>> -> memref<16x1024xf32, #tpu.memory_space<hbm>>
      %dma_start3A_1888 = arith.constant 0 : i32
      %dma_start3A_1889 = tpu.memref_slice %arg4[%multiple_of3A_1885, %dma_start3A_1888] : memref<49152x1024xf32, #tpu.memory_space<hbm>> -> memref<16x1024xf32, #tpu.memory_space<hbm>>
      tpu.enqueue_dma source(%arg7 : memref<16x1024xf32, #tpu.memory_space<vmem>>) target(%dma_start3A_1889 : memref<16x1024xf32, #tpu.memory_space<hbm>>) target_semaphore(%arg19 : memref<!tpu.dma_semaphore, #tpu.memory_space<semaphore_mem>>)
      %add3A_1890 = arith.constant 4 : i32
      %add3A_1891 = arith.addi %add3A_1875, %add3A_1890 : i32
      %sub3A = arith.constant 6 : i32
      %sub3A_1892 = arith.subi %add3A_1891, %sub3A : i32
      %ge3A = arith.constant 0 : i32
      %ge3A_1893 = arith.cmpi sge, %sub3A_1892, %ge3A : i32
      %convert_element_type3A = arith.extui %ge3A_1893 : i1 to i32
      %cond3A = arith.constant 0 : i32
      %cond3A_1894 = arith.cmpi ne, %convert_element_type3A, %cond3A : i32
      scf.if %cond3A_1894 {
        %mul3A_2072 = arith.constant 16 : i32
        %mul3A_2073 = arith.muli %sub3A_1892, %mul3A_2072 : i32
        %add3A_2074 = arith.addi %mul3A_2, %mul3A_2073 : i32
        %multiple_of3A_2075 = tpu.assume_multiple %add3A_2074, 8 : i32
        %dma_wait3A_2076 = arith.constant 0 : i32
        %dma_wait3A_2077 = tpu.memref_slice %arg4[%multiple_of3A_2075, %dma_wait3A_2076] : memref<49152x1024xf32, #tpu.memory_space<hbm>> -> memref<16x1024xf32, #tpu.memory_space<hbm>>
        %dma_wait3A_2078 = arith.constant 0 : i32
        %dma_wait3A_2079 = tpu.memref_slice %arg4[%multiple_of3A_2075, %dma_wait3A_2078] : memref<49152x1024xf32, #tpu.memory_space<hbm>> -> memref<16x1024xf32, #tpu.memory_space<hbm>>
        tpu.wait_dma2 semaphore(%arg23 : memref<!tpu.dma_semaphore, #tpu.memory_space<semaphore_mem>>) src(%arg11 : memref<16x1024xf32, #tpu.memory_space<vmem>>) dst(%dma_wait3A_2079 : memref<16x1024xf32, #tpu.memory_space<hbm>>)
      } else {
      }
      %add3A_1895 = arith.constant 4 : i32
      %add3A_1896 = arith.addi %add3A_1875, %add3A_1895 : i32
      %lt3A_1897 = arith.constant 96 : i32
      %lt3A_1898 = arith.cmpi slt, %add3A_1896, %lt3A_1897 : i32
      %convert_element_type3A_1899 = arith.extui %lt3A_1898 : i1 to i32
      %cond3A_1900 = arith.constant 0 : i32
      %cond3A_1901 = arith.cmpi ne, %convert_element_type3A_1899, %cond3A_1900 : i32
      scf.if %cond3A_1901 {
        %add3A_2072 = arith.constant 4 : i32
        %add3A_2073 = arith.addi %add3A_1875, %add3A_2072 : i32
        %mul3A_2074 = arith.constant 16 : i32
        %mul3A_2075 = arith.muli %add3A_2073, %mul3A_2074 : i32
        %dma_start3A_2076 = tpu.memref_slice %arg6[%mul3A_2075] : memref<1536xi32, #tpu.memory_space<vmem>> -> memref<16xi32, #tpu.memory_space<vmem>>
        %dma_start3A_2077 = arith.constant 0 : i32
        %dma_start3A_2078 = arith.constant 0 : i32
        %dma_start3A_2079 = tpu.memref_slice %arg3[%dma_start3A_2077, %dma_start3A_2078] : memref<6000x1024xf32, #tpu.memory_space<hbm>> -> memref<6000x1024xf32, #tpu.memory_space<hbm>>
        tpu.enqueue_indirect_dma source(%dma_start3A_2079 : memref<6000x1024xf32, #tpu.memory_space<hbm>>) target(%arg11 : memref<16x1024xf32, #tpu.memory_space<vmem>>) offsets(%dma_start3A_2076 : memref<16xi32, #tpu.memory_space<vmem>>) semaphore(%arg17 : memref<!tpu.dma_semaphore, #tpu.memory_space<semaphore_mem>>)
      } else {
      }
      %mul3A_1902 = arith.constant 6 : i32
      %mul3A_1903 = arith.muli %mul3A_1902, %scan3A_1871 : i32
      %add3A_1904 = arith.constant 1 : i32
      %add3A_1905 = arith.addi %mul3A_1903, %add3A_1904 : i32
      %mul3A_1906 = arith.constant 16 : i32
      %mul3A_1907 = arith.muli %add3A_1905, %mul3A_1906 : i32
      %dma_wait3A_1908 = tpu.memref_slice %arg6[%mul3A_1907] : memref<1536xi32, #tpu.memory_space<vmem>> -> memref<16xi32, #tpu.memory_space<vmem>>
      %dma_wait3A_1909 = arith.constant 0 : i32
      %dma_wait3A_1910 = arith.constant 0 : i32
      %dma_wait3A_1911 = tpu.memref_slice %arg3[%dma_wait3A_1909, %dma_wait3A_1910] : memref<6000x1024xf32, #tpu.memory_space<hbm>> -> memref<6000x1024xf32, #tpu.memory_space<hbm>>
      tpu.wait_indirect_dma semaphore(%arg14 : memref<!tpu.dma_semaphore, #tpu.memory_space<semaphore_mem>>) src(%dma_wait3A_1911 : memref<6000x1024xf32, #tpu.memory_space<hbm>>) dst(%arg8 : memref<16x1024xf32, #tpu.memory_space<vmem>>)
      %mul3A_1912 = arith.constant 16 : i32
      %mul3A_1913 = arith.muli %add3A_1905, %mul3A_1912 : i32
      %add3A_1914 = arith.addi %mul3A_2, %mul3A_1913 : i32
      %multiple_of3A_1915 = tpu.assume_multiple %add3A_1914, 8 : i32
      %dma_start3A_1916 = arith.constant 0 : i32
      %dma_start3A_1917 = tpu.memref_slice %arg4[%multiple_of3A_1915, %dma_start3A_1916] : memref<49152x1024xf32, #tpu.memory_space<hbm>> -> memref<16x1024xf32, #tpu.memory_space<hbm>>
      %dma_start3A_1918 = arith.constant 0 : i32
      %dma_start3A_1919 = tpu.memref_slice %arg4[%multiple_of3A_1915, %dma_start3A_1918] : memref<49152x1024xf32, #tpu.memory_space<hbm>> -> memref<16x1024xf32, #tpu.memory_space<hbm>>
      tpu.enqueue_dma source(%arg8 : memref<16x1024xf32, #tpu.memory_space<vmem>>) target(%dma_start3A_1919 : memref<16x1024xf32, #tpu.memory_space<hbm>>) target_semaphore(%arg20 : memref<!tpu.dma_semaphore, #tpu.memory_space<semaphore_mem>>)
      %add3A_1920 = arith.constant 4 : i32
      %add3A_1921 = arith.addi %add3A_1905, %add3A_1920 : i32
      %sub3A_1922 = arith.constant 6 : i32
      %sub3A_1923 = arith.subi %add3A_1921, %sub3A_1922 : i32
      %ge3A_1924 = arith.constant 0 : i32
      %ge3A_1925 = arith.cmpi sge, %sub3A_1923, %ge3A_1924 : i32
      %convert_element_type3A_1926 = arith.extui %ge3A_1925 : i1 to i32
      %cond3A_1927 = arith.constant 0 : i32
      %cond3A_1928 = arith.cmpi ne, %convert_element_type3A_1926, %cond3A_1927 : i32
      scf.if %cond3A_1928 {
        %mul3A_2072 = arith.constant 16 : i32
        %mul3A_2073 = arith.muli %sub3A_1923, %mul3A_2072 : i32
        %add3A_2074 = arith.addi %mul3A_2, %mul3A_2073 : i32
        %multiple_of3A_2075 = tpu.assume_multiple %add3A_2074, 8 : i32
        %dma_wait3A_2076 = arith.constant 0 : i32
        %dma_wait3A_2077 = tpu.memref_slice %arg4[%multiple_of3A_2075, %dma_wait3A_2076] : memref<49152x1024xf32, #tpu.memory_space<hbm>> -> memref<16x1024xf32, #tpu.memory_space<hbm>>
        %dma_wait3A_2078 = arith.constant 0 : i32
        %dma_wait3A_2079 = tpu.memref_slice %arg4[%multiple_of3A_2075, %dma_wait3A_2078] : memref<49152x1024xf32, #tpu.memory_space<hbm>> -> memref<16x1024xf32, #tpu.memory_space<hbm>>
        tpu.wait_dma2 semaphore(%arg24 : memref<!tpu.dma_semaphore, #tpu.memory_space<semaphore_mem>>) src(%arg12 : memref<16x1024xf32, #tpu.memory_space<vmem>>) dst(%dma_wait3A_2079 : memref<16x1024xf32, #tpu.memory_space<hbm>>)
      } else {
      }
      %add3A_1929 = arith.constant 4 : i32
      %add3A_1930 = arith.addi %add3A_1905, %add3A_1929 : i32
      %lt3A_1931 = arith.constant 96 : i32
      %lt3A_1932 = arith.cmpi slt, %add3A_1930, %lt3A_1931 : i32
      %convert_element_type3A_1933 = arith.extui %lt3A_1932 : i1 to i32
      %cond3A_1934 = arith.constant 0 : i32
      %cond3A_1935 = arith.cmpi ne, %convert_element_type3A_1933, %cond3A_1934 : i32
      scf.if %cond3A_1935 {
        %add3A_2072 = arith.constant 4 : i32
        %add3A_2073 = arith.addi %add3A_1905, %add3A_2072 : i32
        %mul3A_2074 = arith.constant 16 : i32
        %mul3A_2075 = arith.muli %add3A_2073, %mul3A_2074 : i32
        %dma_start3A_2076 = tpu.memref_slice %arg6[%mul3A_2075] : memref<1536xi32, #tpu.memory_space<vmem>> -> memref<16xi32, #tpu.memory_space<vmem>>
        %dma_start3A_2077 = arith.constant 0 : i32
        %dma_start3A_2078 = arith.constant 0 : i32
        %dma_start3A_2079 = tpu.memref_slice %arg3[%dma_start3A_2077, %dma_start3A_2078] : memref<6000x1024xf32, #tpu.memory_space<hbm>> -> memref<6000x1024xf32, #tpu.memory_space<hbm>>
        tpu.enqueue_indirect_dma source(%dma_start3A_2079 : memref<6000x1024xf32, #tpu.memory_space<hbm>>) target(%arg12 : memref<16x1024xf32, #tpu.memory_space<vmem>>) offsets(%dma_start3A_2076 : memref<16xi32, #tpu.memory_space<vmem>>) semaphore(%arg18 : memref<!tpu.dma_semaphore, #tpu.memory_space<semaphore_mem>>)
      } else {
      }
      %mul3A_1936 = arith.constant 6 : i32
      %mul3A_1937 = arith.muli %mul3A_1936, %scan3A_1871 : i32
      %add3A_1938 = arith.constant 2 : i32
      %add3A_1939 = arith.addi %mul3A_1937, %add3A_1938 : i32
      %mul3A_1940 = arith.constant 16 : i32
      %mul3A_1941 = arith.muli %add3A_1939, %mul3A_1940 : i32
      %dma_wait3A_1942 = tpu.memref_slice %arg6[%mul3A_1941] : memref<1536xi32, #tpu.memory_space<vmem>> -> memref<16xi32, #tpu.memory_space<vmem>>
      %dma_wait3A_1943 = arith.constant 0 : i32
      %dma_wait3A_1944 = arith.constant 0 : i32
      %dma_wait3A_1945 = tpu.memref_slice %arg3[%dma_wait3A_1943, %dma_wait3A_1944] : memref<6000x1024xf32, #tpu.memory_space<hbm>> -> memref<6000x1024xf32, #tpu.memory_space<hbm>>
      tpu.wait_indirect_dma semaphore(%arg15 : memref<!tpu.dma_semaphore, #tpu.memory_space<semaphore_mem>>) src(%dma_wait3A_1945 : memref<6000x1024xf32, #tpu.memory_space<hbm>>) dst(%arg9 : memref<16x1024xf32, #tpu.memory_space<vmem>>)
      %mul3A_1946 = arith.constant 16 : i32
      %mul3A_1947 = arith.muli %add3A_1939, %mul3A_1946 : i32
      %add3A_1948 = arith.addi %mul3A_2, %mul3A_1947 : i32
      %multiple_of3A_1949 = tpu.assume_multiple %add3A_1948, 8 : i32
      %dma_start3A_1950 = arith.constant 0 : i32
      %dma_start3A_1951 = tpu.memref_slice %arg4[%multiple_of3A_1949, %dma_start3A_1950] : memref<49152x1024xf32, #tpu.memory_space<hbm>> -> memref<16x1024xf32, #tpu.memory_space<hbm>>
      %dma_start3A_1952 = arith.constant 0 : i32
      %dma_start3A_1953 = tpu.memref_slice %arg4[%multiple_of3A_1949, %dma_start3A_1952] : memref<49152x1024xf32, #tpu.memory_space<hbm>> -> memref<16x1024xf32, #tpu.memory_space<hbm>>
      tpu.enqueue_dma source(%arg9 : memref<16x1024xf32, #tpu.memory_space<vmem>>) target(%dma_start3A_1953 : memref<16x1024xf32, #tpu.memory_space<hbm>>) target_semaphore(%arg21 : memref<!tpu.dma_semaphore, #tpu.memory_space<semaphore_mem>>)
      %add3A_1954 = arith.constant 4 : i32
      %add3A_1955 = arith.addi %add3A_1939, %add3A_1954 : i32
      %sub3A_1956 = arith.constant 6 : i32
      %sub3A_1957 = arith.subi %add3A_1955, %sub3A_1956 : i32
      %ge3A_1958 = arith.constant 0 : i32
      %ge3A_1959 = arith.cmpi sge, %sub3A_1957, %ge3A_1958 : i32
      %convert_element_type3A_1960 = arith.extui %ge3A_1959 : i1 to i32
      %cond3A_1961 = arith.constant 0 : i32
      %cond3A_1962 = arith.cmpi ne, %convert_element_type3A_1960, %cond3A_1961 : i32
      scf.if %cond3A_1962 {
        %mul3A_2072 = arith.constant 16 : i32
        %mul3A_2073 = arith.muli %sub3A_1957, %mul3A_2072 : i32
        %add3A_2074 = arith.addi %mul3A_2, %mul3A_2073 : i32
        %multiple_of3A_2075 = tpu.assume_multiple %add3A_2074, 8 : i32
        %dma_wait3A_2076 = arith.constant 0 : i32
        %dma_wait3A_2077 = tpu.memref_slice %arg4[%multiple_of3A_2075, %dma_wait3A_2076] : memref<49152x1024xf32, #tpu.memory_space<hbm>> -> memref<16x1024xf32, #tpu.memory_space<hbm>>
        %dma_wait3A_2078 = arith.constant 0 : i32
        %dma_wait3A_2079 = tpu.memref_slice %arg4[%multiple_of3A_2075, %dma_wait3A_2078] : memref<49152x1024xf32, #tpu.memory_space<hbm>> -> memref<16x1024xf32, #tpu.memory_space<hbm>>
        tpu.wait_dma2 semaphore(%arg19 : memref<!tpu.dma_semaphore, #tpu.memory_space<semaphore_mem>>) src(%arg7 : memref<16x1024xf32, #tpu.memory_space<vmem>>) dst(%dma_wait3A_2079 : memref<16x1024xf32, #tpu.memory_space<hbm>>)
      } else {
      }
      %add3A_1963 = arith.constant 4 : i32
      %add3A_1964 = arith.addi %add3A_1939, %add3A_1963 : i32
      %lt3A_1965 = arith.constant 96 : i32
      %lt3A_1966 = arith.cmpi slt, %add3A_1964, %lt3A_1965 : i32
      %convert_element_type3A_1967 = arith.extui %lt3A_1966 : i1 to i32
      %cond3A_1968 = arith.constant 0 : i32
      %cond3A_1969 = arith.cmpi ne, %convert_element_type3A_1967, %cond3A_1968 : i32
      scf.if %cond3A_1969 {
        %add3A_2072 = arith.constant 4 : i32
        %add3A_2073 = arith.addi %add3A_1939, %add3A_2072 : i32
        %mul3A_2074 = arith.constant 16 : i32
        %mul3A_2075 = arith.muli %add3A_2073, %mul3A_2074 : i32
        %dma_start3A_2076 = tpu.memref_slice %arg6[%mul3A_2075] : memref<1536xi32, #tpu.memory_space<vmem>> -> memref<16xi32, #tpu.memory_space<vmem>>
        %dma_start3A_2077 = arith.constant 0 : i32
        %dma_start3A_2078 = arith.constant 0 : i32
        %dma_start3A_2079 = tpu.memref_slice %arg3[%dma_start3A_2077, %dma_start3A_2078] : memref<6000x1024xf32, #tpu.memory_space<hbm>> -> memref<6000x1024xf32, #tpu.memory_space<hbm>>
        tpu.enqueue_indirect_dma source(%dma_start3A_2079 : memref<6000x1024xf32, #tpu.memory_space<hbm>>) target(%arg7 : memref<16x1024xf32, #tpu.memory_space<vmem>>) offsets(%dma_start3A_2076 : memref<16xi32, #tpu.memory_space<vmem>>) semaphore(%arg13 : memref<!tpu.dma_semaphore, #tpu.memory_space<semaphore_mem>>)
      } else {
      }
      %mul3A_1970 = arith.constant 6 : i32
      %mul3A_1971 = arith.muli %mul3A_1970, %scan3A_1871 : i32
      %add3A_1972 = arith.constant 3 : i32
      %add3A_1973 = arith.addi %mul3A_1971, %add3A_1972 : i32
      %mul3A_1974 = arith.constant 16 : i32
      %mul3A_1975 = arith.muli %add3A_1973, %mul3A_1974 : i32
      %dma_wait3A_1976 = tpu.memref_slice %arg6[%mul3A_1975] : memref<1536xi32, #tpu.memory_space<vmem>> -> memref<16xi32, #tpu.memory_space<vmem>>
      %dma_wait3A_1977 = arith.constant 0 : i32
      %dma_wait3A_1978 = arith.constant 0 : i32
      %dma_wait3A_1979 = tpu.memref_slice %arg3[%dma_wait3A_1977, %dma_wait3A_1978] : memref<6000x1024xf32, #tpu.memory_space<hbm>> -> memref<6000x1024xf32, #tpu.memory_space<hbm>>
      tpu.wait_indirect_dma semaphore(%arg16 : memref<!tpu.dma_semaphore, #tpu.memory_space<semaphore_mem>>) src(%dma_wait3A_1979 : memref<6000x1024xf32, #tpu.memory_space<hbm>>) dst(%arg10 : memref<16x1024xf32, #tpu.memory_space<vmem>>)
      %mul3A_1980 = arith.constant 16 : i32
      %mul3A_1981 = arith.muli %add3A_1973, %mul3A_1980 : i32
      %add3A_1982 = arith.addi %mul3A_2, %mul3A_1981 : i32
      %multiple_of3A_1983 = tpu.assume_multiple %add3A_1982, 8 : i32
      %dma_start3A_1984 = arith.constant 0 : i32
      %dma_start3A_1985 = tpu.memref_slice %arg4[%multiple_of3A_1983, %dma_start3A_1984] : memref<49152x1024xf32, #tpu.memory_space<hbm>> -> memref<16x1024xf32, #tpu.memory_space<hbm>>
      %dma_start3A_1986 = arith.constant 0 : i32
      %dma_start3A_1987 = tpu.memref_slice %arg4[%multiple_of3A_1983, %dma_start3A_1986] : memref<49152x1024xf32, #tpu.memory_space<hbm>> -> memref<16x1024xf32, #tpu.memory_space<hbm>>
      tpu.enqueue_dma source(%arg10 : memref<16x1024xf32, #tpu.memory_space<vmem>>) target(%dma_start3A_1987 : memref<16x1024xf32, #tpu.memory_space<hbm>>) target_semaphore(%arg22 : memref<!tpu.dma_semaphore, #tpu.memory_space<semaphore_mem>>)
      %add3A_1988 = arith.constant 4 : i32
      %add3A_1989 = arith.addi %add3A_1973, %add3A_1988 : i32
      %sub3A_1990 = arith.constant 6 : i32
      %sub3A_1991 = arith.subi %add3A_1989, %sub3A_1990 : i32
      %ge3A_1992 = arith.constant 0 : i32
      %ge3A_1993 = arith.cmpi sge, %sub3A_1991, %ge3A_1992 : i32
      %convert_element_type3A_1994 = arith.extui %ge3A_1993 : i1 to i32
      %cond3A_1995 = arith.constant 0 : i32
      %cond3A_1996 = arith.cmpi ne, %convert_element_type3A_1994, %cond3A_1995 : i32
      scf.if %cond3A_1996 {
        %mul3A_2072 = arith.constant 16 : i32
        %mul3A_2073 = arith.muli %sub3A_1991, %mul3A_2072 : i32
        %add3A_2074 = arith.addi %mul3A_2, %mul3A_2073 : i32
        %multiple_of3A_2075 = tpu.assume_multiple %add3A_2074, 8 : i32
        %dma_wait3A_2076 = arith.constant 0 : i32
        %dma_wait3A_2077 = tpu.memref_slice %arg4[%multiple_of3A_2075, %dma_wait3A_2076] : memref<49152x1024xf32, #tpu.memory_space<hbm>> -> memref<16x1024xf32, #tpu.memory_space<hbm>>
        %dma_wait3A_2078 = arith.constant 0 : i32
        %dma_wait3A_2079 = tpu.memref_slice %arg4[%multiple_of3A_2075, %dma_wait3A_2078] : memref<49152x1024xf32, #tpu.memory_space<hbm>> -> memref<16x1024xf32, #tpu.memory_space<hbm>>
        tpu.wait_dma2 semaphore(%arg20 : memref<!tpu.dma_semaphore, #tpu.memory_space<semaphore_mem>>) src(%arg8 : memref<16x1024xf32, #tpu.memory_space<vmem>>) dst(%dma_wait3A_2079 : memref<16x1024xf32, #tpu.memory_space<hbm>>)
      } else {
      }
      %add3A_1997 = arith.constant 4 : i32
      %add3A_1998 = arith.addi %add3A_1973, %add3A_1997 : i32
      %lt3A_1999 = arith.constant 96 : i32
      %lt3A_2000 = arith.cmpi slt, %add3A_1998, %lt3A_1999 : i32
      %convert_element_type3A_2001 = arith.extui %lt3A_2000 : i1 to i32
      %cond3A_2002 = arith.constant 0 : i32
      %cond3A_2003 = arith.cmpi ne, %convert_element_type3A_2001, %cond3A_2002 : i32
      scf.if %cond3A_2003 {
        %add3A_2072 = arith.constant 4 : i32
        %add3A_2073 = arith.addi %add3A_1973, %add3A_2072 : i32
        %mul3A_2074 = arith.constant 16 : i32
        %mul3A_2075 = arith.muli %add3A_2073, %mul3A_2074 : i32
        %dma_start3A_2076 = tpu.memref_slice %arg6[%mul3A_2075] : memref<1536xi32, #tpu.memory_space<vmem>> -> memref<16xi32, #tpu.memory_space<vmem>>
        %dma_start3A_2077 = arith.constant 0 : i32
        %dma_start3A_2078 = arith.constant 0 : i32
        %dma_start3A_2079 = tpu.memref_slice %arg3[%dma_start3A_2077, %dma_start3A_2078] : memref<6000x1024xf32, #tpu.memory_space<hbm>> -> memref<6000x1024xf32, #tpu.memory_space<hbm>>
        tpu.enqueue_indirect_dma source(%dma_start3A_2079 : memref<6000x1024xf32, #tpu.memory_space<hbm>>) target(%arg8 : memref<16x1024xf32, #tpu.memory_space<vmem>>) offsets(%dma_start3A_2076 : memref<16xi32, #tpu.memory_space<vmem>>) semaphore(%arg14 : memref<!tpu.dma_semaphore, #tpu.memory_space<semaphore_mem>>)
      } else {
      }
      %mul3A_2004 = arith.constant 6 : i32
      %mul3A_2005 = arith.muli %mul3A_2004, %scan3A_1871 : i32
      %add3A_2006 = arith.constant 4 : i32
      %add3A_2007 = arith.addi %mul3A_2005, %add3A_2006 : i32
      %mul3A_2008 = arith.constant 16 : i32
      %mul3A_2009 = arith.muli %add3A_2007, %mul3A_2008 : i32
      %dma_wait3A_2010 = tpu.memref_slice %arg6[%mul3A_2009] : memref<1536xi32, #tpu.memory_space<vmem>> -> memref<16xi32, #tpu.memory_space<vmem>>
      %dma_wait3A_2011 = arith.constant 0 : i32
      %dma_wait3A_2012 = arith.constant 0 : i32
      %dma_wait3A_2013 = tpu.memref_slice %arg3[%dma_wait3A_2011, %dma_wait3A_2012] : memref<6000x1024xf32, #tpu.memory_space<hbm>> -> memref<6000x1024xf32, #tpu.memory_space<hbm>>
      tpu.wait_indirect_dma semaphore(%arg17 : memref<!tpu.dma_semaphore, #tpu.memory_space<semaphore_mem>>) src(%dma_wait3A_2013 : memref<6000x1024xf32, #tpu.memory_space<hbm>>) dst(%arg11 : memref<16x1024xf32, #tpu.memory_space<vmem>>)
      %mul3A_2014 = arith.constant 16 : i32
      %mul3A_2015 = arith.muli %add3A_2007, %mul3A_2014 : i32
      %add3A_2016 = arith.addi %mul3A_2, %mul3A_2015 : i32
      %multiple_of3A_2017 = tpu.assume_multiple %add3A_2016, 8 : i32
      %dma_start3A_2018 = arith.constant 0 : i32
      %dma_start3A_2019 = tpu.memref_slice %arg4[%multiple_of3A_2017, %dma_start3A_2018] : memref<49152x1024xf32, #tpu.memory_space<hbm>> -> memref<16x1024xf32, #tpu.memory_space<hbm>>
      %dma_start3A_2020 = arith.constant 0 : i32
      %dma_start3A_2021 = tpu.memref_slice %arg4[%multiple_of3A_2017, %dma_start3A_2020] : memref<49152x1024xf32, #tpu.memory_space<hbm>> -> memref<16x1024xf32, #tpu.memory_space<hbm>>
      tpu.enqueue_dma source(%arg11 : memref<16x1024xf32, #tpu.memory_space<vmem>>) target(%dma_start3A_2021 : memref<16x1024xf32, #tpu.memory_space<hbm>>) target_semaphore(%arg23 : memref<!tpu.dma_semaphore, #tpu.memory_space<semaphore_mem>>)
      %add3A_2022 = arith.constant 4 : i32
      %add3A_2023 = arith.addi %add3A_2007, %add3A_2022 : i32
      %sub3A_2024 = arith.constant 6 : i32
      %sub3A_2025 = arith.subi %add3A_2023, %sub3A_2024 : i32
      %ge3A_2026 = arith.constant 0 : i32
      %ge3A_2027 = arith.cmpi sge, %sub3A_2025, %ge3A_2026 : i32
      %convert_element_type3A_2028 = arith.extui %ge3A_2027 : i1 to i32
      %cond3A_2029 = arith.constant 0 : i32
      %cond3A_2030 = arith.cmpi ne, %convert_element_type3A_2028, %cond3A_2029 : i32
      scf.if %cond3A_2030 {
        %mul3A_2072 = arith.constant 16 : i32
        %mul3A_2073 = arith.muli %sub3A_2025, %mul3A_2072 : i32
        %add3A_2074 = arith.addi %mul3A_2, %mul3A_2073 : i32
        %multiple_of3A_2075 = tpu.assume_multiple %add3A_2074, 8 : i32
        %dma_wait3A_2076 = arith.constant 0 : i32
        %dma_wait3A_2077 = tpu.memref_slice %arg4[%multiple_of3A_2075, %dma_wait3A_2076] : memref<49152x1024xf32, #tpu.memory_space<hbm>> -> memref<16x1024xf32, #tpu.memory_space<hbm>>
        %dma_wait3A_2078 = arith.constant 0 : i32
        %dma_wait3A_2079 = tpu.memref_slice %arg4[%multiple_of3A_2075, %dma_wait3A_2078] : memref<49152x1024xf32, #tpu.memory_space<hbm>> -> memref<16x1024xf32, #tpu.memory_space<hbm>>
        tpu.wait_dma2 semaphore(%arg21 : memref<!tpu.dma_semaphore, #tpu.memory_space<semaphore_mem>>) src(%arg9 : memref<16x1024xf32, #tpu.memory_space<vmem>>) dst(%dma_wait3A_2079 : memref<16x1024xf32, #tpu.memory_space<hbm>>)
      } else {
      }
      %add3A_2031 = arith.constant 4 : i32
      %add3A_2032 = arith.addi %add3A_2007, %add3A_2031 : i32
      %lt3A_2033 = arith.constant 96 : i32
      %lt3A_2034 = arith.cmpi slt, %add3A_2032, %lt3A_2033 : i32
      %convert_element_type3A_2035 = arith.extui %lt3A_2034 : i1 to i32
      %cond3A_2036 = arith.constant 0 : i32
      %cond3A_2037 = arith.cmpi ne, %convert_element_type3A_2035, %cond3A_2036 : i32
      scf.if %cond3A_2037 {
        %add3A_2072 = arith.constant 4 : i32
        %add3A_2073 = arith.addi %add3A_2007, %add3A_2072 : i32
        %mul3A_2074 = arith.constant 16 : i32
        %mul3A_2075 = arith.muli %add3A_2073, %mul3A_2074 : i32
        %dma_start3A_2076 = tpu.memref_slice %arg6[%mul3A_2075] : memref<1536xi32, #tpu.memory_space<vmem>> -> memref<16xi32, #tpu.memory_space<vmem>>
        %dma_start3A_2077 = arith.constant 0 : i32
        %dma_start3A_2078 = arith.constant 0 : i32
        %dma_start3A_2079 = tpu.memref_slice %arg3[%dma_start3A_2077, %dma_start3A_2078] : memref<6000x1024xf32, #tpu.memory_space<hbm>> -> memref<6000x1024xf32, #tpu.memory_space<hbm>>
        tpu.enqueue_indirect_dma source(%dma_start3A_2079 : memref<6000x1024xf32, #tpu.memory_space<hbm>>) target(%arg9 : memref<16x1024xf32, #tpu.memory_space<vmem>>) offsets(%dma_start3A_2076 : memref<16xi32, #tpu.memory_space<vmem>>) semaphore(%arg15 : memref<!tpu.dma_semaphore, #tpu.memory_space<semaphore_mem>>)
      } else {
      }
      %mul3A_2038 = arith.constant 6 : i32
      %mul3A_2039 = arith.muli %mul3A_2038, %scan3A_1871 : i32
      %add3A_2040 = arith.constant 5 : i32
      %add3A_2041 = arith.addi %mul3A_2039, %add3A_2040 : i32
      %mul3A_2042 = arith.constant 16 : i32
      %mul3A_2043 = arith.muli %add3A_2041, %mul3A_2042 : i32
      %dma_wait3A_2044 = tpu.memref_slice %arg6[%mul3A_2043] : memref<1536xi32, #tpu.memory_space<vmem>> -> memref<16xi32, #tpu.memory_space<vmem>>
      %dma_wait3A_2045 = arith.constant 0 : i32
      %dma_wait3A_2046 = arith.constant 0 : i32
      %dma_wait3A_2047 = tpu.memref_slice %arg3[%dma_wait3A_2045, %dma_wait3A_2046] : memref<6000x1024xf32, #tpu.memory_space<hbm>> -> memref<6000x1024xf32, #tpu.memory_space<hbm>>
      tpu.wait_indirect_dma semaphore(%arg18 : memref<!tpu.dma_semaphore, #tpu.memory_space<semaphore_mem>>) src(%dma_wait3A_2047 : memref<6000x1024xf32, #tpu.memory_space<hbm>>) dst(%arg12 : memref<16x1024xf32, #tpu.memory_space<vmem>>)
      %mul3A_2048 = arith.constant 16 : i32
      %mul3A_2049 = arith.muli %add3A_2041, %mul3A_2048 : i32
      %add3A_2050 = arith.addi %mul3A_2, %mul3A_2049 : i32
      %multiple_of3A_2051 = tpu.assume_multiple %add3A_2050, 8 : i32
      %dma_start3A_2052 = arith.constant 0 : i32
      %dma_start3A_2053 = tpu.memref_slice %arg4[%multiple_of3A_2051, %dma_start3A_2052] : memref<49152x1024xf32, #tpu.memory_space<hbm>> -> memref<16x1024xf32, #tpu.memory_space<hbm>>
      %dma_start3A_2054 = arith.constant 0 : i32
      %dma_start3A_2055 = tpu.memref_slice %arg4[%multiple_of3A_2051, %dma_start3A_2054] : memref<49152x1024xf32, #tpu.memory_space<hbm>> -> memref<16x1024xf32, #tpu.memory_space<hbm>>
      tpu.enqueue_dma source(%arg12 : memref<16x1024xf32, #tpu.memory_space<vmem>>) target(%dma_start3A_2055 : memref<16x1024xf32, #tpu.memory_space<hbm>>) target_semaphore(%arg24 : memref<!tpu.dma_semaphore, #tpu.memory_space<semaphore_mem>>)
      %add3A_2056 = arith.constant 4 : i32
      %add3A_2057 = arith.addi %add3A_2041, %add3A_2056 : i32
      %sub3A_2058 = arith.constant 6 : i32
      %sub3A_2059 = arith.subi %add3A_2057, %sub3A_2058 : i32
      %ge3A_2060 = arith.constant 0 : i32
      %ge3A_2061 = arith.cmpi sge, %sub3A_2059, %ge3A_2060 : i32
      %convert_element_type3A_2062 = arith.extui %ge3A_2061 : i1 to i32
      %cond3A_2063 = arith.constant 0 : i32
      %cond3A_2064 = arith.cmpi ne, %convert_element_type3A_2062, %cond3A_2063 : i32
      scf.if %cond3A_2064 {
        %mul3A_2072 = arith.constant 16 : i32
        %mul3A_2073 = arith.muli %sub3A_2059, %mul3A_2072 : i32
        %add3A_2074 = arith.addi %mul3A_2, %mul3A_2073 : i32
        %multiple_of3A_2075 = tpu.assume_multiple %add3A_2074, 8 : i32
        %dma_wait3A_2076 = arith.constant 0 : i32
        %dma_wait3A_2077 = tpu.memref_slice %arg4[%multiple_of3A_2075, %dma_wait3A_2076] : memref<49152x1024xf32, #tpu.memory_space<hbm>> -> memref<16x1024xf32, #tpu.memory_space<hbm>>
        %dma_wait3A_2078 = arith.constant 0 : i32
        %dma_wait3A_2079 = tpu.memref_slice %arg4[%multiple_of3A_2075, %dma_wait3A_2078] : memref<49152x1024xf32, #tpu.memory_space<hbm>> -> memref<16x1024xf32, #tpu.memory_space<hbm>>
        tpu.wait_dma2 semaphore(%arg22 : memref<!tpu.dma_semaphore, #tpu.memory_space<semaphore_mem>>) src(%arg10 : memref<16x1024xf32, #tpu.memory_space<vmem>>) dst(%dma_wait3A_2079 : memref<16x1024xf32, #tpu.memory_space<hbm>>)
      } else {
      }
      %add3A_2065 = arith.constant 4 : i32
      %add3A_2066 = arith.addi %add3A_2041, %add3A_2065 : i32
      %lt3A_2067 = arith.constant 96 : i32
      %lt3A_2068 = arith.cmpi slt, %add3A_2066, %lt3A_2067 : i32
      %convert_element_type3A_2069 = arith.extui %lt3A_2068 : i1 to i32
      %cond3A_2070 = arith.constant 0 : i32
      %cond3A_2071 = arith.cmpi ne, %convert_element_type3A_2069, %cond3A_2070 : i32
      scf.if %cond3A_2071 {
        %add3A_2072 = arith.constant 4 : i32
        %add3A_2073 = arith.addi %add3A_2041, %add3A_2072 : i32
        %mul3A_2074 = arith.constant 16 : i32
        %mul3A_2075 = arith.muli %add3A_2073, %mul3A_2074 : i32
        %dma_start3A_2076 = tpu.memref_slice %arg6[%mul3A_2075] : memref<1536xi32, #tpu.memory_space<vmem>> -> memref<16xi32, #tpu.memory_space<vmem>>
        %dma_start3A_2077 = arith.constant 0 : i32
        %dma_start3A_2078 = arith.constant 0 : i32
        %dma_start3A_2079 = tpu.memref_slice %arg3[%dma_start3A_2077, %dma_start3A_2078] : memref<6000x1024xf32, #tpu.memory_space<hbm>> -> memref<6000x1024xf32, #tpu.memory_space<hbm>>
        tpu.enqueue_indirect_dma source(%dma_start3A_2079 : memref<6000x1024xf32, #tpu.memory_space<hbm>>) target(%arg10 : memref<16x1024xf32, #tpu.memory_space<vmem>>) offsets(%dma_start3A_2076 : memref<16xi32, #tpu.memory_space<vmem>>) semaphore(%arg16 : memref<!tpu.dma_semaphore, #tpu.memory_space<semaphore_mem>>)
      } else {
      }
    }
    %scan3A_1857 = arith.constant 16 : i32
    %add3A_1858 = arith.constant 1504 : i32
    %add3A_1859 = arith.addi %mul3A_2, %add3A_1858 : i32
    %multiple_of3A_1860 = tpu.assume_multiple %add3A_1859, 8 : i32
    %dma_wait3A = arith.constant 0 : i32
    %dma_wait3A_1861 = tpu.memref_slice %arg4[%multiple_of3A_1860, %dma_wait3A] : memref<49152x1024xf32, #tpu.memory_space<hbm>> -> memref<16x1024xf32, #tpu.memory_space<hbm>>
    %dma_wait3A_1862 = arith.constant 0 : i32
    %dma_wait3A_1863 = tpu.memref_slice %arg4[%multiple_of3A_1860, %dma_wait3A_1862] : memref<49152x1024xf32, #tpu.memory_space<hbm>> -> memref<16x1024xf32, #tpu.memory_space<hbm>>
    tpu.wait_dma2 semaphore(%arg23 : memref<!tpu.dma_semaphore, #tpu.memory_space<semaphore_mem>>) src(%arg11 : memref<16x1024xf32, #tpu.memory_space<vmem>>) dst(%dma_wait3A_1863 : memref<16x1024xf32, #tpu.memory_space<hbm>>)
    %add3A_1864 = arith.constant 1520 : i32
    %add3A_1865 = arith.addi %mul3A_2, %add3A_1864 : i32
    %multiple_of3A_1866 = tpu.assume_multiple %add3A_1865, 8 : i32
    %dma_wait3A_1867 = arith.constant 0 : i32
    %dma_wait3A_1868 = tpu.memref_slice %arg4[%multiple_of3A_1866, %dma_wait3A_1867] : memref<49152x1024xf32, #tpu.memory_space<hbm>> -> memref<16x1024xf32, #tpu.memory_space<hbm>>
    %dma_wait3A_1869 = arith.constant 0 : i32
    %dma_wait3A_1870 = tpu.memref_slice %arg4[%multiple_of3A_1866, %dma_wait3A_1869] : memref<49152x1024xf32, #tpu.memory_space<hbm>> -> memref<16x1024xf32, #tpu.memory_space<hbm>>
    tpu.wait_dma2 semaphore(%arg24 : memref<!tpu.dma_semaphore, #tpu.memory_space<semaphore_mem>>) src(%arg12 : memref<16x1024xf32, #tpu.memory_space<vmem>>) dst(%dma_wait3A_1870 : memref<16x1024xf32, #tpu.memory_space<hbm>>)
    return
  }
}

module attributes {stable_mosaic.version = 14 : i64} {
  func.func @_prep_body(%arg0: i32, %arg1: memref<1000x1024xf32, #tpu.memory_space<vmem>>, %arg2: memref<6x1024xf32, #tpu.memory_space<vmem>>, %arg3: memref<1000x1024xf32, #tpu.memory_space<vmem>>) attributes {dimension_semantics = [#tpu.dimension_semantics<arbitrary>], iteration_bounds = array<i64: 6>, scalar_prefetch = 0 : i64, scratch_operands = 0 : i64, tpu.core_type = #tpu.core_type<tc>, window_params = [{transform_indices = @transform_0, window_bounds = array<i64: 1000, 1024>}, {pipeline_mode = #tpu.pipeline_mode<synchronous>, transform_indices = @transform_1, window_bounds = array<i64: 6, 1024>}, {transform_indices = @transform_2, window_bounds = array<i64: 1000, 1024>}]} {
    %get3A = arith.constant 0 : index
    %get3A_0 = arith.constant 0 : index
    %get3A_1 = vector.load %arg1[%get3A, %get3A_0] : memref<1000x1024xf32, #tpu.memory_space<vmem>>, vector<1000x1024xf32>
    %get3A_2 = arith.index_cast %arg0 : i32 to index
    %get3A_3 = arith.constant 0 : index
    %get3A_4 = vector.load %arg2[%get3A_2, %get3A_3] : memref<6x1024xf32, #tpu.memory_space<vmem>>, vector<1x1024xf32>
    %add3A = vector.broadcast %get3A_4 : vector<1x1024xf32> to vector<1000x1024xf32>
    %add3A_5 = arith.addf %get3A_1, %add3A : vector<1000x1024xf32>
    %swap3A = arith.constant 0 : index
    %swap3A_6 = arith.constant 0 : index
    %swap3A_7 = vector.load %arg3[%swap3A, %swap3A_6] : memref<1000x1024xf32, #tpu.memory_space<vmem>>, vector<1000x1024xf32>
    tpu.vector_store %arg3[%swap3A, %swap3A_6], %add3A_5 {strides = array<i32>} : memref<1000x1024xf32, #tpu.memory_space<vmem>>, vector<1000x1024xf32>,
    return
  }
  func.func @transform_0(%arg0: i32) -> (i32, i32) {
    %c0_i32 = arith.constant 0 : i32
    %c0_i32_0 = arith.constant 0 : i32
    return %arg0, %c0_i32 : i32, i32
  }
  func.func @transform_1(%arg0: i32) -> (i32, i32) {
    %c0_i32 = arith.constant 0 : i32
    %c0_i32_0 = arith.constant 0 : i32
    %c0_i32_1 = arith.constant 0 : i32
    return %c0_i32, %c0_i32_0 : i32, i32
  }
  func.func @transform_2(%arg0: i32) -> (i32, i32) {
    %c0_i32 = arith.constant 0 : i32
    %c0_i32_0 = arith.constant 0 : i32
    return %arg0, %c0_i32 : i32, i32
  }
}

</mosaic_0001>

<sc_bundles>
// kernel: kernel.4.cloned.1.call-start
scs
__scs_entry_jumppad:
0x0: {  	(pc) =	sbr.rel $0x88, $3  }
0x1: {  	(tag) =	ssettag $0x0;
	lr =	simm.s32 $0x1  }
0x2: {  	[smem:$0x3F9E] =	sst lr;
	_ =	strace $0xD0000000  }
0x3: {  	_ = 	snop  }
0x4: {  	_ = 	snop  }
0x5: {  	_ = 	snop  }
0x6: {  	_ = 	snop  }
0x7: {  	_ = 	snop  }
__scs_overlays_trampoline_lowered:
0x8: {  	[smem:$0x3FAD] =	sst s0  }
0x9: {  	[smem:$0x3FAE] =	sst s1  }
0xa: {  	[smem:$0x3FAF] =	sst s2  }
0xb: {  	[smem:$0x3FB0] =	sst s3  }
0xc: {  	[smem:$0x3FB1] =	sst s4  }
0xd: {  	[smem:$0x3FB2] =	sst s5  }
0xe: {  	[smem:$0x3FB3] =	sst s6  }
0xf: {  	[smem:$0x3FB4] =	sst s7  }
0x10: {  	[smem:$0x3FB5] =	sst s8  }
0x11: {  	[smem:$0x3FB6] =	sst s9;
	s0 =	simm.s32 @!p0 $0x0  }
0x12: {  	s1 =	sld [smem:$0x3F9C];
	s0 =	simm.s32 @p0 $0x1  }
0x13: {  	[smem:$0x3FB7] =	sst s0;
	s0 =	simm.s32 @!p1 $0x0  }
0x14: {  	s2 =	sld [smem:$0x3F9B];
	s0 =	simm.s32 @p1 $0x1  }
0x15: {  	[smem:$0x3FB8] =	sst s0;
	s0 =	simm.s32 @!p2 $0x0  }
0x16: {  	s3 =	sld [smem:$0x3FDB];
	s0 =	simm.s32 @p2 $0x1  }
0x17: {  	s4 =	simm.s32 $0x1BF5;
	[smem:$0x3FBA] =	sst s0  }
0x18: {  	s0 =	sld [smem:$0x3F9D];
	_ =	swait.ge [sflag:s4], $0x0  }
0x19: {  	s7 =	sld [smem:$0x3F9E]  }
0x1a: {  	s8 =	sadd.s32 $0xFFFFE003, lr  }
0x1b: {  	s9 =	sadd.s32 $0xFFFFFEF7, lr;
	s5 =	simm.s32 $0xFFFFFFFF;
	p2 =	slt.u32 s8, $0xFFFFF086  }
0x1c: {  	p1 =	slt.u32 s9, $0xF7A;
	s5 =	simm.s32 @!p2 $0x0  }
0x1d: {  	s5 =	simm.s32 @p1 $0x1;
	p0 =	seq.s32 s7, s2  }
0x1e: {  	s7 =	smul.u32 @!p0 $0xF7A, s2;
	p2 =	seq.s32 @!p0 s5, $0x0  }
0x1f: {  	s9 =	smul.u32 $0xF7A, s1;
	s8 =	simm.s32 @!p0 $0x1BF5;
	p2 =	por !p2, p0  }
0x20: {  	[sflag:s8] =	ssyncset.s32 @!p0 $0xFFFFF086;
	s6 =	sadd.s32 @!p0 s3, s7;
	s7 =	simm.s32 @!p0 $0x108  }
0x21: {  	s3 =	sadd.s32 s3, s9;
	s6 =	sadd.s32 @!p0 $0x88, s6;
	s7 =	simm.s32 @p2 $0x1082  }
0x22: {  	[simem:s7], [sflag:s8] =	dma.local @!p0 [hbm:s6], $0xF7A  }
0x23: {  	s9 =	sor.u32 $0xD0000000, s2;
	s6 =	simm.s32 $0x108;
	_ =	swait.ge @!p0 [sflag:s8], $0x0  }
0x24: {  	s3 =	sadd.s32 $0x88, s3;
	s6 =	simm.s32 @!p1 $0x1082;
	[sflag:s4] =	ssyncset.s32 $0xFFFFF086  }
0x25: {  	[simem:s6], [sflag:s4] =	dma.local [hbm:s3], $0xF7A  }
0x26: {  	[smem:$0x3F9E] =	sst s1;
	(tag) =	ssettag s2;
	_ =	strace s9  }
0x27: {  	s1 =	sld [smem:$0x3FAE]  }
0x28: {  	s2 =	sld [smem:$0x3FAF]  }
0x29: {  	s4 =	sld [smem:$0x3FB1]  }
0x2a: {  	p0 =	seq.s32 s5, $0x0;
	s5 =	sld [smem:$0x3FB2]  }
0x2b: {  	s6 =	sld [smem:$0x3FB3]  }
0x2c: {  	s7 =	sld [smem:$0x3FB4]  }
0x2d: {  	s3 =	simm.s32 $0x108;
	s8 =	sld [smem:$0x3FB5]  }
0x2e: {  	s3 =	simm.s32 @!p0 $0x1082;
	s9 =	sld [smem:$0x3FB6]  }
0x2f: {  	lr =	sadd.s32 s0, s3;
	s0 =	sld [smem:$0x3FAD]  }
0x30: {  	s3 =	sld [smem:$0x3FB0]  }
0x31: {  	[smem:$0x3FB9] =	sst s10  }
0x32: {  	s10 =	sld [smem:$0x3FB7];
	_ =	sdelay $0x3  }
0x33: {  	p0 =	seq.s32 s10, $0x1;
	s10 =	sld [smem:$0x3FB9];
	_ =	sdelay $0x3  }
0x34: {  	[smem:$0x3FB9] =	sst s10  }
0x35: {  	s10 =	sld [smem:$0x3FB8];
	_ =	sdelay $0x3  }
0x36: {  	p1 =	seq.s32 s10, $0x1;
	s10 =	sld [smem:$0x3FB9];
	_ =	sdelay $0x3  }
0x37: {  	[smem:$0x3FB9] =	sst s10  }
0x38: {  	s10 =	sld [smem:$0x3FBA]  }
0x39: {  	_ = 	snop;
	(pc) =	sbr.ind lr, $3  }
0x3a: {  	_ = 	snop  }
0x3b: {  	_ = 	snop  }
0x3c: {  	p2 =	seq.s32 s10, $0x1;
	s10 =	sld [smem:$0x3FB9]  }
0x3d: {  	_ =	shalt  }
0x3e: {  	_ =	shalt  }
0x3f: {  	_ =	shalt  }
0x40: {  	_ =	shalt  }
0x41: {  	_ =	shalt  }
0x42: {  	_ =	shalt  }
0x43: {  	_ =	shalt  }
0x44: {  	_ =	shalt  }
0x45: {  	_ =	shalt  }
0x46: {  	_ =	shalt  }
0x47: {  	_ =	shalt  }
0x48: {  	_ =	shalt  }
0x49: {  	_ =	shalt  }
0x4a: {  	_ =	shalt  }
0x4b: {  	_ =	shalt  }
0x4c: {  	_ =	shalt  }
0x4d: {  	_ =	shalt  }
0x4e: {  	_ =	shalt  }
0x4f: {  	_ =	shalt  }
0x50: {  	_ =	shalt  }
0x51: {  	_ =	shalt  }
0x52: {  	_ =	shalt  }
0x53: {  	_ =	shalt  }
0x54: {  	_ =	shalt  }
0x55: {  	_ =	shalt  }
0x56: {  	_ =	shalt  }
0x57: {  	_ =	shalt  }
0x58: {  	_ =	shalt  }
0x59: {  	_ =	shalt  }
0x5a: {  	_ =	shalt  }
0x5b: {  	_ =	shalt  }
0x5c: {  	_ =	shalt  }
0x5d: {  	_ =	shalt  }
0x5e: {  	_ =	shalt  }
0x5f: {  	_ =	shalt  }
0x60: {  	_ =	shalt  }
0x61: {  	_ =	shalt  }
0x62: {  	_ =	shalt  }
0x63: {  	_ =	shalt  }
0x64: {  	_ =	shalt  }
0x65: {  	_ =	shalt  }
0x66: {  	_ =	shalt  }
0x67: {  	_ =	shalt  }
0x68: {  	_ =	shalt  }
0x69: {  	_ =	shalt  }
0x6a: {  	_ =	shalt  }
0x6b: {  	_ =	shalt  }
0x6c: {  	_ =	shalt  }
0x6d: {  	_ =	shalt  }
0x6e: {  	_ =	shalt  }
0x6f: {  	_ =	shalt  }
0x70: {  	_ =	shalt  }
0x71: {  	_ =	shalt  }
0x72: {  	_ =	shalt  }
0x73: {  	_ =	shalt  }
0x74: {  	_ =	shalt  }
0x75: {  	_ =	shalt  }
0x76: {  	_ =	shalt  }
0x77: {  	_ =	shalt  }
0x78: {  	_ =	shalt  }
0x79: {  	_ =	shalt  }
0x7a: {  	_ =	shalt  }
0x7b: {  	_ =	shalt  }
0x7c: {  	_ =	shalt  }
0x7d: {  	_ =	shalt  }
0x7e: {  	_ =	shalt  }
0x7f: {  	_ =	shalt  }
0x80: {  	_ =	shalt  }
0x81: {  	_ =	shalt  }
0x82: {  	_ =	shalt  }
0x83: {  	_ =	shalt  }
0x84: {  	_ =	shalt  }
0x85: {  	_ =	shalt  }
0x86: {  	_ =	shalt  }
0x87: {  	_ =	shalt  }
.Lfunc_end0:
.L_simem_size_0:
called_computation_lowered:
.L_overlay_start_0:
0x88: {  	s2 =	sld [smem:$0x3FD9]  }
0x89: {  	s3 =	sld [smem:$0x3FFE];
	_ =	sdelay $0x1  }
0x8a: {  	s1 =	srdreg.scid  }
0x8b: {  	s0 =	sand.u32 $0x1, s1  }
0x8c: {  	s17 =	sshll.u32 s0, $0xA;
	s2 =	sadd.s32 s3, s2  }
0x8d: {  	s2 =	sadd.s32 s2, s17  }
0x8e: {  	[smem:$0x3FC5] =	sst s2  }
0x8f: {  	_ = 	snop  }
0x90: {  	s2 =	sld [smem:$0x3FD0];
	(tm) =	ssettm $0x1  }
0x91: {  	s18 =	sld [smem:$0x3FFB];
	_ =	sdelay $0x3  }
0x92: {  	_ =	strace s18  }
0x93: {  	s3 =	sld [smem:$0x3FFC];
	_ =	sdelay $0x3  }
0x94: {  	_ =	strace s3  }
0x95: {  	s3 =	sld [smem:$0x3FFD];
	_ =	sdelay $0x3  }
0x96: {  	_ =	strace s3  }
0x97: {  	_ =	strace $0x8FFFFFFF  }
0x98: {  	s19 =	sld [smem:$0x3FDB];
	_ =	sdelay $0x1  }
0x99: {  	s4 =	simm.s32 $_scs_section_size  }
0x9a: {  	s5 =	simm.s32 $_size__tile_overlayer_lowered;
	s6 =	simm.s32 $_tile_overlayer_lowered  }
0x9b: {  	s22 =	simm.s32 $0x1BFF;
	s21 =	sshll.u32 s6, $0x1;
	s3 =	sadd.s32 s4, s19  }
0x9c: {  	s7 =	simm.s32 $0x0;
	s20 =	sshll.u32 s5, $0x1;
	s5 =	sadd.s32 s21, s3  }
0x9d: {  	[timem:s7], [sflag:s22] =	dma.local [hbm:s5], s20  }
0x9e: {  	_ =	swait.ge [sflag:s22], s20  }
0x9f: {  	s4 =	ssub.s32 $0x0, s20;
	[sflag:s22] =	ssyncset.done $0x0  }
0xa0: {  	[sflag:s22] =	ssyncadd.s32 s4;
	_ =	sdelay $0x1  }
0xa1: {  	s23 =	simm.s32 $0x1B8B  }
0xa2: {  	_ =	swait.ge [sflag:s23], $0x1  }
0xa3: {  	[sflag:s23] =	ssyncset.done $0x0  }
0xa4: {  	s25 =	simm.s32 $0x1B8E;
	s24 =	sld [smem:$0x3FFE];
	[sflag:s23] =	ssyncadd.s32 $0xFFFFFFFF  }
0xa5: {  	s26 =	simm.s32 $execute0_lowered;
	[smem:$0x3FD2] =	sst s25  }
0xa6: {  	s5 =	sshll.u32 s26, $0x1;
	_ =	strace $0x80000046;
	[dreg:$0x1] =	wrdreg $0xFFFFFFFF  }
0xa7: {  	s28 =	simm.s32 $_size_execute0_lowered;
	s3 =	sadd.s32 s3, s5;
	[dreg:$0x0] =	wrdreg $0x0  }
0xa8: {  	s5 =	sshll.u32 s28, $0x1;
	[dreg:$0x2] =	wrdreg s3  }
0xa9: {  	[dreg:$0x3] =	wrdreg s5  }
0xaa: {  	[dreg:$0x4] =	wrdreg $0xC0  }
0xab: {  	_ =	task [dreg:s7], $0x5FFFF  }
0xac: {  	[dreg:$0x1] =	wrdreg $0xFFFFFFFF  }
0xad: {  	[dreg:$0x0] =	wrdreg $0x60  }
0xae: {  	[dreg:$0x2] =	wrdreg s24  }
0xaf: {  	[dreg:$0x3] =	wrdreg s2  }
0xb0: {  	[dreg:$0x4] =	wrdreg $0x9  }
0xb1: {  	_ =	task.clear_ibuf [dreg:s7], $0x5FFFF;
	_ =	strace $0x90000046  }
0xb2: {  	s29 =	simm.s32 $0x9;
	_ =	strace $0x80000048  }
0xb3: {  	_ =	swait.ge [sflag:s29], $0x1  }
0xb4: {  	[sflag:s29] =	ssyncadd.s32 $0xFFFFFFFF  }
0xb5: {  	_ =	strace $0x90000048  }
0xb6: {  	_ =	sfence  }
0xb7: {  	s30 =	sld [smem:$0x0];
	_ =	sdelay $0x2  }
0xb8: {  	s31 =	sshll.u32 s1, $0xD;
	s1 =	sshrl.u32 s1, $0x2  }
0xb9: {  	s3 =	sand.u32 $0x4000, s31;
	s1 =	sadd.s32 s1, s30  }
0xba: {  	s0 =	sor.u32 s3, s0;
	s1 =	sshll.u32 s1, $0x11  }
0xbb: {  	s0 =	sor.u32 s1, s0  }
0xbc: {  	s0 =	sadd.s32 $0x8F2B, s0  }
0xbd: {  	[sflag:s0] =	ssyncadd.remote.s32 $0x1  }
0xbe: {  	_ =	sfence.sel $0xFFFF  }
0xbf: {  	[dreg:$0x0] =	wrdreg $0xFFFFFFFF;
	(pc) =	sbr.abs _section_cstart, $3  }
0xc0: {  	[dreg:$0x1] =	wrdreg $0xFFFFFFFF  }
0xc1: {  	_ =	task.clear_ibuf [dreg:s7], $0x2FFFF;
	_ =	strace $0x9FFFFFFF  }
0xc2: {  	(tm) =	ssettm $0x7FFFFFFF  }
0xc3: {  	_ =	shalt  }
tec
execute0_lowered:
.L_overlay_start_1:
0x0: {  	(tag) =	ssettag $0x1  }
0x1: {  	s0 =	srdreg.scid;
	s28 =	stileid.u32  }
0x2: {  	s0 =	sand.u32 $0x1, s0;
	s1 =	sshll.u32 s28, $0x1  }
0x3: {  	s3 =	sor.u32 s0, s1  }
0x4: {  	s1 =	sand.u32 $0x3, s3  }
0x5: {  	s1 =	smul.u32 $0x600, s1;
	_ =	sdelay $0x1  }
0x6: {  	s2 =	sadd.s32 $0x200, s1  }
0x7: {  	s14 =	sadd.s32 $0x210, s1;
	v1 =	vmov s2  }
0x8: {  	v2 =	vmov s14;
	v1 =	vshrl.u32 v1, $0xA  }
0x9: {  	s4 =	sadd.s32 $0x220, s1;
	v2 =	vshrl.u32 v2, $0xA;
	v1 =	vmul.u32 $0x3E8, v1  }
0xa: {  	s15 =	sadd.s32 $0x230, s1;
	v3 =	vmov s4;
	v2 =	vmul.u32 $0x3E8, v2  }
0xb: {  	v4 =	vmov s15;
	v3 =	vshrl.u32 v3, $0xA;
	v1 =	vbroadcast v1, $0x0  }
0xc: {  	v4 =	vshrl.u32 v4, $0xA;
	v3 =	vmul.u32 $0x3E8, v3;
	v2 =	vbroadcast v2, $0x0  }
0xd: {  	[tilespmem:$0x1FF40] =	vst v1;
	v1 =	vmul.u32 $0x3E8, v4  }
0xe: {  	[tilespmem:$0x1FF50] =	vst v2;
	v2 =	vbroadcast v3, $0x0  }
0xf: {  	s16 =	sadd.s32 $0x240, s1;
	v1 =	vbroadcast v1, $0x0  }
0x10: {  	s17 =	sadd.s32 $0x250, s1;
	[tilespmem:$0x1FF60] =	vst v2;
	v2 =	vmov s16  }
0x11: {  	[tilespmem:$0x1FF70] =	vst v1;
	v1 =	vshrl.u32 v2, $0xA;
	v2 =	vmov s17  }
0x12: {  	v0 =	vmov s1;
	s19 =	sadd.s32 $0x270, s1;
	v1 =	vmul.u32 $0x3E8, v1;
	v2 =	vshrl.u32 v2, $0xA  }
0x13: {  	s18 =	sadd.s32 $0x260, s1;
	s23 =	sadd.s32 $0x2B0, s1;
	v0 =	vshrl.u32 v0, $0xA;
	v53 =	vmov s19;
	v2 =	vmul.u32 $0x3E8, v2  }
0x14: {  	s24 =	sadd.s32 $0x2C0, s1;
	v54 =	vmov s23;
	v3 =	vmov s18;
	v1 =	vbroadcast v1, $0x0  }
0x15: {  	s8 =	sadd.s32 $0x340, s1;
	v5 =	vmov s24;
	v3 =	vshrl.u32 v3, $0xA;
	v2 =	vbroadcast v2, $0x0  }
0x16: {  	s9 =	sadd.s32 $0x350, s1;
	s13 =	sadd.s32 $0x390, s1;
	v56 =	vmov s8;
	[tilespmem:$0x1FF80] =	vst v1;
	v1 =	vmul.u32 $0x3E8, v3;
	v3 =	vshrl.u32 v53, $0xA  }
0x17: {  	v57 =	vmov s9;
	v58 =	vmov s13;
	[tilespmem:$0x1FF90] =	vst v2;
	v2 =	vmul.u32 $0x3E8, v3  }
0x18: {  	s20 =	sadd.s32 $0x280, s1;
	s4 =	sadd.s32 $0x300, s1;
	v0 =	vmul.u32 $0x3E8, v0;
	v5 =	vshrl.u32 v5, $0xA;
	v1 =	vbroadcast v1, $0x0  }
0x19: {  	s21 =	sadd.s32 $0x290, s1;
	s13 =	sadd.s32 $0x4D0, s1;
	v55 =	vmov s4;
	v3 =	vmov s20;
	v2 =	vbroadcast v2, $0x0  }
0x1a: {  	s22 =	sadd.s32 $0x2A0, s1;
	v42 =	vmov s13;
	[tilespmem:$0x1FFA0] =	vst v1;
	v1 =	vshrl.u32 v3, $0xA;
	v3 =	vmov s21  }
0x1b: {  	[tilespmem:$0x1FFB0] =	vst v2;
	v1 =	vmul.u32 $0x3E8, v1;
	v2 =	vshrl.u32 v3, $0xA;
	v3 =	vmov s22  }
0x1c: {  	v43 =	vshrl.u32 v42, $0xA;
	v4 =	vshrl.u32 v54, $0xA;
	v3 =	vshrl.u32 v3, $0xA  }
0x1d: {  	v2 =	vmul.u32 $0x3E8, v2;
	v3 =	vmul.u32 $0x3E8, v3;
	v1 =	vbroadcast v1, $0x0  }
0x1e: {  	v0 =	vbroadcast v0, $0x0;
	v11 =	vmul.u32 $0x3E8, v43;
	v4 =	vmul.u32 $0x3E8, v4;
	s21 =	sadd.s32 $0x420, s1  }
0x1f: {  	s18 =	sadd.s32 $0x3E0, s1;
	v61 =	vmov s21;
	s21 =	sadd.s32 $0x500, s1;
	[tilespmem:$0x1FFC0] =	vst v1;
	v1 =	vbroadcast v2, $0x0;
	v2 =	vbroadcast v3, $0x0  }
0x20: {  	v46 =	vbroadcast v11, $0x0;
	v60 =	vmov s18;
	s17 =	sadd.s32 $0x3D0, s1;
	v49 =	vmov s21  }
0x21: {  	s29 =	sadd.s32 $0x2F0, s1;
	v59 =	vmov s17;
	v49 =	vshrl.u32 v49, $0xA;
	[tilespmem:$0x1FFE0] =	vst v2;
	v2 =	vbroadcast v4, $0x0  }
0x22: {  	s25 =	sadd.s32 $0x2D0, s1;
	v3 =	vmov s29;
	[tilespmem:$0x1FFD0] =	vst v1;
	v1 =	vmul.u32 $0x3E8, v5;
	v4 =	vshrl.u32 v56, $0xA  }
0x23: {  	v3 =	vshrl.u32 v3, $0xA;
	v4 =	vmul.u32 $0x3E8, v4;
	[tilespmem:$0x1FFF0] =	vst v2;
	v2 =	vmov s25  }
0x24: {  	s26 =	sadd.s32 $0x2E0, s1;
	v5 =	vshrl.u32 v57, $0xA;
	v13 =	vbroadcast v1, $0x0;
	v1 =	vshrl.u32 v2, $0xA  }
0x25: {  	s18 =	sadd.s32 $0x5B0, s1;
	s25 =	sadd.s32 $0x460, s1;
	v2 =	vmov s26;
	v21 =	vbroadcast v4, $0x0;
	v4 =	vshrl.u32 v59, $0xA  }
0x26: {  	v62 =	vmov s25;
	s26 =	sadd.s32 $0x470, s1;
	v59 =	vmov s18;
	v1 =	vmul.u32 $0x3E8, v1  }
0x27: {  	s25 =	sadd.s32 $0x540, s1;
	v2 =	vshrl.u32 v2, $0xA;
	v4 =	vmul.u32 $0x3E8, v4;
	v63 =	vmov s26  }
0x28: {  	v52 =	vmov s25;
	v2 =	vmul.u32 $0x3E8, v2;
	v14 =	vbroadcast v1, $0x0  }
0x29: {  	v1 =	vmul.u32 $0x3E8, v3;
	v3 =	vshrl.u32 v55, $0xA;
	v30 =	vbroadcast v4, $0x0  }
0x2a: {  	s5 =	sadd.s32 $0x310, s1;
	v4 =	vshrl.u32 v62, $0xA;
	v15 =	vbroadcast v2, $0x0;
	v2 =	vmul.u32 $0x3E8, v3  }
0x2b: {  	s6 =	sadd.s32 $0x320, s1;
	v3 =	vmov s5;
	v4 =	vmul.u32 $0x3E8, v4;
	v16 =	vbroadcast v1, $0x0  }
0x2c: {  	s7 =	sadd.s32 $0x330, s1;
	v1 =	vshrl.u32 v3, $0xA;
	v3 =	vmov s6;
	v17 =	vbroadcast v2, $0x0  }
0x2d: {  	v1 =	vmul.u32 $0x3E8, v1;
	v2 =	vshrl.u32 v3, $0xA;
	v3 =	vmov s7  }
0x2e: {  	v53 =	vshrl.u32 v52, $0xA;
	v39 =	vbroadcast v4, $0x0;
	v3 =	vshrl.u32 v3, $0xA  }
0x2f: {  	s21 =	sadd.s32 $0x5C0, s1;
	v2 =	vmul.u32 $0x3E8, v2;
	v3 =	vmul.u32 $0x3E8, v3;
	v18 =	vbroadcast v1, $0x0  }
0x30: {  	s10 =	sadd.s32 $0x360, s1;
	v1 =	vmul.u32 $0x3E8, v5;
	v5 =	vshrl.u32 v60, $0xA;
	v60 =	vmov s21  }
0x31: {  	s11 =	sadd.s32 $0x370, s1;
	v19 =	vbroadcast v2, $0x0;
	v2 =	vmov s10;
	v20 =	vbroadcast v3, $0x0  }
0x32: {  	s12 =	sadd.s32 $0x380, s1;
	v22 =	vbroadcast v1, $0x0;
	v1 =	vshrl.u32 v2, $0xA;
	v2 =	vmov s11  }
0x33: {  	v3 =	vmov s12;
	s11 =	sadd.s32 $0x4B0, s1;
	v1 =	vmul.u32 $0x3E8, v1;
	v2 =	vshrl.u32 v2, $0xA  }
0x34: {  	s12 =	sadd.s32 $0x4C0, s1;
	v3 =	vshrl.u32 v3, $0xA;
	v8 =	vmov s11;
	v2 =	vmul.u32 $0x3E8, v2  }
0x35: {  	s17 =	sadd.s32 $0x5A0, s1;
	v9 =	vmov s12;
	v23 =	vbroadcast v1, $0x0;
	v1 =	vmul.u32 $0x3E8, v3  }
0x36: {  	s14 =	sadd.s32 $0x3A0, s1;
	v3 =	vshrl.u32 v58, $0xA;
	v58 =	vmov s17;
	v24 =	vbroadcast v2, $0x0  }
0x37: {  	s15 =	sadd.s32 $0x3B0, s1;
	v2 =	vmul.u32 $0x3E8, v3;
	v3 =	vmov s14;
	s14 =	sadd.s32 $0x560, s1;
	v25 =	vbroadcast v1, $0x0  }
0x38: {  	s16 =	sadd.s32 $0x3C0, s1;
	v1 =	vshrl.u32 v3, $0xA;
	v3 =	vmov s15;
	v54 =	vmov s14  }
0x39: {  	s15 =	sadd.s32 $0x580, s1;
	v26 =	vbroadcast v2, $0x0;
	v2 =	vshrl.u32 v3, $0xA;
	v3 =	vmov s16  }
0x3a: {  	v1 =	vmul.u32 $0x3E8, v1;
	s16 =	sadd.s32 $0x590, s1;
	v56 =	vmov s15;
	v3 =	vshrl.u32 v3, $0xA  }
0x3b: {  	v2 =	vmul.u32 $0x3E8, v2;
	v57 =	vmov s16;
	v3 =	vmul.u32 $0x3E8, v3  }
0x3c: {  	s19 =	sadd.s32 $0x3F0, s1;
	v27 =	vbroadcast v1, $0x0;
	v1 =	vmul.u32 $0x3E8, v5;
	v5 =	vshrl.u32 v63, $0xA  }
0x3d: {  	s20 =	sadd.s32 $0x400, s1;
	v28 =	vbroadcast v2, $0x0;
	v2 =	vmov s19;
	v29 =	vbroadcast v3, $0x0  }
0x3e: {  	s5 =	sadd.s32 $0x410, s1;
	s19 =	sadd.s32 $0x4E0, s1;
	v31 =	vbroadcast v1, $0x0;
	v1 =	vshrl.u32 v2, $0xA;
	v2 =	vmov s20  }
0x3f: {  	v3 =	vmov s5;
	s20 =	sadd.s32 $0x4F0, s1;
	v47 =	vmov s19;
	v1 =	vmul.u32 $0x3E8, v1  }
0x40: {  	v2 =	vshrl.u32 v2, $0xA;
	v3 =	vshrl.u32 v3, $0xA;
	v48 =	vmov s20;
	s20 =	sadd.s32 $0x5E0, s1  }
0x41: {  	s19 =	sadd.s32 $0x5D0, s1;
	v2 =	vmul.u32 $0x3E8, v2;
	v62 =	vmov s20;
	v32 =	vbroadcast v1, $0x0  }
0x42: {  	s22 =	sadd.s32 $0x430, s1;
	v1 =	vmul.u32 $0x3E8, v3;
	v3 =	vshrl.u32 v61, $0xA;
	v61 =	vmov s19  }
0x43: {  	s23 =	sadd.s32 $0x440, s1;
	v33 =	vbroadcast v2, $0x0;
	v2 =	vmul.u32 $0x3E8, v3;
	v3 =	vmov s22  }
0x44: {  	s22 =	sadd.s32 $0x510, s1;
	v34 =	vbroadcast v1, $0x0;
	v1 =	vshrl.u32 v3, $0xA;
	v3 =	vmov s23  }
0x45: {  	s24 =	sadd.s32 $0x450, s1;
	s23 =	sadd.s32 $0x520, s1;
	v10 =	vmov s22;
	v35 =	vbroadcast v2, $0x0;
	v1 =	vmul.u32 $0x3E8, v1  }
0x46: {  	s3 =	smul.u32 $0x600, s3;
	v2 =	vshrl.u32 v3, $0xA;
	v3 =	vmov s24;
	s24 =	sadd.s32 $0x530, s1;
	v50 =	vmov s23  }
0x47: {  	v2 =	vmul.u32 $0x3E8, v2;
	v3 =	vshrl.u32 v3, $0xA;
	v51 =	vmov s24  }
0x48: {  	s3 =	sshrl.u32 s3, $0x3;
	s2 =	simm.s32 $0x0;
	s7 =	rddreg [dreg:$0x0];
	v3 =	vmul.u32 $0x3E8, v3;
	v36 =	vbroadcast v1, $0x0;
	v1 =	vmul.u32 $0x3E8, v5  }
0x49: {  	[smem:$0x7FF] =	sst s2;
	s29 =	sadd.s32 $0x480, s1;
	s8 =	sadd.s32 s3, s7;
	v5 =	vshrl.u32 v9, $0xA;
	v51 =	vshrl.u32 v51, $0xA;
	v9 =	vshrl.u32 v58, $0xA  }
0x4a: {  	s4 =	rddreg [dreg:$0x1];
	_ =	strace $0x80000047;
	s8 =	sadd.s32 $0x400, s8;
	v37 =	vbroadcast v2, $0x0;
	v2 =	vmov s29;
	v4 =	vmul.u32 $0x3E8, v51  }
0x4b: {  	[dreg:$0x3] =	wrdreg s8;
	s8 =	sadd.s32 $0x490, s1;
	s10 =	sadd.s32 $0x4A0, s1;
	v38 =	vbroadcast v3, $0x0;
	v40 =	vbroadcast v1, $0x0;
	v1 =	vshrl.u32 v2, $0xA  }
0x4c: {  	s26 =	sadd.s32 $0x550, s1;
	v2 =	vmov s8;
	s8 =	sadd.s32 $0x570, s1;
	v3 =	vmov s10;
	s1 =	sadd.s32 $0x5F0, s1;
	v1 =	vmul.u32 $0x3E8, v1  }
0x4d: {  	v2 =	vshrl.u32 v2, $0xA;
	v55 =	vmov s8;
	v63 =	vmov s1  }
0x4e: {  	v52 =	vbroadcast v4, $0x0;
	v41 =	vbroadcast v1, $0x0;
	v1 =	vmul.u32 $0x3E8, v2  }
0x4f: {  	v11 =	vshrl.u32 v63, $0xA;
	v2 =	vshrl.u32 v3, $0xA;
	v3 =	vshrl.u32 v8, $0xA  }
0x50: {  	v8 =	vshrl.u32 v57, $0xA;
	v42 =	vbroadcast v1, $0x0;
	v1 =	vmul.u32 $0x3E8, v5  }
0x51: {  	v2 =	vmul.u32 $0x3E8, v2;
	v3 =	vmul.u32 $0x3E8, v3;
	v4 =	vmul.u32 $0x3E8, v8  }
0x52: {  	s6 =	ssub.s32 $0x2, s0;
	v5 =	vmul.u32 $0x3E8, v49;
	v45 =	vbroadcast v1, $0x0;
	v1 =	vshrl.u32 v47, $0xA  }
0x53: {  	s30 =	simm.s32 $0x17400;
	s31 =	simm.s32 $0x17C00;
	s9 =	sshrl.u32 s6, $0x1;
	v44 =	vbroadcast v3, $0x0;
	v3 =	vshrl.u32 v48, $0xA;
	v1 =	vmul.u32 $0x3E8, v1  }
0x54: {  	s13 =	smul.u32 $0x180000, s0;
	s18 =	simm.s32 $0x1;
	s9 =	ssub.s32 s6, s9;
	v43 =	vbroadcast v2, $0x0;
	v2 =	vmov s26;
	v3 =	vmul.u32 $0x3E8, v3  }
0x55: {  	s0 =	smul.u32 $0x30000, s0;
	s3 =	sadd.s32 $0x1C00, s7;
	s9 =	smax.u32 s9, $0x1;
	v58 =	vbroadcast v4, $0x0;
	v47 =	vbroadcast v1, $0x0;
	v1 =	vshrl.u32 v10, $0xA  }
0x56: {  	s6 =	sadd.s32 $0x1E00, s7;
	s21 =	simm.s32 $0x4;
	[dreg:$0x4] =	wrdreg s9;
	v48 =	vbroadcast v3, $0x0;
	v3 =	vshrl.u32 v50, $0xA;
	v1 =	vmul.u32 $0x3E8, v1  }
0x57: {  	s17 =	simm.s32 $0x3;
	s15 =	simm.s32 $0xA;
	s23 =	smul.u32 $0x60000, s28;
	v49 =	vbroadcast v5, $0x0;
	v2 =	vshrl.u32 v2, $0xA;
	v3 =	vmul.u32 $0x3E8, v3  }
0x58: {  	s16 =	simm.s32 $0x2;
	s5 =	sadd.s32 $0x1D00, s7;
	s7 =	sadd.s32 $0x1F00, s7;
	v5 =	vmul.u32 $0x3E8, v53;
	v50 =	vbroadcast v1, $0x0;
	v1 =	vmul.u32 $0x3E8, v2  }
0x59: {  	s20 =	simm.s32 $0x7;
	s11 =	sadd.s32 s23, s4;
	s10 =	smul.u32 $0x300000, s28;
	v51 =	vbroadcast v3, $0x0;
	v3 =	vshrl.u32 v56, $0xA;
	v2 =	vshrl.u32 v54, $0xA  }
0x5a: {  	s19 =	simm.s32 $0x10C00;
	s23 =	simm.s32 $0x5;
	s11 =	sadd.s32 s0, s11;
	v54 =	vbroadcast v1, $0x0;
	v1 =	vmul.u32 $0x3E8, v2;
	v2 =	vshrl.u32 v55, $0xA  }
0x5b: {  	s28 =	simm.s32 $0x0;
	s1 =	simm.s32 $0x18400;
	s29 =	sadd.s32 s13, s10;
	v53 =	vbroadcast v5, $0x0;
	v3 =	vmul.u32 $0x3E8, v3;
	v2 =	vmul.u32 $0x3E8, v2  }
0x5c: {  	s8 =	simm.s32 $0x6;
	s13 =	sor.u32 $0x10000, s29;
	s22 =	sor.u32 $0xC000, s29;
	v10 =	vshrl.u32 v62, $0xA;
	v55 =	vbroadcast v1, $0x0;
	v1 =	vmul.u32 $0x3E8, v9  }
0x5d: {  	s24 =	sor.u32 $0x8000, s29;
	s25 =	sor.u32 $0x4000, s29;
	s9 =	sshrl.u32 s13, $0x3;
	v57 =	vbroadcast v3, $0x0;
	v56 =	vbroadcast v2, $0x0;
	v2 =	vshrl.u32 v59, $0xA  }
.Ltmp0:
0x5e: {  	s10 =	sshrl.u32 s22, $0x3;
	s13 =	sshrl.u32 s24, $0x3;
	v3 =	vshrl.u32 v61, $0xA;
	v59 =	vbroadcast v1, $0x0;
	v1 =	vmul.u32 $0x3E8, v2;
	(pc) =	sbr.rel .LBB2_1-.Ltmp0, $4  }
0x5f: {  	s0 =	sshrl.u32 s25, $0x3;
	s25 =	simm.s32 $0xCC00;
	s24 =	simm.s32 $0x14C00;
	v4 =	vmul.u32 $0x3E8, v10;
	v3 =	vmul.u32 $0x3E8, v3;
	v2 =	vshrl.u32 v60, $0xA  }
0x60: {  	s22 =	simm.s32 $0x8;
	s9 =	sadd.s32 s9, s4;
	s26 =	sor.u32 $0x14000, s29;
	v2 =	vmul.u32 $0x3E8, v2;
	v60 =	vbroadcast v1, $0x0;
	v1 =	vmul.u32 $0x3E8, v11  }
0x61: {  	vm0 =	vmmov $0xffff;
	s10 =	sadd.s32 s10, s4;
	s12 =	sadd.s32 s13, s4;
	s29 =	sshrl.u32 s26, $0x3;
	v63 =	vbroadcast v4, $0x0;
	v62 =	vbroadcast v3, $0x0  }
0x62: {  	s13 =	sadd.s32 s0, s4;
	s14 =	sadd.s32 s29, s4;
	s4 =	simm.s32 $0x9;
	v61 =	vbroadcast v2, $0x0;
	v2 =	vlaneseq.u32;
	v1 =	vbroadcast v1, $0x0  }
.LBB2_4:
0x63: {  	s0 =	simm.s32 $0xB  }
0x64: {  	_ =	swait.ge [sflag:s0], $0x4000  }
0x65: {  	[sflag:s0] =	ssyncset.done $0x0  }
0x66: {  	s26 =	simm.s32 $0xC;
	[sflag:s0] =	ssyncadd.s32 $0xFFFFC000  }
0x67: {  	_ =	swait.ge [sflag:s26], $0x4000  }
0x68: {  	s28 =	rddreg [dreg:$0x5]  }
0x69: {  	s29 =	rddreg [dreg:$0x4];
	s28 =	sadd.s32 $0x1, s28  }
0x6a: {  	p0 =	sne.s32 s28, s29  }
.Ltmp1:
0x6b: {  	_ = 	snop;
	(pc) =	sbr.rel @!p0 .LBB2_5-.Ltmp1, $3  }
0x6c: {  	_ =	sdelay $0x1  }
0x6d: {  	[sflag:s26] =	ssyncset.done $0x0  }
0x6e: {  	[sflag:s26] =	ssyncadd.s32 $0xFFFFC000  }
.LBB2_1:
0x6f: {  	[dreg:$0x5] =	wrdreg s28  }
0x70: {  	s0 =	rddreg [dreg:$0x3];
	s26 =	simm.s32 $0xD  }
0x71: {  	[tilespmem:s2], [sflag:$0xD] =	stream.linear.gather [hbm4b:s0+s2], $0x600, $0x38;
	[tilespmem:$0x18C00] =	vst v63  }
0x72: {  	_ =	swait.ge [sflag:s26], $0x600  }
0x73: {  	[sflag:s26] =	ssyncset.done $0x0  }
0x74: {  	[sflag:s26] =	ssyncadd.s32 $0xFFFFFA00  }
0x75: {  	v5 =	vld [tilespmem:$0x10]  }
0x76: {  	v6 =	vld [tilespmem:$0x20]  }
0x77: {  	v7 =	vld [tilespmem:$0x30]  }
0x78: {  	v8 =	vld [tilespmem:$0x40]  }
0x79: {  	v9 =	vld [tilespmem:$0x50]  }
0x7a: {  	v10 =	vld [tilespmem:$0x60];
	v5 =	vadd.s32 v0, v5  }
0x7b: {  	v11 =	vld [tilespmem:$0x70];
	[tilespmem:$0x610] =	vst v5;
	v5 =	vadd.s32 v0, v6  }
0x7c: {  	v6 =	vld [tilespmem:$0x80];
	[tilespmem:$0x620] =	vst v5;
	v5 =	vadd.s32 v0, v7  }
0x7d: {  	v7 =	vld [tilespmem:$0x90];
	[tilespmem:$0x630] =	vst v5;
	v5 =	vadd.s32 v0, v8  }
0x7e: {  	v8 =	vld [tilespmem:$0xA0];
	[tilespmem:$0x640] =	vst v5;
	v5 =	vadd.s32 v0, v9  }
0x7f: {  	v9 =	vld [tilespmem:$0xB0];
	[tilespmem:$0x650] =	vst v5;
	v5 =	vadd.s32 v0, v10  }
0x80: {  	v10 =	vld [tilespmem:$0xC0];
	[tilespmem:$0x660] =	vst v5;
	v5 =	vadd.s32 v0, v11  }
0x81: {  	v11 =	vld [tilespmem:$0xD0];
	[tilespmem:$0x670] =	vst v5;
	v5 =	vadd.s32 v0, v6  }
0x82: {  	v6 =	vld [tilespmem:$0xE0];
	[tilespmem:$0x680] =	vst v5;
	v5 =	vadd.s32 v0, v7  }
0x83: {  	v7 =	vld [tilespmem:$0xF0];
	[tilespmem:$0x690] =	vst v5;
	v5 =	vadd.s32 v0, v8  }
0x84: {  	v8 =	vld [tilespmem:$0x100];
	[tilespmem:$0x6A0] =	vst v5;
	v5 =	vadd.s32 v0, v9  }
0x85: {  	v9 =	vld [tilespmem:$0x110];
	[tilespmem:$0x6B0] =	vst v5;
	v5 =	vadd.s32 v0, v10  }
0x86: {  	v10 =	vld [tilespmem:$0x120];
	[tilespmem:$0x6C0] =	vst v5;
	v5 =	vadd.s32 v0, v11  }
0x87: {  	v11 =	vld [tilespmem:$0x130];
	[tilespmem:$0x6D0] =	vst v5;
	v5 =	vadd.s32 v0, v6  }
0x88: {  	v6 =	vld [tilespmem:$0x140];
	[tilespmem:$0x6E0] =	vst v5;
	v5 =	vadd.s32 v0, v7  }
0x89: {  	v7 =	vld [tilespmem:$0x150];
	[tilespmem:$0x6F0] =	vst v5;
	v5 =	vadd.s32 v0, v8  }
0x8a: {  	v8 =	vld [tilespmem:$0x160];
	[tilespmem:$0x700] =	vst v5;
	v5 =	vadd.s32 v0, v9  }
0x8b: {  	v9 =	vld [tilespmem:$0x170];
	[tilespmem:$0x710] =	vst v5;
	v5 =	vadd.s32 v0, v10  }
0x8c: {  	v10 =	vld [tilespmem:$0x180];
	[tilespmem:$0x720] =	vst v5;
	v5 =	vadd.s32 v0, v11  }
0x8d: {  	v11 =	vld [tilespmem:$0x190];
	[tilespmem:$0x730] =	vst v5;
	v5 =	vadd.s32 v0, v6  }
0x8e: {  	v6 =	vld [tilespmem:$0x1A0];
	[tilespmem:$0x740] =	vst v5;
	v5 =	vadd.s32 v0, v7  }
0x8f: {  	v7 =	vld [tilespmem:$0x1B0];
	[tilespmem:$0x750] =	vst v5;
	v5 =	vadd.s32 v0, v8  }
0x90: {  	v8 =	vld [tilespmem:$0x1C0];
	[tilespmem:$0x760] =	vst v5;
	v5 =	vadd.s32 v0, v9  }
0x91: {  	v9 =	vld [tilespmem:$0x1D0];
	[tilespmem:$0x770] =	vst v5;
	v5 =	vadd.s32 v0, v10  }
0x92: {  	v10 =	vld [tilespmem:$0x1E0];
	[tilespmem:$0x780] =	vst v5;
	v5 =	vadd.s32 v0, v11  }
0x93: {  	v11 =	vld [tilespmem:$0x1F0];
	[tilespmem:$0x790] =	vst v5;
	v5 =	vadd.s32 v0, v6  }
0x94: {  	[tilespmem:$0x7A0] =	vst v5;
	v5 =	vadd.s32 v0, v7  }
0x95: {  	[tilespmem:$0x7B0] =	vst v5;
	v5 =	vadd.s32 v0, v8  }
0x96: {  	[tilespmem:$0x7C0] =	vst v5;
	v5 =	vadd.s32 v0, v9  }
0x97: {  	[tilespmem:$0x7D0] =	vst v5;
	v5 =	vadd.s32 v0, v10  }
0x98: {  	v6 =	vld [tilespmem:$0x200];
	[tilespmem:$0x7E0] =	vst v5;
	v5 =	vadd.s32 v0, v11  }
0x99: {  	[tilespmem:$0x7F0] =	vst v5;
	v5 =	vld [tilespmem:$0x1FF40];
	_ =	sdelay $0x4  }
0x9a: {  	v7 =	vld [tilespmem:$0x210];
	v5 =	vadd.s32 v5, v6  }
0x9b: {  	[tilespmem:$0x800] =	vst v5;
	v5 =	vld [tilespmem:$0x1FF50];
	_ =	sdelay $0x4  }
0x9c: {  	v8 =	vld [tilespmem:$0x220];
	v5 =	vadd.s32 v5, v7  }
0x9d: {  	[tilespmem:$0x810] =	vst v5;
	v5 =	vld [tilespmem:$0x1FF60];
	_ =	sdelay $0x4  }
0x9e: {  	v9 =	vld [tilespmem:$0x230];
	v5 =	vadd.s32 v5, v8  }
0x9f: {  	[tilespmem:$0x820] =	vst v5;
	v5 =	vld [tilespmem:$0x1FF70];
	_ =	sdelay $0x4  }
0xa0: {  	v10 =	vld [tilespmem:$0x240];
	v5 =	vadd.s32 v5, v9  }
0xa1: {  	[tilespmem:$0x830] =	vst v5;
	v5 =	vld [tilespmem:$0x1FF80];
	_ =	sdelay $0x4  }
0xa2: {  	v11 =	vld [tilespmem:$0x250];
	v5 =	vadd.s32 v5, v10  }
0xa3: {  	[tilespmem:$0x840] =	vst v5;
	v5 =	vld [tilespmem:$0x1FF90];
	_ =	sdelay $0x4  }
0xa4: {  	v6 =	vld [tilespmem:$0x260];
	v5 =	vadd.s32 v5, v11  }
0xa5: {  	[tilespmem:$0x850] =	vst v5;
	v5 =	vld [tilespmem:$0x1FFA0];
	_ =	sdelay $0x4  }
0xa6: {  	v7 =	vld [tilespmem:$0x270];
	v5 =	vadd.s32 v5, v6  }
0xa7: {  	[tilespmem:$0x860] =	vst v5;
	v5 =	vld [tilespmem:$0x1FFB0];
	_ =	sdelay $0x4  }
0xa8: {  	v8 =	vld [tilespmem:$0x280];
	v5 =	vadd.s32 v5, v7  }
0xa9: {  	[tilespmem:$0x870] =	vst v5;
	v5 =	vld [tilespmem:$0x1FFC0];
	_ =	sdelay $0x4  }
0xaa: {  	v9 =	vld [tilespmem:$0x290];
	v5 =	vadd.s32 v5, v8  }
0xab: {  	[tilespmem:$0x880] =	vst v5;
	v5 =	vld [tilespmem:$0x1FFD0];
	_ =	sdelay $0x4  }
0xac: {  	v10 =	vld [tilespmem:$0x2A0];
	v5 =	vadd.s32 v5, v9  }
0xad: {  	[tilespmem:$0x890] =	vst v5;
	v5 =	vld [tilespmem:$0x1FFE0];
	_ =	sdelay $0x2  }
0xae: {  	v3 =	vld [tilespmem:$0x0]  }
0xaf: {  	v11 =	vld [tilespmem:$0x2B0]  }
0xb0: {  	v6 =	vld [tilespmem:$0x2C0];
	v5 =	vadd.s32 v5, v10  }
0xb1: {  	[tilespmem:$0x8A0] =	vst v5;
	v5 =	vld [tilespmem:$0x1FFF0]  }
0xb2: {  	v7 =	vld [tilespmem:$0x2D0]  }
0xb3: {  	v8 =	vld [tilespmem:$0x2E0]  }
0xb4: {  	v9 =	vld [tilespmem:$0x2F0]  }
0xb5: {  	v4 =	vadd.s32 v0, v3;
	v10 =	vld [tilespmem:$0x300]  }
0xb6: {  	[tilespmem:$0x600] =	vst v4;
	v5 =	vadd.s32 v5, v11;
	v11 =	vld [tilespmem:$0x310]  }
0xb7: {  	[tilespmem:$0x8B0] =	vst v5;
	v5 =	vadd.s32 v13, v6;
	v6 =	vld [tilespmem:$0x320]  }
0xb8: {  	[tilespmem:$0x8C0] =	vst v5;
	v5 =	vadd.s32 v14, v7;
	v7 =	vld [tilespmem:$0x330]  }
0xb9: {  	[tilespmem:$0x8D0] =	vst v5;
	v5 =	vadd.s32 v15, v8;
	v8 =	vld [tilespmem:$0x340]  }
0xba: {  	[tilespmem:$0x8E0] =	vst v5;
	v5 =	vadd.s32 v16, v9;
	v9 =	vld [tilespmem:$0x350]  }
0xbb: {  	[tilespmem:$0x8F0] =	vst v5;
	v5 =	vadd.s32 v17, v10;
	v10 =	vld [tilespmem:$0x360]  }
0xbc: {  	[tilespmem:$0x900] =	vst v5;
	v5 =	vadd.s32 v18, v11;
	v11 =	vld [tilespmem:$0x370]  }
0xbd: {  	[tilespmem:$0x910] =	vst v5;
	v5 =	vadd.s32 v19, v6;
	v6 =	vld [tilespmem:$0x380]  }
0xbe: {  	[tilespmem:$0x920] =	vst v5;
	v5 =	vadd.s32 v20, v7;
	v7 =	vld [tilespmem:$0x390]  }
0xbf: {  	[tilespmem:$0x930] =	vst v5;
	v5 =	vadd.s32 v21, v8;
	v8 =	vld [tilespmem:$0x3A0]  }
0xc0: {  	[tilespmem:$0x940] =	vst v5;
	v5 =	vadd.s32 v22, v9;
	v9 =	vld [tilespmem:$0x3B0]  }
0xc1: {  	[tilespmem:$0x950] =	vst v5;
	v5 =	vadd.s32 v23, v10;
	v10 =	vld [tilespmem:$0x3C0]  }
0xc2: {  	[tilespmem:$0x960] =	vst v5;
	v5 =	vadd.s32 v24, v11;
	v11 =	vld [tilespmem:$0x3D0]  }
0xc3: {  	[tilespmem:$0x970] =	vst v5;
	v5 =	vadd.s32 v25, v6;
	v6 =	vld [tilespmem:$0x3E0]  }
0xc4: {  	[tilespmem:$0x980] =	vst v5;
	v5 =	vadd.s32 v26, v7;
	v7 =	vld [tilespmem:$0x3F0]  }
0xc5: {  	[tilespmem:$0x990] =	vst v5;
	v5 =	vadd.s32 v27, v8;
	v8 =	vld [tilespmem:$0x400]  }
0xc6: {  	[tilespmem:$0x9A0] =	vst v5;
	v5 =	vadd.s32 v28, v9;
	v9 =	vld [tilespmem:$0x410]  }
0xc7: {  	[tilespmem:$0x9B0] =	vst v5;
	v5 =	vadd.s32 v29, v10;
	v10 =	vld [tilespmem:$0x420]  }
0xc8: {  	[tilespmem:$0x9C0] =	vst v5;
	v5 =	vadd.s32 v30, v11;
	v11 =	vld [tilespmem:$0x430]  }
0xc9: {  	[tilespmem:$0x9D0] =	vst v5;
	v5 =	vadd.s32 v31, v6;
	v6 =	vld [tilespmem:$0x440]  }
0xca: {  	[tilespmem:$0x9E0] =	vst v5;
	v5 =	vadd.s32 v32, v7;
	v7 =	vld [tilespmem:$0x450]  }
0xcb: {  	[tilespmem:$0x9F0] =	vst v5;
	v5 =	vadd.s32 v33, v8;
	v8 =	vld [tilespmem:$0x460]  }
0xcc: {  	[tilespmem:$0xA00] =	vst v5;
	v5 =	vadd.s32 v34, v9;
	v9 =	vld [tilespmem:$0x470]  }
0xcd: {  	[tilespmem:$0xA10] =	vst v5;
	v5 =	vadd.s32 v35, v10;
	v10 =	vld [tilespmem:$0x480]  }
0xce: {  	[tilespmem:$0xA20] =	vst v5;
	v5 =	vadd.s32 v36, v11;
	v11 =	vld [tilespmem:$0x490]  }
0xcf: {  	[tilespmem:$0xA30] =	vst v5;
	v5 =	vadd.s32 v37, v6;
	v6 =	vld [tilespmem:$0x4A0]  }
0xd0: {  	[tilespmem:$0xA40] =	vst v5;
	v5 =	vadd.s32 v38, v7;
	v7 =	vld [tilespmem:$0x4B0]  }
0xd1: {  	[tilespmem:$0xA50] =	vst v5;
	v5 =	vadd.s32 v39, v8;
	v8 =	vld [tilespmem:$0x4C0]  }
0xd2: {  	[tilespmem:$0xA60] =	vst v5;
	v5 =	vadd.s32 v40, v9;
	v9 =	vld [tilespmem:$0x4D0]  }
0xd3: {  	[tilespmem:$0xA70] =	vst v5;
	v5 =	vadd.s32 v41, v10;
	v10 =	vld [tilespmem:$0x4E0]  }
0xd4: {  	[tilespmem:$0xA80] =	vst v5;
	v5 =	vadd.s32 v42, v11;
	v11 =	vld [tilespmem:$0x4F0]  }
0xd5: {  	[tilespmem:$0xA90] =	vst v5;
	v5 =	vadd.s32 v43, v6;
	v6 =	vld [tilespmem:$0x500]  }
0xd6: {  	[tilespmem:$0xAA0] =	vst v5;
	v5 =	vadd.s32 v44, v7;
	v7 =	vld [tilespmem:$0x510]  }
0xd7: {  	[tilespmem:$0xAB0] =	vst v5;
	v5 =	vadd.s32 v45, v8;
	v8 =	vld [tilespmem:$0x520]  }
0xd8: {  	[tilespmem:$0xAC0] =	vst v5;
	v5 =	vadd.s32 v46, v9;
	v9 =	vld [tilespmem:$0x530]  }
0xd9: {  	[tilespmem:$0xAD0] =	vst v5;
	v5 =	vadd.s32 v47, v10;
	v10 =	vld [tilespmem:$0x540]  }
0xda: {  	[tilespmem:$0xAE0] =	vst v5;
	v5 =	vadd.s32 v48, v11;
	v11 =	vld [tilespmem:$0x550]  }
0xdb: {  	[tilespmem:$0xAF0] =	vst v5;
	v5 =	vadd.s32 v49, v6;
	v6 =	vld [tilespmem:$0x560]  }
0xdc: {  	[tilespmem:$0xB00] =	vst v5;
	v5 =	vadd.s32 v50, v7;
	v7 =	vld [tilespmem:$0x570]  }
0xdd: {  	[tilespmem:$0xB10] =	vst v5;
	v5 =	vadd.s32 v51, v8;
	v8 =	vld [tilespmem:$0x580]  }
0xde: {  	[tilespmem:$0xB20] =	vst v5;
	v5 =	vadd.s32 v52, v9;
	v9 =	vld [tilespmem:$0x590]  }
0xdf: {  	[tilespmem:$0xB30] =	vst v5;
	v5 =	vadd.s32 v53, v10  }
0xe0: {  	v10 =	vld [tilespmem:$0x5A0];
	[tilespmem:$0xB40] =	vst v5;
	v5 =	vadd.s32 v54, v11  }
0xe1: {  	[tilespmem:$0xB50] =	vst v5;
	v5 =	vadd.s32 v55, v6;
	v6 =	vld [tilespmem:$0x5B0]  }
0xe2: {  	v4 =	vshll.u32 v4, $0x3;
	[tilespmem:$0xB60] =	vst v5;
	v5 =	vadd.s32 v56, v7;
	v7 =	vadd.s32 v57, v8;
	v8 =	vld [tilespmem:$0x5C0]  }
0xe3: {  	v3 =	vand.u32 $0x7, v3;
	v4 =	vand.u32 $0xFFFFFFC0, v4;
	[tilespmem:$0xB70] =	vst v5;
	v5 =	vadd.s32 v58, v9;
	v9 =	vld [tilespmem:$0x5D0]  }
0xe4: {  	v11 =	vor.u32 v3, v4;
	v3 =	vand.u32 $0x7, v2;
	v4 =	vshrl.u32 v2, $0x3;
	[tilespmem:$0xB80] =	vst v7;
	v7 =	vld [tilespmem:$0x5E0]  }
0xe5: {  	v12 =	vperm.xlane v11, v3;
	v4 =	vmul.u32 $0x8, v4;
	[tilespmem:$0xB90] =	vst v5;
	v5 =	vadd.s32 v59, v10;
	v10 =	vld [tilespmem:$0x5F0]  }
0xe6: {  	[tilespmem:$0xBA0] =	vst v5;
	v5 =	vadd.s32 v60, v6  }
0xe7: {  	v6 =	vadd.s32 v4, v12;
	[tilespmem:$0xBB0] =	vst v5;
	v5 =	vadd.s32 v61, v8  }
0xe8: {  	[tilespmem:$0xBC0] =	vst v5;
	v5 =	vadd.s32 v62, v9  }
0xe9: {  	[tilespmem:$0xBD0] =	vst v5;
	v5 =	vadd.s32 v63, v7  }
0xea: {  	[tilespmem:$0xBE0] =	vst v5;
	v5 =	vadd.s32 v1, v10  }
0xeb: {  	s29 =	simm.s32 $0xC00;
	[tilespmem:$0xBF0] =	vst v5  }
0xec: {  	v5 =	vor.u32 $0x8, v2;
	[tilespmem:s29], [sflag:$0x1] =	stream.indirect_vreg.gather [hbm4b:s3+s2], $0x80, v6, vm0, $0xb8;
	[tilespmem:$0x18C00] =	vst v63  }
0xed: {  	s26 =	simm.s32 $0x1400;
	v7 =	vperm.xlane v11, v5  }
0xee: {  	[tilespmem:s26], [sflag:$0x1] =	stream.indirect_vreg.gather [hbm4b:s5+s2], $0x80, v6, vm0, $0xb8;
	[tilespmem:$0x18C00] =	vst v63  }
0xef: {  	s29 =	simm.s32 $0x1C00;
	v7 =	vadd.s32 v4, v7  }
0xf0: {  	[tilespmem:s29], [sflag:$0x1] =	stream.indirect_vreg.gather [hbm4b:s6+s2], $0x80, v6, vm0, $0xb8;
	[tilespmem:$0x18C00] =	vst v63  }
0xf1: {  	s26 =	simm.s32 $0x2400  }
0xf2: {  	[tilespmem:s26], [sflag:$0x1] =	stream.indirect_vreg.gather [hbm4b:s7+s2], $0x80, v6, vm0, $0xb8;
	[tilespmem:$0x18C00] =	vst v63  }
0xf3: {  	s29 =	simm.s32 $0x2C00  }
0xf4: {  	[tilespmem:s29], [sflag:$0x1] =	stream.indirect_vreg.gather [hbm4b:s3+s2], $0x80, v7, vm0, $0xb8;
	[tilespmem:$0x18C00] =	vst v63  }
0xf5: {  	s26 =	simm.s32 $0x3400  }
0xf6: {  	[tilespmem:s26], [sflag:$0x1] =	stream.indirect_vreg.gather [hbm4b:s5+s2], $0x80, v7, vm0, $0xb8;
	[tilespmem:$0x18C00] =	vst v63  }
0xf7: {  	s29 =	simm.s32 $0x3C00  }
0xf8: {  	[tilespmem:s29], [sflag:$0x1] =	stream.indirect_vreg.gather [hbm4b:s6+s2], $0x80, v7, vm0, $0xb8;
	[tilespmem:$0x18C00] =	vst v63  }
0xf9: {  	s26 =	simm.s32 $0x4400  }
0xfa: {  	[tilespmem:s26], [sflag:$0x1] =	stream.indirect_vreg.gather [hbm4b:s7+s2], $0x80, v7, vm0, $0xb8;
	[tilespmem:$0x18C00] =	vst v63  }
0xfb: {  	v6 =	vld [tilespmem:$0x610];
	_ =	sdelay $0x4  }
0xfc: {  	v7 =	vshll.u32 v6, $0x3  }
0xfd: {  	v6 =	vand.u32 $0x7, v6;
	v7 =	vand.u32 $0xFFFFFFC0, v7  }
0xfe: {  	v6 =	vor.u32 v6, v7  }
0xff: {  	v7 =	vperm.xlane v6, v3;
	_ =	sdelay $0x1  }
0x100: {  	v7 =	vadd.s32 v4, v7;
	_ =	sdelay $0x3  }
0x101: {  	s29 =	simm.s32 $0x4C00  }
0x102: {  	[tilespmem:s29], [sflag:$0x2] =	stream.indirect_vreg.gather [hbm4b:s3+s2], $0x80, v7, vm0, $0xb8;
	[tilespmem:$0x18C00] =	vst v63  }
0x103: {  	s26 =	simm.s32 $0x5400;
	v6 =	vperm.xlane v6, v5  }
0x104: {  	[tilespmem:s26], [sflag:$0x2] =	stream.indirect_vreg.gather [hbm4b:s5+s2], $0x80, v7, vm0, $0xb8;
	[tilespmem:$0x18C00] =	vst v63  }
0x105: {  	v6 =	vadd.s32 v4, v6;
	s29 =	simm.s32 $0x5C00  }
0x106: {  	[tilespmem:s29], [sflag:$0x2] =	stream.indirect_vreg.gather [hbm4b:s6+s2], $0x80, v7, vm0, $0xb8;
	[tilespmem:$0x18C00] =	vst v63  }
0x107: {  	s26 =	simm.s32 $0x6400  }
0x108: {  	[tilespmem:s26], [sflag:$0x2] =	stream.indirect_vreg.gather [hbm4b:s7+s2], $0x80, v7, vm0, $0xb8;
	[tilespmem:$0x18C00] =	vst v63  }
0x109: {  	s29 =	simm.s32 $0x6C00  }
0x10a: {  	[tilespmem:s29], [sflag:$0x2] =	stream.indirect_vreg.gather [hbm4b:s3+s2], $0x80, v6, vm0, $0xb8;
	[tilespmem:$0x18C00] =	vst v63  }
0x10b: {  	s26 =	simm.s32 $0x7400  }
0x10c: {  	[tilespmem:s26], [sflag:$0x2] =	stream.indirect_vreg.gather [hbm4b:s5+s2], $0x80, v6, vm0, $0xb8;
	[tilespmem:$0x18C00] =	vst v63  }
0x10d: {  	s29 =	simm.s32 $0x7C00  }
0x10e: {  	[tilespmem:s29], [sflag:$0x2] =	stream.indirect_vreg.gather [hbm4b:s6+s2], $0x80, v6, vm0, $0xb8;
	[tilespmem:$0x18C00] =	vst v63  }
0x10f: {  	s26 =	simm.s32 $0x8400  }
0x110: {  	[tilespmem:s26], [sflag:$0x2] =	stream.indirect_vreg.gather [hbm4b:s7+s2], $0x80, v6, vm0, $0xb8;
	[tilespmem:$0x18C00] =	vst v63  }
0x111: {  	v6 =	vld [tilespmem:$0x620];
	_ =	sdelay $0x4  }
0x112: {  	v7 =	vshll.u32 v6, $0x3  }
0x113: {  	v6 =	vand.u32 $0x7, v6;
	v7 =	vand.u32 $0xFFFFFFC0, v7  }
0x114: {  	v6 =	vor.u32 v6, v7  }
0x115: {  	v7 =	vperm.xlane v6, v3;
	_ =	sdelay $0x1  }
0x116: {  	v7 =	vadd.s32 v4, v7;
	_ =	sdelay $0x3  }
0x117: {  	s29 =	simm.s32 $0x8C00  }
0x118: {  	[tilespmem:s29], [sflag:$0x3] =	stream.indirect_vreg.gather [hbm4b:s3+s2], $0x80, v7, vm0, $0xb8;
	[tilespmem:$0x18C00] =	vst v63  }
0x119: {  	s26 =	simm.s32 $0x9400;
	v6 =	vperm.xlane v6, v5  }
0x11a: {  	[tilespmem:s26], [sflag:$0x3] =	stream.indirect_vreg.gather [hbm4b:s5+s2], $0x80, v7, vm0, $0xb8;
	[tilespmem:$0x18C00] =	vst v63  }
0x11b: {  	v6 =	vadd.s32 v4, v6;
	s29 =	simm.s32 $0x9C00  }
0x11c: {  	[tilespmem:s29], [sflag:$0x3] =	stream.indirect_vreg.gather [hbm4b:s6+s2], $0x80, v7, vm0, $0xb8;
	[tilespmem:$0x18C00] =	vst v63  }
0x11d: {  	s26 =	simm.s32 $0xA400  }
0x11e: {  	[tilespmem:s26], [sflag:$0x3] =	stream.indirect_vreg.gather [hbm4b:s7+s2], $0x80, v7, vm0, $0xb8;
	[tilespmem:$0x18C00] =	vst v63  }
0x11f: {  	s29 =	simm.s32 $0xAC00  }
0x120: {  	[tilespmem:s29], [sflag:$0x3] =	stream.indirect_vreg.gather [hbm4b:s3+s2], $0x80, v6, vm0, $0xb8;
	[tilespmem:$0x18C00] =	vst v63  }
0x121: {  	s26 =	simm.s32 $0xB400  }
0x122: {  	[tilespmem:s26], [sflag:$0x3] =	stream.indirect_vreg.gather [hbm4b:s5+s2], $0x80, v6, vm0, $0xb8;
	[tilespmem:$0x18C00] =	vst v63  }
0x123: {  	s29 =	simm.s32 $0xBC00  }
0x124: {  	[tilespmem:s29], [sflag:$0x3] =	stream.indirect_vreg.gather [hbm4b:s6+s2], $0x80, v6, vm0, $0xb8;
	[tilespmem:$0x18C00] =	vst v63  }
0x125: {  	s26 =	simm.s32 $0xC400  }
0x126: {  	[tilespmem:s26], [sflag:$0x3] =	stream.indirect_vreg.gather [hbm4b:s7+s2], $0x80, v6, vm0, $0xb8;
	[tilespmem:$0x18C00] =	vst v63  }
0x127: {  	v6 =	vld [tilespmem:$0x630];
	_ =	sdelay $0x4  }
0x128: {  	v7 =	vshll.u32 v6, $0x3  }
0x129: {  	v6 =	vand.u32 $0x7, v6;
	v7 =	vand.u32 $0xFFFFFFC0, v7  }
0x12a: {  	v6 =	vor.u32 v6, v7  }
0x12b: {  	v7 =	vperm.xlane v6, v3;
	_ =	sdelay $0x1  }
0x12c: {  	v7 =	vadd.s32 v4, v7;
	_ =	sdelay $0x4  }
0x12d: {  	[tilespmem:s25], [sflag:$0x4] =	stream.indirect_vreg.gather [hbm4b:s3+s2], $0x80, v7, vm0, $0xb8;
	[tilespmem:$0x18C00] =	vst v63  }
0x12e: {  	s29 =	simm.s32 $0xD400;
	v6 =	vperm.xlane v6, v5  }
0x12f: {  	[tilespmem:s29], [sflag:$0x4] =	stream.indirect_vreg.gather [hbm4b:s5+s2], $0x80, v7, vm0, $0xb8;
	[tilespmem:$0x18C00] =	vst v63  }
0x130: {  	s26 =	simm.s32 $0xDC00;
	v6 =	vadd.s32 v4, v6  }
0x131: {  	[tilespmem:s26], [sflag:$0x4] =	stream.indirect_vreg.gather [hbm4b:s6+s2], $0x80, v7, vm0, $0xb8;
	[tilespmem:$0x18C00] =	vst v63  }
0x132: {  	s29 =	simm.s32 $0xE400  }
0x133: {  	[tilespmem:s29], [sflag:$0x4] =	stream.indirect_vreg.gather [hbm4b:s7+s2], $0x80, v7, vm0, $0xb8;
	[tilespmem:$0x18C00] =	vst v63  }
0x134: {  	s26 =	simm.s32 $0xEC00  }
0x135: {  	[tilespmem:s26], [sflag:$0x4] =	stream.indirect_vreg.gather [hbm4b:s3+s2], $0x80, v6, vm0, $0xb8;
	[tilespmem:$0x18C00] =	vst v63  }
0x136: {  	s29 =	simm.s32 $0xF400  }
0x137: {  	[tilespmem:s29], [sflag:$0x4] =	stream.indirect_vreg.gather [hbm4b:s5+s2], $0x80, v6, vm0, $0xb8;
	[tilespmem:$0x18C00] =	vst v63  }
0x138: {  	s26 =	simm.s32 $0xFC00  }
0x139: {  	[tilespmem:s26], [sflag:$0x4] =	stream.indirect_vreg.gather [hbm4b:s6+s2], $0x80, v6, vm0, $0xb8;
	[tilespmem:$0x18C00] =	vst v63  }
0x13a: {  	s28 =	simm.s32 $0x0;
	s29 =	simm.s32 $0x10400;
	s26 =	simm.s32 $0x650  }
0x13b: {  	[tilespmem:s29], [sflag:$0x4] =	stream.indirect_vreg.gather [hbm4b:s7+s2], $0x80, v6, vm0, $0xb8;
	[tilespmem:$0x18C00] =	vst v63  }
.LBB2_2:
0x13c: {  	_ =	swait.ge [sflag:s18], $0x4000  }
0x13d: {  	s29 =	sadd.s32 s28, s11;
	[sflag:s18] =	ssyncset.done $0x0  }
0x13e: {  	s0 =	simm.s32 $0xC00;
	p0 =	seq.s32 s28, $0x0;
	[sflag:s18] =	ssyncadd.s32 $0xFFFFC000  }
0x13f: {  	[hbm4b:s29+s2] =	stream.linear.scatter [tilespmem:s0], [sflag:$0x7], $0x4000, $0x38;
	[tilespmem:$0x18C00] =	vst v63  }
0x140: {  	s29 =	simm.s32 @!p0 $0xB  }
0x141: {  	_ =	swait.ge @!p0 [sflag:s29], $0x4000  }
0x142: {  	[sflag:s29] =	ssyncset.done @!p0 $0x0  }
0x143: {  	[sflag:s29] =	ssyncadd.s32 @!p0 $0xFFFFC000  }
0x144: {  	v6 =	vld [tilespmem:s26+$0xFFFFFFF0];
	_ =	sdelay $0x4  }
0x145: {  	v7 =	vshll.u32 v6, $0x3  }
0x146: {  	v6 =	vand.u32 $0x7, v6;
	v7 =	vand.u32 $0xFFFFFFC0, v7  }
0x147: {  	v6 =	vor.u32 v6, v7  }
0x148: {  	v7 =	vperm.xlane v6, v3;
	_ =	sdelay $0x1  }
0x149: {  	v7 =	vadd.s32 v4, v7;
	_ =	sdelay $0x4  }
0x14a: {  	[tilespmem:s19], [sflag:$0x5] =	stream.indirect_vreg.gather [hbm4b:s3+s2], $0x80, v7, vm0, $0xb8;
	[tilespmem:$0x18C00] =	vst v63  }
0x14b: {  	s29 =	simm.s32 $0x11400;
	v6 =	vperm.xlane v6, v5  }
0x14c: {  	[tilespmem:s29], [sflag:$0x5] =	stream.indirect_vreg.gather [hbm4b:s5+s2], $0x80, v7, vm0, $0xb8;
	[tilespmem:$0x18C00] =	vst v63  }
0x14d: {  	v6 =	vadd.s32 v4, v6;
	s29 =	simm.s32 $0x11C00  }
0x14e: {  	[tilespmem:s29], [sflag:$0x5] =	stream.indirect_vreg.gather [hbm4b:s6+s2], $0x80, v7, vm0, $0xb8;
	[tilespmem:$0x18C00] =	vst v63  }
0x14f: {  	s29 =	simm.s32 $0x12400  }
0x150: {  	[tilespmem:s29], [sflag:$0x5] =	stream.indirect_vreg.gather [hbm4b:s7+s2], $0x80, v7, vm0, $0xb8;
	[tilespmem:$0x18C00] =	vst v63  }
0x151: {  	s29 =	simm.s32 $0x12C00  }
0x152: {  	[tilespmem:s29], [sflag:$0x5] =	stream.indirect_vreg.gather [hbm4b:s3+s2], $0x80, v6, vm0, $0xb8;
	[tilespmem:$0x18C00] =	vst v63  }
0x153: {  	s29 =	simm.s32 $0x13400  }
0x154: {  	[tilespmem:s29], [sflag:$0x5] =	stream.indirect_vreg.gather [hbm4b:s5+s2], $0x80, v6, vm0, $0xb8;
	[tilespmem:$0x18C00] =	vst v63  }
0x155: {  	s29 =	simm.s32 $0x13C00  }
0x156: {  	[tilespmem:s29], [sflag:$0x5] =	stream.indirect_vreg.gather [hbm4b:s6+s2], $0x80, v6, vm0, $0xb8;
	[tilespmem:$0x18C00] =	vst v63  }
0x157: {  	s29 =	simm.s32 $0x14400  }
0x158: {  	[tilespmem:s29], [sflag:$0x5] =	stream.indirect_vreg.gather [hbm4b:s7+s2], $0x80, v6, vm0, $0xb8;
	[tilespmem:$0x18C00] =	vst v63  }
0x159: {  	_ =	swait.ge [sflag:s16], $0x4000  }
0x15a: {  	[sflag:s16] =	ssyncset.done $0x0  }
0x15b: {  	s0 =	simm.s32 $0x4C00;
	s29 =	sadd.s32 s28, s13;
	[sflag:s16] =	ssyncadd.s32 $0xFFFFC000  }
0x15c: {  	[hbm4b:s29+s2] =	stream.linear.scatter [tilespmem:s0], [sflag:$0x8], $0x4000, $0x38;
	[tilespmem:$0x18C00] =	vst v63  }
0x15d: {  	s29 =	simm.s32 @!p0 $0xC  }
0x15e: {  	_ =	swait.ge @!p0 [sflag:s29], $0x4000  }
0x15f: {  	[sflag:s29] =	ssyncset.done @!p0 $0x0  }
0x160: {  	[sflag:s29] =	ssyncadd.s32 @!p0 $0xFFFFC000  }
0x161: {  	v6 =	vld [tilespmem:s26+$0x0];
	_ =	sdelay $0x4  }
0x162: {  	v7 =	vshll.u32 v6, $0x3  }
0x163: {  	v6 =	vand.u32 $0x7, v6;
	v7 =	vand.u32 $0xFFFFFFC0, v7  }
0x164: {  	v6 =	vor.u32 v6, v7  }
0x165: {  	v7 =	vperm.xlane v6, v3;
	_ =	sdelay $0x1  }
0x166: {  	v7 =	vadd.s32 v4, v7;
	_ =	sdelay $0x4  }
0x167: {  	[tilespmem:s24], [sflag:$0x6] =	stream.indirect_vreg.gather [hbm4b:s3+s2], $0x80, v7, vm0, $0xb8;
	[tilespmem:$0x18C00] =	vst v63  }
0x168: {  	s29 =	simm.s32 $0x15400;
	v6 =	vperm.xlane v6, v5  }
0x169: {  	[tilespmem:s29], [sflag:$0x6] =	stream.indirect_vreg.gather [hbm4b:s5+s2], $0x80, v7, vm0, $0xb8;
	[tilespmem:$0x18C00] =	vst v63  }
0x16a: {  	v6 =	vadd.s32 v4, v6;
	s29 =	simm.s32 $0x15C00  }
0x16b: {  	[tilespmem:s29], [sflag:$0x6] =	stream.indirect_vreg.gather [hbm4b:s6+s2], $0x80, v7, vm0, $0xb8;
	[tilespmem:$0x18C00] =	vst v63  }
0x16c: {  	s29 =	simm.s32 $0x16400  }
0x16d: {  	[tilespmem:s29], [sflag:$0x6] =	stream.indirect_vreg.gather [hbm4b:s7+s2], $0x80, v7, vm0, $0xb8;
	[tilespmem:$0x18C00] =	vst v63  }
0x16e: {  	s29 =	simm.s32 $0x16C00  }
0x16f: {  	[tilespmem:s29], [sflag:$0x6] =	stream.indirect_vreg.gather [hbm4b:s3+s2], $0x80, v6, vm0, $0xb8;
	[tilespmem:$0x18C00] =	vst v63  }
0x170: {  	_ = 	snop  }
0x171: {  	[tilespmem:s30], [sflag:$0x6] =	stream.indirect_vreg.gather [hbm4b:s5+s2], $0x80, v6, vm0, $0xb8;
	[tilespmem:$0x18C00] =	vst v63  }
0x172: {  	_ = 	snop  }
0x173: {  	[tilespmem:s31], [sflag:$0x6] =	stream.indirect_vreg.gather [hbm4b:s6+s2], $0x80, v6, vm0, $0xb8;
	[tilespmem:$0x18C00] =	vst v63  }
0x174: {  	_ = 	snop  }
0x175: {  	[tilespmem:s1], [sflag:$0x6] =	stream.indirect_vreg.gather [hbm4b:s7+s2], $0x80, v6, vm0, $0xb8;
	[tilespmem:$0x18C00] =	vst v63  }
0x176: {  	_ =	swait.ge [sflag:s17], $0x4000  }
0x177: {  	[sflag:s17] =	ssyncset.done $0x0  }
0x178: {  	s0 =	simm.s32 $0x8C00;
	s29 =	sadd.s32 s28, s12;
	[sflag:s17] =	ssyncadd.s32 $0xFFFFC000  }
0x179: {  	[hbm4b:s29+s2] =	stream.linear.scatter [tilespmem:s0], [sflag:$0x9], $0x4000, $0x38;
	[tilespmem:$0x18C00] =	vst v63  }
0x17a: {  	_ =	swait.ge [sflag:s20], $0x4000  }
0x17b: {  	[sflag:s20] =	ssyncset.done $0x0  }
0x17c: {  	p0 =	seq.s32 s28, $0x2D000;
	[sflag:s20] =	ssyncadd.s32 $0xFFFFC000  }
0x17d: {  	v6 =	vld @!p0 [tilespmem:s26+$0x10];
	_ =	sdelay $0x4  }
0x17e: {  	v7 =	vshll.u32 @!p0 v6, $0x3  }
0x17f: {  	v8 =	vlaneseq.u32 @!p0;
	v6 =	vand.u32 @!p0 $0x7, v6;
	v7 =	vand.u32 @!p0 $0xFFFFFFC0, v7  }
0x180: {  	v9 =	vshrl.u32 @!p0 v8, $0x3;
	v6 =	vor.u32 @!p0 v6, v7;
	v7 =	vand.u32 @!p0 $0x7, v8  }
0x181: {  	v9 =	vmul.u32 @!p0 $0x8, v9;
	v10 =	vperm.xlane @!p0 v6, v7;
	_ =	sdelay $0x1  }
0x182: {  	v10 =	vadd.s32 @!p0 v9, v10;
	_ =	sdelay $0x3  }
0x183: {  	vm1 =	vmmov @!p0 $0xffff;
	s29 =	simm.s32 @!p0 $0x0;
	s0 =	simm.s32 @!p0 $0xC00  }
0x184: {  	v8 =	vor.u32 @!p0 $0x8, v8;
	[tilespmem:s0], [sflag:$0x1] =	stream.indirect_vreg.gather @!p0 [hbm4b:s3+s29], $0x80, v10, vm1, $0xb8;
	[tilespmem:$0x18C00] =	vst v63  }
0x185: {  	v6 =	vperm.xlane @!p0 v6, v8;
	s0 =	simm.s32 @!p0 $0x1400  }
0x186: {  	[tilespmem:s0], [sflag:$0x1] =	stream.indirect_vreg.gather @!p0 [hbm4b:s5+s29], $0x80, v10, vm1, $0xb8;
	[tilespmem:$0x18C00] =	vst v63  }
0x187: {  	v6 =	vadd.s32 @!p0 v9, v6;
	s0 =	simm.s32 @!p0 $0x1C00  }
0x188: {  	[tilespmem:s0], [sflag:$0x1] =	stream.indirect_vreg.gather @!p0 [hbm4b:s6+s29], $0x80, v10, vm1, $0xb8;
	[tilespmem:$0x18C00] =	vst v63  }
0x189: {  	s0 =	simm.s32 @!p0 $0x2400  }
0x18a: {  	[tilespmem:s0], [sflag:$0x1] =	stream.indirect_vreg.gather @!p0 [hbm4b:s7+s29], $0x80, v10, vm1, $0xb8;
	[tilespmem:$0x18C00] =	vst v63  }
0x18b: {  	s0 =	simm.s32 @!p0 $0x2C00  }
0x18c: {  	[tilespmem:s0], [sflag:$0x1] =	stream.indirect_vreg.gather @!p0 [hbm4b:s3+s29], $0x80, v6, vm1, $0xb8;
	[tilespmem:$0x18C00] =	vst v63  }
0x18d: {  	s0 =	simm.s32 @!p0 $0x3400  }
0x18e: {  	[tilespmem:s0], [sflag:$0x1] =	stream.indirect_vreg.gather @!p0 [hbm4b:s5+s29], $0x80, v6, vm1, $0xb8;
	[tilespmem:$0x18C00] =	vst v63  }
0x18f: {  	s0 =	simm.s32 @!p0 $0x3C00  }
0x190: {  	[tilespmem:s0], [sflag:$0x1] =	stream.indirect_vreg.gather @!p0 [hbm4b:s6+s29], $0x80, v6, vm1, $0xb8;
	[tilespmem:$0x18C00] =	vst v63  }
0x191: {  	s0 =	simm.s32 @!p0 $0x4400  }
0x192: {  	[tilespmem:s0], [sflag:$0x1] =	stream.indirect_vreg.gather @!p0 [hbm4b:s7+s29], $0x80, v6, vm1, $0xb8;
	[tilespmem:$0x18C00] =	vst v63  }
0x193: {  	_ =	swait.ge [sflag:s21], $0x4000  }
0x194: {  	[sflag:s21] =	ssyncset.done $0x0  }
0x195: {  	s0 =	sadd.s32 s28, s10;
	[sflag:s21] =	ssyncadd.s32 $0xFFFFC000  }
0x196: {  	[hbm4b:s0+s2] =	stream.linear.scatter [tilespmem:s25], [sflag:$0xA], $0x4000, $0x38;
	[tilespmem:$0x18C00] =	vst v63  }
0x197: {  	_ =	swait.ge [sflag:s22], $0x4000  }
0x198: {  	[sflag:s22] =	ssyncset.done $0x0  }
0x199: {  	[sflag:s22] =	ssyncadd.s32 $0xFFFFC000  }
0x19a: {  	v6 =	vld @!p0 [tilespmem:s26+$0x20];
	_ =	sdelay $0x4  }
0x19b: {  	v10 =	vshll.u32 @!p0 v6, $0x3  }
0x19c: {  	v6 =	vand.u32 @!p0 $0x7, v6;
	v10 =	vand.u32 @!p0 $0xFFFFFFC0, v10  }
0x19d: {  	v6 =	vor.u32 @!p0 v6, v10  }
0x19e: {  	v10 =	vperm.xlane @!p0 v6, v7;
	_ =	sdelay $0x1  }
0x19f: {  	v10 =	vadd.s32 @!p0 v9, v10;
	_ =	sdelay $0x3  }
0x1a0: {  	s0 =	simm.s32 @!p0 $0x4C00  }
0x1a1: {  	[tilespmem:s0], [sflag:$0x2] =	stream.indirect_vreg.gather @!p0 [hbm4b:s3+s29], $0x80, v10, vm1, $0xb8;
	[tilespmem:$0x18C00] =	vst v63  }
0x1a2: {  	v6 =	vperm.xlane @!p0 v6, v8;
	s0 =	simm.s32 @!p0 $0x5400  }
0x1a3: {  	[tilespmem:s0], [sflag:$0x2] =	stream.indirect_vreg.gather @!p0 [hbm4b:s5+s29], $0x80, v10, vm1, $0xb8;
	[tilespmem:$0x18C00] =	vst v63  }
0x1a4: {  	v6 =	vadd.s32 @!p0 v9, v6;
	s0 =	simm.s32 @!p0 $0x5C00  }
0x1a5: {  	[tilespmem:s0], [sflag:$0x2] =	stream.indirect_vreg.gather @!p0 [hbm4b:s6+s29], $0x80, v10, vm1, $0xb8;
	[tilespmem:$0x18C00] =	vst v63  }
0x1a6: {  	s0 =	simm.s32 @!p0 $0x6400  }
0x1a7: {  	[tilespmem:s0], [sflag:$0x2] =	stream.indirect_vreg.gather @!p0 [hbm4b:s7+s29], $0x80, v10, vm1, $0xb8;
	[tilespmem:$0x18C00] =	vst v63  }
0x1a8: {  	s0 =	simm.s32 @!p0 $0x6C00  }
0x1a9: {  	[tilespmem:s0], [sflag:$0x2] =	stream.indirect_vreg.gather @!p0 [hbm4b:s3+s29], $0x80, v6, vm1, $0xb8;
	[tilespmem:$0x18C00] =	vst v63  }
0x1aa: {  	s0 =	simm.s32 @!p0 $0x7400  }
0x1ab: {  	[tilespmem:s0], [sflag:$0x2] =	stream.indirect_vreg.gather @!p0 [hbm4b:s5+s29], $0x80, v6, vm1, $0xb8;
	[tilespmem:$0x18C00] =	vst v63  }
0x1ac: {  	s0 =	simm.s32 @!p0 $0x7C00  }
0x1ad: {  	[tilespmem:s0], [sflag:$0x2] =	stream.indirect_vreg.gather @!p0 [hbm4b:s6+s29], $0x80, v6, vm1, $0xb8;
	[tilespmem:$0x18C00] =	vst v63  }
0x1ae: {  	s0 =	simm.s32 @!p0 $0x8400  }
0x1af: {  	[tilespmem:s0], [sflag:$0x2] =	stream.indirect_vreg.gather @!p0 [hbm4b:s7+s29], $0x80, v6, vm1, $0xb8;
	[tilespmem:$0x18C00] =	vst v63  }
0x1b0: {  	_ =	swait.ge [sflag:s23], $0x4000  }
0x1b1: {  	[sflag:s23] =	ssyncset.done $0x0  }
0x1b2: {  	s0 =	sadd.s32 s28, s9;
	[sflag:s23] =	ssyncadd.s32 $0xFFFFC000  }
0x1b3: {  	[hbm4b:s0+s2] =	stream.linear.scatter [tilespmem:s19], [sflag:$0xB], $0x4000, $0x38;
	[tilespmem:$0x18C00] =	vst v63  }
0x1b4: {  	_ =	swait.ge [sflag:s4], $0x4000  }
0x1b5: {  	[sflag:s4] =	ssyncset.done $0x0  }
0x1b6: {  	[sflag:s4] =	ssyncadd.s32 $0xFFFFC000  }
0x1b7: {  	v6 =	vld @!p0 [tilespmem:s26+$0x30];
	_ =	sdelay $0x4  }
0x1b8: {  	v10 =	vshll.u32 @!p0 v6, $0x3  }
0x1b9: {  	v6 =	vand.u32 @!p0 $0x7, v6;
	v10 =	vand.u32 @!p0 $0xFFFFFFC0, v10  }
0x1ba: {  	v6 =	vor.u32 @!p0 v6, v10  }
0x1bb: {  	v7 =	vperm.xlane @!p0 v6, v7;
	_ =	sdelay $0x1  }
0x1bc: {  	v7 =	vadd.s32 @!p0 v9, v7;
	_ =	sdelay $0x3  }
0x1bd: {  	s0 =	simm.s32 @!p0 $0x8C00  }
0x1be: {  	[tilespmem:s0], [sflag:$0x3] =	stream.indirect_vreg.gather @!p0 [hbm4b:s3+s29], $0x80, v7, vm1, $0xb8;
	[tilespmem:$0x18C00] =	vst v63  }
0x1bf: {  	v6 =	vperm.xlane @!p0 v6, v8;
	s0 =	simm.s32 @!p0 $0x9400  }
0x1c0: {  	[tilespmem:s0], [sflag:$0x3] =	stream.indirect_vreg.gather @!p0 [hbm4b:s5+s29], $0x80, v7, vm1, $0xb8;
	[tilespmem:$0x18C00] =	vst v63  }
0x1c1: {  	v6 =	vadd.s32 @!p0 v9, v6;
	s0 =	simm.s32 @!p0 $0x9C00  }
0x1c2: {  	[tilespmem:s0], [sflag:$0x3] =	stream.indirect_vreg.gather @!p0 [hbm4b:s6+s29], $0x80, v7, vm1, $0xb8;
	[tilespmem:$0x18C00] =	vst v63  }
0x1c3: {  	s0 =	simm.s32 @!p0 $0xA400  }
0x1c4: {  	[tilespmem:s0], [sflag:$0x3] =	stream.indirect_vreg.gather @!p0 [hbm4b:s7+s29], $0x80, v7, vm1, $0xb8;
	[tilespmem:$0x18C00] =	vst v63  }
0x1c5: {  	s0 =	simm.s32 @!p0 $0xAC00  }
0x1c6: {  	[tilespmem:s0], [sflag:$0x3] =	stream.indirect_vreg.gather @!p0 [hbm4b:s3+s29], $0x80, v6, vm1, $0xb8;
	[tilespmem:$0x18C00] =	vst v63  }
0x1c7: {  	s0 =	simm.s32 @!p0 $0xB400  }
0x1c8: {  	[tilespmem:s0], [sflag:$0x3] =	stream.indirect_vreg.gather @!p0 [hbm4b:s5+s29], $0x80, v6, vm1, $0xb8;
	[tilespmem:$0x18C00] =	vst v63  }
0x1c9: {  	s0 =	simm.s32 @!p0 $0xBC00  }
0x1ca: {  	[tilespmem:s0], [sflag:$0x3] =	stream.indirect_vreg.gather @!p0 [hbm4b:s6+s29], $0x80, v6, vm1, $0xb8;
	[tilespmem:$0x18C00] =	vst v63  }
0x1cb: {  	s0 =	simm.s32 @!p0 $0xC400  }
0x1cc: {  	[tilespmem:s0], [sflag:$0x3] =	stream.indirect_vreg.gather @!p0 [hbm4b:s7+s29], $0x80, v6, vm1, $0xb8;
	[tilespmem:$0x18C00] =	vst v63  }
0x1cd: {  	_ =	swait.ge [sflag:s8], $0x4000  }
0x1ce: {  	[sflag:s8] =	ssyncset.done $0x0  }
.Ltmp2:
0x1cf: {  	s29 =	sadd.s32 s28, s14;
	[sflag:s8] =	ssyncadd.s32 $0xFFFFC000;
	(pc) =	sbr.rel @p0 .LBB2_4-.Ltmp2, $4  }
0x1d0: {  	[hbm4b:s29+s2] =	stream.linear.scatter [tilespmem:s24], [sflag:$0xC], $0x4000, $0x38;
	[tilespmem:$0x18C00] =	vst v63  }
0x1d1: {  	_ =	swait.ge [sflag:s15], $0x4000  }
0x1d2: {  	[sflag:s15] =	ssyncset.done $0x0  }
0x1d3: {  	[sflag:s15] =	ssyncadd.s32 $0xFFFFC000  }
0x1d4: {  	v6 =	vld [tilespmem:s26+$0x40];
	_ =	sdelay $0x4  }
0x1d5: {  	v7 =	vshll.u32 v6, $0x3  }
0x1d6: {  	v6 =	vand.u32 $0x7, v6;
	v7 =	vand.u32 $0xFFFFFFC0, v7  }
0x1d7: {  	v6 =	vor.u32 v6, v7  }
0x1d8: {  	v7 =	vperm.xlane v6, v3;
	_ =	sdelay $0x1  }
0x1d9: {  	v7 =	vadd.s32 v4, v7;
	_ =	sdelay $0x4  }
0x1da: {  	[tilespmem:s25], [sflag:$0x4] =	stream.indirect_vreg.gather [hbm4b:s3+s2], $0x80, v7, vm0, $0xb8;
	[tilespmem:$0x18C00] =	vst v63  }
0x1db: {  	s0 =	simm.s32 $0xD400;
	v6 =	vperm.xlane v6, v5  }
0x1dc: {  	[tilespmem:s0], [sflag:$0x4] =	stream.indirect_vreg.gather [hbm4b:s5+s2], $0x80, v7, vm0, $0xb8;
	[tilespmem:$0x18C00] =	vst v63  }
0x1dd: {  	s29 =	simm.s32 $0xDC00;
	v6 =	vadd.s32 v4, v6  }
0x1de: {  	[tilespmem:s29], [sflag:$0x4] =	stream.indirect_vreg.gather [hbm4b:s6+s2], $0x80, v7, vm0, $0xb8;
	[tilespmem:$0x18C00] =	vst v63  }
0x1df: {  	s29 =	simm.s32 $0xE400  }
0x1e0: {  	[tilespmem:s29], [sflag:$0x4] =	stream.indirect_vreg.gather [hbm4b:s7+s2], $0x80, v7, vm0, $0xb8;
	[tilespmem:$0x18C00] =	vst v63  }
0x1e1: {  	s29 =	simm.s32 $0xEC00  }
0x1e2: {  	[tilespmem:s29], [sflag:$0x4] =	stream.indirect_vreg.gather [hbm4b:s3+s2], $0x80, v6, vm0, $0xb8;
	[tilespmem:$0x18C00] =	vst v63  }
0x1e3: {  	s29 =	simm.s32 $0xF400  }
0x1e4: {  	[tilespmem:s29], [sflag:$0x4] =	stream.indirect_vreg.gather [hbm4b:s5+s2], $0x80, v6, vm0, $0xb8;
	[tilespmem:$0x18C00] =	vst v63  }
.Ltmp3:
0x1e5: {  	_ = 	snop;
	(pc) =	sbr.rel .LBB2_2-.Ltmp3, $4  }
0x1e6: {  	s29 =	simm.s32 $0xFC00  }
0x1e7: {  	[tilespmem:s29], [sflag:$0x4] =	stream.indirect_vreg.gather [hbm4b:s6+s2], $0x80, v6, vm0, $0xb8;
	[tilespmem:$0x18C00] =	vst v63  }
0x1e8: {  	s28 =	sadd.s32 $0x3000, s28;
	s26 =	sadd.s32 $0x60, s26;
	s29 =	simm.s32 $0x10400  }
0x1e9: {  	[tilespmem:s29], [sflag:$0x4] =	stream.indirect_vreg.gather [hbm4b:s7+s2], $0x80, v6, vm0, $0xb8;
	[tilespmem:$0x18C00] =	vst v63  }
.LBB2_5:
0x1ea: {  	_ =	sfence.sel $0x180000  }
0x1eb: {  	[bflag:$0x0] =	sbarrier.arrive $0xFFFF  }
0x1ec: {  	_ =	strace $0x90000047  }
0x1ed: {  	s0 =	stileid.u32;
	[bflag:$0x2] =	sbarrier.arrive $0xFFFF  }
0x1ee: {  	p0 =	sne.s32 s0, $0x0;
	s0 =	rddreg [dreg:$0x2]  }
0x1ef: {  	s0 =	sadd.s32 @!p0 $0x100000, s0  }
0x1f0: {  	[sflag:s0] =	ssyncadd.tile.s32 @!p0 $0x1;
	_ =	shalt  }
.Lfunc_end2:
_tile_overlayer_lowered:
.L_overlay_start_2:
0x1f1: {  	(tag) =	ssettag $0x2  }
0x1f2: {  	s0 =	rddreg [dreg:$0x0];
	s2 =	stileid.u32  }
0x1f3: {  	s1 =	rddreg [dreg:$0x1];
	p0 =	sne.s32 s2, $0x0  }
0x1f4: {  	s3 =	rddreg [dreg:$0x2];
	[bflag:$0x3] =	sbarrier.arrive $0xFFFF;
	s2 =	simm.s32 @!p0 $0x1C0D  }
0x1f5: {  	[timem:s3], [sflag:s2] =	dma.local @!p0 [hbm:s0], s1  }
0x1f6: {  	s0 =	simm.s32 @!p0 $0xD  }
0x1f7: {  	_ =	swait.ge @!p0 [sflag:s0], s1  }
0x1f8: {  	s1 =	ssub.s32 @!p0 $0x0, s1;
	[sflag:s0] =	ssyncset.done @!p0 $0x0  }
0x1f9: {  	[sflag:s0] =	ssyncadd.s32 @!p0 s1  }
0x1fa: {  	[bflag:$0x3] =	sbarrier.arrive $0xFFFF  }
0x1fb: {  	_ =	shalt  }

</sc_bundles>
